<compile_context>
chip_gen: v7x
topology: tpu7x:2x2x1
jax: 0.10.2.dev20260603
libtpu: 0.0.44.dev20260713+nightly
codegen_flags: <defaults>
</compile_context>

<pallas_src>
import functools

import jax
import jax.numpy as jnp
from jax import lax
from jax.experimental import pallas as pl
from jax.experimental.pallas import tpu as pltpu
from jax.experimental.pallas import tpu_sc as plsc

N = 10000
D = 128
G = 64

NC = 2
NS = 16
L = 16
NW = NC * NS

CHUNK = 128
N_PAD = 10240
RPS = N_PAD // NS

_mesh = plsc.VectorSubcoreMesh(core_axis_name="c", subcore_axis_name="s")
_SC_PARAMS = pltpu.CompilerParams(needs_layout_passes=False)


def _make_deg_kernel(nck):
    @functools.partial(
        pl.kernel,
        out_type=jax.ShapeDtypeStruct((NC * N_PAD,), jnp.float32),
        mesh=_mesh,
        compiler_params=_SC_PARAMS,
        scratch_types=[
            pltpu.VMEM_SHARED((N_PAD,), jnp.float32),
            pltpu.VMEM((nck, CHUNK), jnp.int32),
            pltpu.VMEM((CHUNK,), jnp.float32),
            pltpu.SemaphoreType.DMA,
        ],
    )
    def deg_kernel(dst_hbm, z1_hbm, out_hbm, deg_sh, dsts_v, ones_v, sem):
        c = lax.axis_index("c")
        s = lax.axis_index("s")
        wid = s * NC + c
        r0 = s * RPS
        pltpu.sync_copy(z1_hbm.at[pl.ds(r0, RPS)], deg_sh.at[pl.ds(r0, RPS)])
        pltpu.sync_copy(dst_hbm.at[wid], dsts_v)
        for i in range(CHUNK // L):
            ones_v[pl.ds(i * L, L)] = jnp.ones((L,), jnp.float32)
        plsc.subcore_barrier()

        def body(k, carry):
            @pl.when(k >= 2)
            def _():
                pltpu.make_async_copy(
                    ones_v, deg_sh.at[dsts_v.at[0]], sem).wait()
            pltpu.async_copy(ones_v, deg_sh.at[dsts_v.at[k]], sem, add=True)
            return carry

        lax.fori_loop(0, nck, body, 0)
        pltpu.make_async_copy(ones_v, deg_sh.at[dsts_v.at[0]], sem).wait()
        pltpu.make_async_copy(ones_v, deg_sh.at[dsts_v.at[0]], sem).wait()
        plsc.subcore_barrier()
        pltpu.sync_copy(deg_sh.at[pl.ds(r0, RPS)],
                        out_hbm.at[pl.ds(c * N_PAD + r0, RPS)])

    return deg_kernel


def _make_gcn_kernel(nck):
    @functools.partial(
        pl.kernel,
        out_type=jax.ShapeDtypeStruct((NC, N_PAD, D), jnp.float32),
        mesh=_mesh,
        compiler_params=_SC_PARAMS,
        scratch_types=[
            pltpu.VMEM_SHARED((N_PAD, D), jnp.float32),
            pltpu.VMEM((CHUNK,), jnp.int32),
            pltpu.VMEM((CHUNK,), jnp.int32),
            pltpu.VMEM((CHUNK, D), jnp.float32),
            pltpu.SemaphoreType.DMA,
        ],
    )
    def gcn_kernel(hs_hbm, src_hbm, dst_hbm, z2_hbm, out_hbm,
                   acc_sh, src_v, dst_v, rows_v, sem):
        c = lax.axis_index("c")
        s = lax.axis_index("s")
        wid = s * NC + c
        base = wid * (nck * CHUNK)
        r0 = s * RPS
        pltpu.sync_copy(z2_hbm.at[pl.ds(r0, RPS)], acc_sh.at[pl.ds(r0, RPS)])
        plsc.subcore_barrier()

        def body(k, carry):
            off = base + k * CHUNK
            pltpu.sync_copy(src_hbm.at[pl.ds(off, CHUNK)], src_v)
            pltpu.sync_copy(dst_hbm.at[pl.ds(off, CHUNK)], dst_v)
            pltpu.async_copy(hs_hbm.at[src_v], rows_v, sem).wait()
            pltpu.sync_copy(rows_v, acc_sh.at[dst_v], add=True)
            return carry

        lax.fori_loop(0, nck, body, 0)
        plsc.subcore_barrier()
        pltpu.sync_copy(acc_sh.at[pl.ds(r0, RPS)],
                        out_hbm.at[c, pl.ds(r0, RPS)])

    return gcn_kernel


def _make_score_kernel(nck):
    @functools.partial(
        pl.kernel,
        out_type=jax.ShapeDtypeStruct((NW, nck, CHUNK), jnp.float32),
        mesh=_mesh,
        compiler_params=_SC_PARAMS,
        scratch_types=[
            pltpu.VMEM((N_PAD,), jnp.float32),
            pltpu.VMEM((N_PAD,), jnp.float32),
            pltpu.VMEM((nck, CHUNK), jnp.int32),
            pltpu.VMEM((nck, CHUNK), jnp.int32),
            pltpu.VMEM((nck, CHUNK), jnp.float32),
        ],
    )
    def score_kernel(ssrc_hbm, sdst_hbm, src_hbm, dst_hbm, e_hbm,
                     ssrc_v, sdst_v, srcs_v, dsts_v, e_v):
        c = lax.axis_index("c")
        s = lax.axis_index("s")
        wid = s * NC + c
        pltpu.sync_copy(ssrc_hbm, ssrc_v)
        pltpu.sync_copy(sdst_hbm, sdst_v)
        pltpu.sync_copy(src_hbm.at[wid], srcs_v)
        pltpu.sync_copy(dst_hbm.at[wid], dsts_v)

        def body(k, carry):
            for i in range(CHUNK // L):
                sl = pl.ds(i * L, L)
                si = srcs_v[k, sl]
                di = dsts_v[k, sl]
                e = plsc.load_gather(ssrc_v, [si]) + plsc.load_gather(
                    sdst_v, [di])
                e_v[k, sl] = jnp.maximum(e, 0.2 * e)
            return carry

        lax.fori_loop(0, nck, body, 0)
        pltpu.sync_copy(e_v, e_hbm.at[wid])

    return score_kernel


def _exp_body(e_ref, w_ref):
    w_ref[...] = jnp.exp(e_ref[...])


def _tc_exp(e2d):
    rows = e2d.shape[0]
    blk = rows // 2
    return pl.pallas_call(
        _exp_body,
        grid=(2,),
        in_specs=[pl.BlockSpec((blk, CHUNK), lambda i: (i, 0))],
        out_specs=pl.BlockSpec((blk, CHUNK), lambda i: (i, 0)),
        out_shape=jax.ShapeDtypeStruct((rows, CHUNK), jnp.float32),
    )(e2d)


def _make_gat_kernel(nck):
    @functools.partial(
        pl.kernel,
        out_type=[
            jax.ShapeDtypeStruct((NC, N_PAD, D), jnp.float32),
            jax.ShapeDtypeStruct((NC * N_PAD,), jnp.float32),
        ],
        mesh=_mesh,
        compiler_params=_SC_PARAMS,
        scratch_types=[
            pltpu.VMEM_SHARED((N_PAD, D), jnp.float32),
            pltpu.VMEM_SHARED((N_PAD,), jnp.float32),
            pltpu.VMEM((CHUNK,), jnp.int32),
            pltpu.VMEM((CHUNK,), jnp.int32),
            pltpu.VMEM((CHUNK,), jnp.float32),
            pltpu.VMEM((CHUNK, D), jnp.float32),
            pltpu.SemaphoreType.DMA,
        ],
    )
    def gat_kernel(h2_hbm, w_hbm, src_hbm, dst_hbm, z2_hbm,
                   z1_hbm, num_hbm, den_hbm,
                   num_sh, den_sh, src_v, dst_v, w_v,
                   rows_v, sem):
        c = lax.axis_index("c")
        s = lax.axis_index("s")
        wid = s * NC + c
        base = wid * (nck * CHUNK)
        r0 = s * RPS
        pltpu.sync_copy(z2_hbm.at[pl.ds(r0, RPS)], num_sh.at[pl.ds(r0, RPS)])
        pltpu.sync_copy(z1_hbm.at[pl.ds(r0, RPS)], den_sh.at[pl.ds(r0, RPS)])
        plsc.subcore_barrier()

        def body(k, carry):
            off = base + k * CHUNK
            pltpu.sync_copy(src_hbm.at[pl.ds(off, CHUNK)], src_v)
            pltpu.sync_copy(dst_hbm.at[pl.ds(off, CHUNK)], dst_v)
            pltpu.async_copy(h2_hbm.at[src_v], rows_v, sem)
            pltpu.sync_copy(w_hbm.at[pl.ds(off, CHUNK)], w_v)
            pltpu.sync_copy(w_v, den_sh.at[dst_v], add=True)
            pltpu.make_async_copy(h2_hbm.at[src_v], rows_v, sem).wait()

            def srow(t, carry2):
                for u in range(4):
                    i = t * 4 + u
                    wi = plsc.load_gather(w_v, [jnp.full((L,), i, jnp.int32)])
                    for j in range(D // L):
                        sl2 = pl.ds(j * L, L)
                        rows_v[i, sl2] = rows_v[i, sl2] * wi
                return carry2

            lax.fori_loop(0, CHUNK // 4, srow, 0)
            pltpu.sync_copy(rows_v, num_sh.at[dst_v], add=True)
            return carry

        lax.fori_loop(0, nck, body, 0)
        plsc.subcore_barrier()
        pltpu.sync_copy(num_sh.at[pl.ds(r0, RPS)],
                        num_hbm.at[c, pl.ds(r0, RPS)])
        pltpu.sync_copy(den_sh.at[pl.ds(r0, RPS)],
                        den_hbm.at[pl.ds(c * N_PAD + r0, RPS)])

    return gat_kernel


_BLK = 1000


def _tc1_body(x_ref, w_ref, degT_ref, hs_ref):
    deg = degT_ref[:, 0:1] + degT_ref[:, 1:2]
    dinv = jnp.where(deg > 0, lax.rsqrt(jnp.maximum(deg, 1e-12)), 0.0)
    h = jnp.dot(x_ref[...], w_ref[...], preferred_element_type=jnp.float32)
    hs_ref[...] = h * dinv


def _tc1(x, w_gcn, degT):
    return pl.pallas_call(
        _tc1_body,
        grid=(N // _BLK,),
        in_specs=[
            pl.BlockSpec((_BLK, D), lambda i: (i, 0)),
            pl.BlockSpec((D, D), lambda i: (0, 0)),
            pl.BlockSpec((_BLK, 2), lambda i: (i, 0)),
        ],
        out_specs=pl.BlockSpec((_BLK, D), lambda i: (i, 0)),
        out_shape=jax.ShapeDtypeStruct((N, D), jnp.float32),
    )(x, w_gcn, degT)


def _tc2_body(accp_ref, degT_ref, bg_ref, wgat_ref, a2_ref,
              h2_ref, ss_ref, sd_ref):
    deg = degT_ref[:, 0:1] + degT_ref[:, 1:2]
    dinv = jnp.where(deg > 0, lax.rsqrt(jnp.maximum(deg, 1e-12)), 0.0)
    y = (accp_ref[0] + accp_ref[1]) * dinv + bg_ref[...]
    h = jnp.maximum(y, 0.01 * y)
    h2 = jnp.dot(h, wgat_ref[...], preferred_element_type=jnp.float32)
    h2_ref[...] = h2
    s2 = jnp.dot(h2, a2_ref[...], preferred_element_type=jnp.float32)
    ss_ref[...] = s2[:, 0:1]
    sd_ref[...] = s2[:, 1:2]


def _tc2(accp, degT, b_gcn, w_gat, a2):
    blk = 2048
    return pl.pallas_call(
        _tc2_body,
        grid=(N_PAD // blk,),
        in_specs=[
            pl.BlockSpec((2, blk, D), lambda i: (0, i, 0)),
            pl.BlockSpec((blk, 2), lambda i: (i, 0)),
            pl.BlockSpec((1, D), lambda i: (0, 0)),
            pl.BlockSpec((D, D), lambda i: (0, 0)),
            pl.BlockSpec((D, 2), lambda i: (0, 0)),
        ],
        out_specs=[
            pl.BlockSpec((blk, D), lambda i: (i, 0)),
            pl.BlockSpec((blk, 1), lambda i: (i, 0)),
            pl.BlockSpec((blk, 1), lambda i: (i, 0)),
        ],
        out_shape=[
            jax.ShapeDtypeStruct((N_PAD, D), jnp.float32),
            jax.ShapeDtypeStruct((N_PAD, 1), jnp.float32),
            jax.ShapeDtypeStruct((N_PAD, 1), jnp.float32),
        ],
    )(accp, degT, b_gcn, w_gat, a2)


def _tc3_body(nump_ref, denT_ref, bg_ref, batch_ref, wlin_ref, blin_ref,
              out_ref, sums_ref, cnts_ref):
    i = pl.program_id(0)

    @pl.when(i == 0)
    def _():
        sums_ref[...] = jnp.zeros_like(sums_ref)
        cnts_ref[...] = jnp.zeros_like(cnts_ref)

    den = denT_ref[:, 0:1] + denT_ref[:, 1:2]
    y = (nump_ref[0] + nump_ref[1]) / jnp.maximum(den, 1e-16) + bg_ref[...]
    h3 = jnp.maximum(y, 0.01 * y)
    b = batch_ref[0]
    gids = lax.broadcasted_iota(jnp.int32, (G, _BLK), 0)
    onehot = (gids == b).astype(jnp.float32)
    sums_ref[...] += jnp.dot(onehot, h3, preferred_element_type=jnp.float32)
    cnts_ref[...] += jnp.sum(onehot, axis=1, keepdims=True)

    @pl.when(i == pl.num_programs(0) - 1)
    def _():
        pooled = sums_ref[...] / jnp.maximum(cnts_ref[...], 1.0)
        out_ref[...] = (
            jnp.dot(pooled, wlin_ref[...], preferred_element_type=jnp.float32)
            + blin_ref[...]
        )


def _tc3(nump, denT, b_gat, batch2d, w_lin, b_lin):
    return pl.pallas_call(
        _tc3_body,
        grid=(N // _BLK,),
        in_specs=[
            pl.BlockSpec((2, _BLK, D), lambda i: (0, i, 0)),
            pl.BlockSpec((_BLK, 2), lambda i: (i, 0)),
            pl.BlockSpec((1, D), lambda i: (0, 0)),
            pl.BlockSpec((1, 1, _BLK), lambda i: (i, 0, 0)),
            pl.BlockSpec((D, 1), lambda i: (0, 0)),
            pl.BlockSpec((1, 1), lambda i: (0, 0)),
        ],
        out_specs=pl.BlockSpec((G, 1), lambda i: (0, 0)),
        out_shape=jax.ShapeDtypeStruct((G, 1), jnp.float32),
        scratch_shapes=[
            pltpu.VMEM((G, D), jnp.float32),
            pltpu.VMEM((G, 1), jnp.float32),
        ],
    )(nump, denT, b_gat, batch2d, w_lin, b_lin)


@jax.jit
def kernel(x, edge_index, batch, W_gcn, b_gcn, W_gat, a_src, a_dst, b_gat,
           W_lin, b_lin):
    E = edge_index.shape[1]
    etot = E + N
    nck = -(-etot // (NW * CHUNK))
    e_pad = nck * CHUNK * NW
    ar = jnp.arange(N, dtype=jnp.int32)
    src = jnp.concatenate(
        [edge_index[0], ar, jnp.zeros((e_pad - etot,), jnp.int32)])
    dst = jnp.concatenate(
        [edge_index[1], ar, jnp.full((e_pad - etot,), N, jnp.int32)])
    src3 = src.reshape(NW, nck, CHUNK)
    dst3 = dst.reshape(NW, nck, CHUNK)

    z1 = jnp.zeros((N_PAD,), jnp.float32)
    z2 = jnp.zeros((N_PAD, D), jnp.float32)

    degp = _make_deg_kernel(nck)(dst3, z1).reshape(NC, N_PAD)
    degT = degp.T

    hs = _tc1(x, W_gcn, degT)

    accp = _make_gcn_kernel(nck)(hs, src, dst, z2)

    a2 = jnp.stack([a_src, a_dst], axis=1)
    h2, ss2, sd2 = _tc2(accp, degT, b_gcn.reshape(1, D), W_gat, a2)

    e3 = _make_score_kernel(nck)(
        ss2.reshape(N_PAD), sd2.reshape(N_PAD), src3, dst3)
    w = _tc_exp(e3.reshape(e_pad // CHUNK, CHUNK)).reshape(e_pad)

    nump, denp = _make_gat_kernel(nck)(h2, w, src, dst, z2, z1)

    denp = denp.reshape(NC, N_PAD)
    out = _tc3(nump, denp.T, b_gat.reshape(1, D),
               batch.reshape(N // _BLK, 1, _BLK),
               W_lin, b_lin.reshape(1, 1))
    return out

# --- scband reference (transcript-rebuilt; emitter-appended) ---
"""Pipeline reference for scband-simple-gnn-57380763074892 (READ-ONLY COPY).

The authoritative reference and input builder live on the scoring server;
editing this copy changes nothing except your own understanding.
"""

import jax, jax.numpy as jnp
import numpy as np

N = 10000
E = 320000
D = 128
H1 = 128
H2 = 128
G = 64


def setup_inputs(seed: int = 0) -> dict:
    key = jax.random.key(seed)
    ks = jax.random.split(key, 10)
    x = jax.random.normal(ks[0], (N, D), dtype=jnp.float32)
    edge_index = jax.random.randint(ks[1], (2, E), 0, N, dtype=jnp.int32)
    batch = jnp.sort(jax.random.randint(ks[2], (N,), 0, G, dtype=jnp.int32))
    W_gcn = jax.random.normal(ks[3], (D, H1), dtype=jnp.float32) * (1.0 / np.sqrt(D))
    b_gcn = jnp.zeros((H1,), dtype=jnp.float32)
    W_gat = jax.random.normal(ks[4], (H1, H2), dtype=jnp.float32) * (1.0 / np.sqrt(H1))
    a_src = jax.random.normal(ks[5], (H2,), dtype=jnp.float32) * 0.1
    a_dst = jax.random.normal(ks[6], (H2,), dtype=jnp.float32) * 0.1
    b_gat = jnp.zeros((H2,), dtype=jnp.float32)
    W_lin = jax.random.normal(ks[7], (H2, 1), dtype=jnp.float32) * (1.0 / np.sqrt(H2))
    b_lin = jnp.zeros((1,), dtype=jnp.float32)
    return {"x": x, "edge_index": edge_index, "batch": batch,
            "W_gcn": W_gcn, "b_gcn": b_gcn,
            "W_gat": W_gat, "a_src": a_src, "a_dst": a_dst, "b_gat": b_gat,
            "W_lin": W_lin, "b_lin": b_lin}


def _add_self_loops(edge_index):
    ar = jnp.arange(N, dtype=edge_index.dtype)
    loops = jnp.stack([ar, ar])
    return jnp.concatenate([edge_index, loops], axis=1)


def _gcn_conv(x, ei, W, b):
    src, dst = ei[0], ei[1]
    h = x @ W
    deg = jax.ops.segment_sum(jnp.ones(src.shape[0], dtype=h.dtype), dst, num_segments=N)
    dinv = jnp.where(deg > 0, jax.lax.rsqrt(jnp.maximum(deg, 1e-12)), 0.0)
    norm = dinv[src] * dinv[dst]
    out = jax.ops.segment_sum(h[src] * norm[:, None], dst, num_segments=N)
    return out + b


def _gat_conv(x, ei, W, a_src, a_dst, b):
    src, dst = ei[0], ei[1]
    h = x @ W
    s_src = h @ a_src
    s_dst = h @ a_dst
    e = jax.nn.leaky_relu(s_src[src] + s_dst[dst], negative_slope=0.2)
    m = jax.ops.segment_max(e, dst, num_segments=N)
    m = jnp.where(jnp.isfinite(m), m, 0.0)
    ex = jnp.exp(e - m[dst])
    denom = jax.ops.segment_sum(ex, dst, num_segments=N)
    alpha = ex / jnp.maximum(denom[dst], 1e-16)
    out = jax.ops.segment_sum(h[src] * alpha[:, None], dst, num_segments=N)
    return out + b


def _global_mean_pool(x, batch):
    sums = jax.ops.segment_sum(x, batch, num_segments=G)
    counts = jax.ops.segment_sum(jnp.ones((x.shape[0],), dtype=x.dtype), batch, num_segments=G)
    return sums / jnp.maximum(counts, 1.0)[:, None]


def reference(x, edge_index, batch, W_gcn, b_gcn, W_gat, a_src, a_dst, b_gat, W_lin, b_lin):
    ei = _add_self_loops(edge_index)
    h = _gcn_conv(x, ei, W_gcn, b_gcn)
    h = jax.nn.leaky_relu(h, negative_slope=0.01)
    # dropout is identity in eval mode
    h = _gat_conv(h, ei, W_gat, a_src, a_dst, b_gat)
    h = jax.nn.leaky_relu(h, negative_slope=0.01)
    g = _global_mean_pool(h, batch)
    return g @ W_lin + b_lin

if __name__ == "__main__":
    import jax
    _d = setup_inputs()
    print(jax.jit(kernel)(*tuple(_d.values())))

</pallas_src>

<mosaic_0001>
#map = affine_map<(d0, d1) -> (0, 0, 0)>
#map1 = affine_map<(d0, d1) -> (0)>
module attributes {stable_mosaic.version = 14 : i64} {
  func.func @deg_kernel(%arg0: i32, %arg1: i32, %arg2: memref<32x81x128xi32, #tpu.memory_space<hbm>>, %arg3: memref<10240xf32, #tpu.memory_space<hbm>>, %arg4: memref<20480xf32, #tpu.memory_space<hbm>>, %arg5: memref<10240xf32, #tpu.memory_space<vmem_shared>>, %arg6: memref<81x128xi32, #tpu.memory_space<vmem>>, %arg7: memref<128xf32, #tpu.memory_space<vmem>>, %arg8: memref<!tpu.dma_semaphore, #tpu.memory_space<semaphore_mem>>) attributes {dimension_semantics = [#tpu.dimension_semantics<core_parallel>, #tpu.dimension_semantics<subcore_parallel>], iteration_bounds = array<i64: 2, 16>, scalar_prefetch = 0 : i64, scratch_operands = 4 : i64, tpu.core_type = #tpu.core_type<sc_vector_subcore>, window_params = [{transform_indices = #map}, {transform_indices = #map1}, {transform_indices = #map1}]} {
    %mul3A = arith.constant 2 : i32
    %mul3A_0 = arith.muli %arg1, %mul3A : i32
    %add3A = arith.addi %mul3A_0, %arg0 : i32
    %mul3A_1 = arith.constant 640 : i32
    %mul3A_2 = arith.muli %arg1, %mul3A_1 : i32
    "tpu.region"() ({
      %run_scoped3A = tpu.sem_alloc : memref<!tpu.dma_semaphore, #tpu.memory_space<semaphore_mem>>
      %dma_start3A = tpu.memref_slice %arg5[%mul3A_2] : memref<10240xf32, #tpu.memory_space<vmem_shared>> -> memref<640xf32, #tpu.memory_space<vmem_shared>>
      %dma_start3A_53 = tpu.memref_slice %arg3[%mul3A_2] : memref<10240xf32, #tpu.memory_space<hbm>> -> memref<640xf32, #tpu.memory_space<hbm>>
      tpu.enqueue_dma source(%dma_start3A_53 : memref<640xf32, #tpu.memory_space<hbm>>) target(%dma_start3A : memref<640xf32, #tpu.memory_space<vmem_shared>>) target_semaphore(%run_scoped3A : memref<!tpu.dma_semaphore, #tpu.memory_space<semaphore_mem>>)
      %dma_wait3A_54 = tpu.memref_slice %arg5[%mul3A_2] : memref<10240xf32, #tpu.memory_space<vmem_shared>> -> memref<640xf32, #tpu.memory_space<vmem_shared>>
      %dma_wait3A_55 = tpu.memref_slice %arg3[%mul3A_2] : memref<10240xf32, #tpu.memory_space<hbm>> -> memref<640xf32, #tpu.memory_space<hbm>>
      tpu.wait_dma2 semaphore(%run_scoped3A : memref<!tpu.dma_semaphore, #tpu.memory_space<semaphore_mem>>) src(%dma_wait3A_55 : memref<640xf32, #tpu.memory_space<hbm>>) dst(%dma_wait3A_54 : memref<640xf32, #tpu.memory_space<vmem_shared>>)
      tpu.yield
    }) : () -> ()
    "tpu.region"() ({
      %run_scoped3A = tpu.sem_alloc : memref<!tpu.dma_semaphore, #tpu.memory_space<semaphore_mem>>
      %dma_start3A = arith.constant 0 : i32
      %dma_start3A_53 = arith.constant 0 : i32
      %dma_start3A_54 = tpu.memref_slice %arg2[%add3A, %dma_start3A, %dma_start3A_53] : memref<32x81x128xi32, #tpu.memory_space<hbm>> -> memref<1x81x128xi32, #tpu.memory_space<hbm>>
      %dma_start3A_55 = tpu.memref_squeeze %dma_start3A_54 : memref<1x81x128xi32, #tpu.memory_space<hbm>> -> memref<81x128xi32, #tpu.memory_space<hbm>>
      %dma_start3A_56 = arith.constant 0 : i32
      %dma_start3A_57 = arith.constant 0 : i32
      %dma_start3A_58 = tpu.memref_slice %arg2[%add3A, %dma_start3A_56, %dma_start3A_57] : memref<32x81x128xi32, #tpu.memory_space<hbm>> -> memref<1x81x128xi32, #tpu.memory_space<hbm>>
      %dma_start3A_59 = tpu.memref_squeeze %dma_start3A_58 : memref<1x81x128xi32, #tpu.memory_space<hbm>> -> memref<81x128xi32, #tpu.memory_space<hbm>>
      tpu.enqueue_dma source(%dma_start3A_59 : memref<81x128xi32, #tpu.memory_space<hbm>>) target(%arg6 : memref<81x128xi32, #tpu.memory_space<vmem>>) target_semaphore(%run_scoped3A : memref<!tpu.dma_semaphore, #tpu.memory_space<semaphore_mem>>)
      %dma_wait3A_60 = arith.constant 0 : i32
      %dma_wait3A_61 = arith.constant 0 : i32
      %dma_wait3A_62 = tpu.memref_slice %arg2[%add3A, %dma_wait3A_60, %dma_wait3A_61] : memref<32x81x128xi32, #tpu.memory_space<hbm>> -> memref<1x81x128xi32, #tpu.memory_space<hbm>>
      %dma_wait3A_63 = tpu.memref_squeeze %dma_wait3A_62 : memref<1x81x128xi32, #tpu.memory_space<hbm>> -> memref<81x128xi32, #tpu.memory_space<hbm>>
      %dma_wait3A_64 = arith.constant 0 : i32
      %dma_wait3A_65 = arith.constant 0 : i32
      %dma_wait3A_66 = tpu.memref_slice %arg2[%add3A, %dma_wait3A_64, %dma_wait3A_65] : memref<32x81x128xi32, #tpu.memory_space<hbm>> -> memref<1x81x128xi32, #tpu.memory_space<hbm>>
      %dma_wait3A_67 = tpu.memref_squeeze %dma_wait3A_66 : memref<1x81x128xi32, #tpu.memory_space<hbm>> -> memref<81x128xi32, #tpu.memory_space<hbm>>
      tpu.wait_dma2 semaphore(%run_scoped3A : memref<!tpu.dma_semaphore, #tpu.memory_space<semaphore_mem>>) src(%dma_wait3A_67 : memref<81x128xi32, #tpu.memory_space<hbm>>) dst(%arg6 : memref<81x128xi32, #tpu.memory_space<vmem>>)
      tpu.yield
    }) : () -> ()
    %broadcast_in_dim3A = arith.constant 1.000000e+00 : f32
    %broadcast_in_dim3A_3 = vector.broadcast %broadcast_in_dim3A : f32 to vector<16xf32>
    %swap3A = arith.constant 0 : index
    %swap3A_4 = tpu.vector_load %arg7[%swap3A] {strides = array<i32>} : memref<128xf32, #tpu.memory_space<vmem>>, vector<16xf32>,
    tpu.vector_store %arg7[%swap3A], %broadcast_in_dim3A_3 {strides = array<i32>} : memref<128xf32, #tpu.memory_space<vmem>>, vector<16xf32>,
    %broadcast_in_dim3A_5 = arith.constant 1.000000e+00 : f32
    %broadcast_in_dim3A_6 = vector.broadcast %broadcast_in_dim3A_5 : f32 to vector<16xf32>
    %swap3A_7 = arith.constant 16 : index
    %swap3A_8 = tpu.vector_load %arg7[%swap3A_7] {strides = array<i32>} : memref<128xf32, #tpu.memory_space<vmem>>, vector<16xf32>,
    tpu.vector_store %arg7[%swap3A_7], %broadcast_in_dim3A_6 {strides = array<i32>} : memref<128xf32, #tpu.memory_space<vmem>>, vector<16xf32>,
    %broadcast_in_dim3A_9 = arith.constant 1.000000e+00 : f32
    %broadcast_in_dim3A_10 = vector.broadcast %broadcast_in_dim3A_9 : f32 to vector<16xf32>
    %swap3A_11 = arith.constant 32 : index
    %swap3A_12 = tpu.vector_load %arg7[%swap3A_11] {strides = array<i32>} : memref<128xf32, #tpu.memory_space<vmem>>, vector<16xf32>,
    tpu.vector_store %arg7[%swap3A_11], %broadcast_in_dim3A_10 {strides = array<i32>} : memref<128xf32, #tpu.memory_space<vmem>>, vector<16xf32>,
    %broadcast_in_dim3A_13 = arith.constant 1.000000e+00 : f32
    %broadcast_in_dim3A_14 = vector.broadcast %broadcast_in_dim3A_13 : f32 to vector<16xf32>
    %swap3A_15 = arith.constant 48 : index
    %swap3A_16 = tpu.vector_load %arg7[%swap3A_15] {strides = array<i32>} : memref<128xf32, #tpu.memory_space<vmem>>, vector<16xf32>,
    tpu.vector_store %arg7[%swap3A_15], %broadcast_in_dim3A_14 {strides = array<i32>} : memref<128xf32, #tpu.memory_space<vmem>>, vector<16xf32>,
    %broadcast_in_dim3A_17 = arith.constant 1.000000e+00 : f32
    %broadcast_in_dim3A_18 = vector.broadcast %broadcast_in_dim3A_17 : f32 to vector<16xf32>
    %swap3A_19 = arith.constant 64 : index
    %swap3A_20 = tpu.vector_load %arg7[%swap3A_19] {strides = array<i32>} : memref<128xf32, #tpu.memory_space<vmem>>, vector<16xf32>,
    tpu.vector_store %arg7[%swap3A_19], %broadcast_in_dim3A_18 {strides = array<i32>} : memref<128xf32, #tpu.memory_space<vmem>>, vector<16xf32>,
    %broadcast_in_dim3A_21 = arith.constant 1.000000e+00 : f32
    %broadcast_in_dim3A_22 = vector.broadcast %broadcast_in_dim3A_21 : f32 to vector<16xf32>
    %swap3A_23 = arith.constant 80 : index
    %swap3A_24 = tpu.vector_load %arg7[%swap3A_23] {strides = array<i32>} : memref<128xf32, #tpu.memory_space<vmem>>, vector<16xf32>,
    tpu.vector_store %arg7[%swap3A_23], %broadcast_in_dim3A_22 {strides = array<i32>} : memref<128xf32, #tpu.memory_space<vmem>>, vector<16xf32>,
    %broadcast_in_dim3A_25 = arith.constant 1.000000e+00 : f32
    %broadcast_in_dim3A_26 = vector.broadcast %broadcast_in_dim3A_25 : f32 to vector<16xf32>
    %swap3A_27 = arith.constant 96 : index
    %swap3A_28 = tpu.vector_load %arg7[%swap3A_27] {strides = array<i32>} : memref<128xf32, #tpu.memory_space<vmem>>, vector<16xf32>,
    tpu.vector_store %arg7[%swap3A_27], %broadcast_in_dim3A_26 {strides = array<i32>} : memref<128xf32, #tpu.memory_space<vmem>>, vector<16xf32>,
    %broadcast_in_dim3A_29 = arith.constant 1.000000e+00 : f32
    %broadcast_in_dim3A_30 = vector.broadcast %broadcast_in_dim3A_29 : f32 to vector<16xf32>
    %swap3A_31 = arith.constant 112 : index
    %swap3A_32 = tpu.vector_load %arg7[%swap3A_31] {strides = array<i32>} : memref<128xf32, #tpu.memory_space<vmem>>, vector<16xf32>,
    tpu.vector_store %arg7[%swap3A_31], %broadcast_in_dim3A_30 {strides = array<i32>} : memref<128xf32, #tpu.memory_space<vmem>>, vector<16xf32>,
    %barrier3A = arith.constant 0 : index
    tpu.barrier barrier_id(%barrier3A)
    %scan3A = arith.constant 0 : i32
    %scan3A_33 = arith.constant 0 : i32
    %scan3A_34 = arith.constant 81 : i32
    %scan3A_35 = arith.addi %scan3A_33, %scan3A_34 : i32
    %scan3A_36 = arith.constant 1 : i32
    scf.for %scan3A_53 = %scan3A_33 to %scan3A_35 step %scan3A_36  : i32 {
      %ge3A = arith.constant 2 : i32
      %ge3A_54 = arith.cmpi sge, %scan3A_53, %ge3A : i32
      %convert_element_type3A = arith.extui %ge3A_54 : i1 to i32
      %cond3A = arith.constant 0 : i32
      %cond3A_55 = arith.cmpi ne, %convert_element_type3A, %cond3A : i32
      scf.if %cond3A_55 {
        %dma_wait3A_60 = arith.constant 0 : i32
        %dma_wait3A_61 = arith.constant 0 : i32
        %dma_wait3A_62 = tpu.memref_slice %arg6[%dma_wait3A_60, %dma_wait3A_61] : memref<81x128xi32, #tpu.memory_space<vmem>> -> memref<1x128xi32, #tpu.memory_space<vmem>>
        %dma_wait3A_63 = tpu.memref_squeeze %dma_wait3A_62 : memref<1x128xi32, #tpu.memory_space<vmem>> -> memref<128xi32, #tpu.memory_space<vmem>>
        %dma_wait3A_64 = arith.constant 0 : i32
        %dma_wait3A_65 = tpu.memref_slice %arg5[%dma_wait3A_64] : memref<10240xf32, #tpu.memory_space<vmem_shared>> -> memref<10240xf32, #tpu.memory_space<vmem_shared>>
        tpu.wait_indirect_dma semaphore(%arg8 : memref<!tpu.dma_semaphore, #tpu.memory_space<semaphore_mem>>) src(%arg7 : memref<128xf32, #tpu.memory_space<vmem>>) dst(%dma_wait3A_65 : memref<10240xf32, #tpu.memory_space<vmem_shared>>)
      } else {
      }
      %dma_start3A = arith.constant 0 : i32
      %dma_start3A_56 = tpu.memref_slice %arg6[%scan3A_53, %dma_start3A] : memref<81x128xi32, #tpu.memory_space<vmem>> -> memref<1x128xi32, #tpu.memory_space<vmem>>
      %dma_start3A_57 = tpu.memref_squeeze %dma_start3A_56 : memref<1x128xi32, #tpu.memory_space<vmem>> -> memref<128xi32, #tpu.memory_space<vmem>>
      %dma_start3A_58 = arith.constant 0 : i32
      %dma_start3A_59 = tpu.memref_slice %arg5[%dma_start3A_58] : memref<10240xf32, #tpu.memory_space<vmem_shared>> -> memref<10240xf32, #tpu.memory_space<vmem_shared>>
      tpu.enqueue_indirect_dma source(%arg7 : memref<128xf32, #tpu.memory_space<vmem>>) target(%dma_start3A_59 : memref<10240xf32, #tpu.memory_space<vmem_shared>>) offsets(%dma_start3A_57 : memref<128xi32, #tpu.memory_space<vmem>>) semaphore(%arg8 : memref<!tpu.dma_semaphore, #tpu.memory_space<semaphore_mem>>) {add = true}
    }
    %scan3A_37 = arith.constant 81 : i32
    %dma_wait3A = arith.constant 0 : i32
    %dma_wait3A_38 = arith.constant 0 : i32
    %dma_wait3A_39 = tpu.memref_slice %arg6[%dma_wait3A, %dma_wait3A_38] : memref<81x128xi32, #tpu.memory_space<vmem>> -> memref<1x128xi32, #tpu.memory_space<vmem>>
    %dma_wait3A_40 = tpu.memref_squeeze %dma_wait3A_39 : memref<1x128xi32, #tpu.memory_space<vmem>> -> memref<128xi32, #tpu.memory_space<vmem>>
    %dma_wait3A_41 = arith.constant 0 : i32
    %dma_wait3A_42 = tpu.memref_slice %arg5[%dma_wait3A_41] : memref<10240xf32, #tpu.memory_space<vmem_shared>> -> memref<10240xf32, #tpu.memory_space<vmem_shared>>
    tpu.wait_indirect_dma semaphore(%arg8 : memref<!tpu.dma_semaphore, #tpu.memory_space<semaphore_mem>>) src(%arg7 : memref<128xf32, #tpu.memory_space<vmem>>) dst(%dma_wait3A_42 : memref<10240xf32, #tpu.memory_space<vmem_shared>>)
    %dma_wait3A_43 = arith.constant 0 : i32
    %dma_wait3A_44 = arith.constant 0 : i32
    %dma_wait3A_45 = tpu.memref_slice %arg6[%dma_wait3A_43, %dma_wait3A_44] : memref<81x128xi32, #tpu.memory_space<vmem>> -> memref<1x128xi32, #tpu.memory_space<vmem>>
    %dma_wait3A_46 = tpu.memref_squeeze %dma_wait3A_45 : memref<1x128xi32, #tpu.memory_space<vmem>> -> memref<128xi32, #tpu.memory_space<vmem>>
    %dma_wait3A_47 = arith.constant 0 : i32
    %dma_wait3A_48 = tpu.memref_slice %arg5[%dma_wait3A_47] : memref<10240xf32, #tpu.memory_space<vmem_shared>> -> memref<10240xf32, #tpu.memory_space<vmem_shared>>
    tpu.wait_indirect_dma semaphore(%arg8 : memref<!tpu.dma_semaphore, #tpu.memory_space<semaphore_mem>>) src(%arg7 : memref<128xf32, #tpu.memory_space<vmem>>) dst(%dma_wait3A_48 : memref<10240xf32, #tpu.memory_space<vmem_shared>>)
    %barrier3A_49 = arith.constant 0 : index
    tpu.barrier barrier_id(%barrier3A_49)
    %mul3A_50 = arith.constant 10240 : i32
    %mul3A_51 = arith.muli %arg0, %mul3A_50 : i32
    %add3A_52 = arith.addi %mul3A_51, %mul3A_2 : i32
    "tpu.region"() ({
      %run_scoped3A = tpu.sem_alloc : memref<!tpu.dma_semaphore, #tpu.memory_space<semaphore_mem>>
      %dma_start3A = tpu.memref_slice %arg4[%add3A_52] : memref<20480xf32, #tpu.memory_space<hbm>> -> memref<640xf32, #tpu.memory_space<hbm>>
      %dma_start3A_53 = tpu.memref_slice %arg5[%mul3A_2] : memref<10240xf32, #tpu.memory_space<vmem_shared>> -> memref<640xf32, #tpu.memory_space<vmem_shared>>
      tpu.enqueue_dma source(%dma_start3A_53 : memref<640xf32, #tpu.memory_space<vmem_shared>>) target(%dma_start3A : memref<640xf32, #tpu.memory_space<hbm>>) target_semaphore(%run_scoped3A : memref<!tpu.dma_semaphore, #tpu.memory_space<semaphore_mem>>)
      %dma_wait3A_54 = tpu.memref_slice %arg4[%add3A_52] : memref<20480xf32, #tpu.memory_space<hbm>> -> memref<640xf32, #tpu.memory_space<hbm>>
      %dma_wait3A_55 = tpu.memref_slice %arg5[%mul3A_2] : memref<10240xf32, #tpu.memory_space<vmem_shared>> -> memref<640xf32, #tpu.memory_space<vmem_shared>>
      tpu.wait_dma2 semaphore(%run_scoped3A : memref<!tpu.dma_semaphore, #tpu.memory_space<semaphore_mem>>) src(%dma_wait3A_55 : memref<640xf32, #tpu.memory_space<vmem_shared>>) dst(%dma_wait3A_54 : memref<640xf32, #tpu.memory_space<hbm>>)
      tpu.yield
    }) : () -> ()
    return
  }
}

#map = affine_map<(d0, d1) -> (0, 0)>
#map1 = affine_map<(d0, d1) -> (0)>
#map2 = affine_map<(d0, d1) -> (0, 0, 0)>
module attributes {stable_mosaic.version = 14 : i64} {
  func.func @gat_kernel(%arg0: i32, %arg1: i32, %arg2: memref<10240x128xf32, #tpu.memory_space<hbm>>, %arg3: memref<331776xf32, #tpu.memory_space<hbm>>, %arg4: memref<331776xi32, #tpu.memory_space<hbm>>, %arg5: memref<331776xi32, #tpu.memory_space<hbm>>, %arg6: memref<10240x128xf32, #tpu.memory_space<hbm>>, %arg7: memref<10240xf32, #tpu.memory_space<hbm>>, %arg8: memref<2x10240x128xf32, #tpu.memory_space<hbm>>, %arg9: memref<20480xf32, #tpu.memory_space<hbm>>, %arg10: memref<10240x128xf32, #tpu.memory_space<vmem_shared>>, %arg11: memref<10240xf32, #tpu.memory_space<vmem_shared>>, %arg12: memref<128xi32, #tpu.memory_space<vmem>>, %arg13: memref<128xi32, #tpu.memory_space<vmem>>, %arg14: memref<128xf32, #tpu.memory_space<vmem>>, %arg15: memref<128x128xf32, #tpu.memory_space<vmem>>, %arg16: memref<!tpu.dma_semaphore, #tpu.memory_space<semaphore_mem>>) attributes {dimension_semantics = [#tpu.dimension_semantics<core_parallel>, #tpu.dimension_semantics<subcore_parallel>], iteration_bounds = array<i64: 2, 16>, scalar_prefetch = 0 : i64, scratch_operands = 7 : i64, tpu.core_type = #tpu.core_type<sc_vector_subcore>, window_params = [{transform_indices = #map}, {transform_indices = #map1}, {transform_indices = #map1}, {transform_indices = #map1}, {transform_indices = #map}, {transform_indices = #map1}, {transform_indices = #map2}, {transform_indices = #map1}]} {
    %mul3A = arith.constant 2 : i32
    %mul3A_0 = arith.muli %arg1, %mul3A : i32
    %add3A = arith.addi %mul3A_0, %arg0 : i32
    %mul3A_1 = arith.constant 10368 : i32
    %mul3A_2 = arith.muli %add3A, %mul3A_1 : i32
    %mul3A_3 = arith.constant 640 : i32
    %mul3A_4 = arith.muli %arg1, %mul3A_3 : i32
    "tpu.region"() ({
      %run_scoped3A = tpu.sem_alloc : memref<!tpu.dma_semaphore, #tpu.memory_space<semaphore_mem>>
      %dma_start3A = arith.constant 0 : i32
      %dma_start3A_14 = tpu.memref_slice %arg10[%mul3A_4, %dma_start3A] : memref<10240x128xf32, #tpu.memory_space<vmem_shared>> -> memref<640x128xf32, #tpu.memory_space<vmem_shared>>
      %dma_start3A_15 = arith.constant 0 : i32
      %dma_start3A_16 = tpu.memref_slice %arg6[%mul3A_4, %dma_start3A_15] : memref<10240x128xf32, #tpu.memory_space<hbm>> -> memref<640x128xf32, #tpu.memory_space<hbm>>
      tpu.enqueue_dma source(%dma_start3A_16 : memref<640x128xf32, #tpu.memory_space<hbm>>) target(%dma_start3A_14 : memref<640x128xf32, #tpu.memory_space<vmem_shared>>) target_semaphore(%run_scoped3A : memref<!tpu.dma_semaphore, #tpu.memory_space<semaphore_mem>>)
      %dma_wait3A = arith.constant 0 : i32
      %dma_wait3A_17 = tpu.memref_slice %arg10[%mul3A_4, %dma_wait3A] : memref<10240x128xf32, #tpu.memory_space<vmem_shared>> -> memref<640x128xf32, #tpu.memory_space<vmem_shared>>
      %dma_wait3A_18 = arith.constant 0 : i32
      %dma_wait3A_19 = tpu.memref_slice %arg6[%mul3A_4, %dma_wait3A_18] : memref<10240x128xf32, #tpu.memory_space<hbm>> -> memref<640x128xf32, #tpu.memory_space<hbm>>
      tpu.wait_dma2 semaphore(%run_scoped3A : memref<!tpu.dma_semaphore, #tpu.memory_space<semaphore_mem>>) src(%dma_wait3A_19 : memref<640x128xf32, #tpu.memory_space<hbm>>) dst(%dma_wait3A_17 : memref<640x128xf32, #tpu.memory_space<vmem_shared>>)
      tpu.yield
    }) : () -> ()
    "tpu.region"() ({
      %run_scoped3A = tpu.sem_alloc : memref<!tpu.dma_semaphore, #tpu.memory_space<semaphore_mem>>
      %dma_start3A = tpu.memref_slice %arg11[%mul3A_4] : memref<10240xf32, #tpu.memory_space<vmem_shared>> -> memref<640xf32, #tpu.memory_space<vmem_shared>>
      %dma_start3A_14 = tpu.memref_slice %arg7[%mul3A_4] : memref<10240xf32, #tpu.memory_space<hbm>> -> memref<640xf32, #tpu.memory_space<hbm>>
      tpu.enqueue_dma source(%dma_start3A_14 : memref<640xf32, #tpu.memory_space<hbm>>) target(%dma_start3A : memref<640xf32, #tpu.memory_space<vmem_shared>>) target_semaphore(%run_scoped3A : memref<!tpu.dma_semaphore, #tpu.memory_space<semaphore_mem>>)
      %dma_wait3A = tpu.memref_slice %arg11[%mul3A_4] : memref<10240xf32, #tpu.memory_space<vmem_shared>> -> memref<640xf32, #tpu.memory_space<vmem_shared>>
      %dma_wait3A_15 = tpu.memref_slice %arg7[%mul3A_4] : memref<10240xf32, #tpu.memory_space<hbm>> -> memref<640xf32, #tpu.memory_space<hbm>>
      tpu.wait_dma2 semaphore(%run_scoped3A : memref<!tpu.dma_semaphore, #tpu.memory_space<semaphore_mem>>) src(%dma_wait3A_15 : memref<640xf32, #tpu.memory_space<hbm>>) dst(%dma_wait3A : memref<640xf32, #tpu.memory_space<vmem_shared>>)
      tpu.yield
    }) : () -> ()
    %barrier3A = arith.constant 0 : index
    tpu.barrier barrier_id(%barrier3A)
    %scan3A = arith.constant 0 : i32
    %scan3A_5 = arith.constant 0 : i32
    %scan3A_6 = arith.constant 81 : i32
    %scan3A_7 = arith.addi %scan3A_5, %scan3A_6 : i32
    %scan3A_8 = arith.constant 1 : i32
    scf.for %scan3A_14 = %scan3A_5 to %scan3A_7 step %scan3A_8  : i32 {
      %mul3A_15 = arith.constant 128 : i32
      %mul3A_16 = arith.muli %scan3A_14, %mul3A_15 : i32
      %add3A_17 = arith.addi %mul3A_2, %mul3A_16 : i32
      "tpu.region"() ({
        %run_scoped3A = tpu.sem_alloc : memref<!tpu.dma_semaphore, #tpu.memory_space<semaphore_mem>>
        %dma_start3A_28 = tpu.memref_slice %arg4[%add3A_17] : memref<331776xi32, #tpu.memory_space<hbm>> -> memref<128xi32, #tpu.memory_space<hbm>>
        %dma_start3A_29 = tpu.memref_slice %arg4[%add3A_17] : memref<331776xi32, #tpu.memory_space<hbm>> -> memref<128xi32, #tpu.memory_space<hbm>>
        tpu.enqueue_dma source(%dma_start3A_29 : memref<128xi32, #tpu.memory_space<hbm>>) target(%arg12 : memref<128xi32, #tpu.memory_space<vmem>>) target_semaphore(%run_scoped3A : memref<!tpu.dma_semaphore, #tpu.memory_space<semaphore_mem>>)
        %dma_wait3A_30 = tpu.memref_slice %arg4[%add3A_17] : memref<331776xi32, #tpu.memory_space<hbm>> -> memref<128xi32, #tpu.memory_space<hbm>>
        %dma_wait3A_31 = tpu.memref_slice %arg4[%add3A_17] : memref<331776xi32, #tpu.memory_space<hbm>> -> memref<128xi32, #tpu.memory_space<hbm>>
        tpu.wait_dma2 semaphore(%run_scoped3A : memref<!tpu.dma_semaphore, #tpu.memory_space<semaphore_mem>>) src(%dma_wait3A_31 : memref<128xi32, #tpu.memory_space<hbm>>) dst(%arg12 : memref<128xi32, #tpu.memory_space<vmem>>)
        tpu.yield
      }) : () -> ()
      "tpu.region"() ({
        %run_scoped3A = tpu.sem_alloc : memref<!tpu.dma_semaphore, #tpu.memory_space<semaphore_mem>>
        %dma_start3A_28 = tpu.memref_slice %arg5[%add3A_17] : memref<331776xi32, #tpu.memory_space<hbm>> -> memref<128xi32, #tpu.memory_space<hbm>>
        %dma_start3A_29 = tpu.memref_slice %arg5[%add3A_17] : memref<331776xi32, #tpu.memory_space<hbm>> -> memref<128xi32, #tpu.memory_space<hbm>>
        tpu.enqueue_dma source(%dma_start3A_29 : memref<128xi32, #tpu.memory_space<hbm>>) target(%arg13 : memref<128xi32, #tpu.memory_space<vmem>>) target_semaphore(%run_scoped3A : memref<!tpu.dma_semaphore, #tpu.memory_space<semaphore_mem>>)
        %dma_wait3A_30 = tpu.memref_slice %arg5[%add3A_17] : memref<331776xi32, #tpu.memory_space<hbm>> -> memref<128xi32, #tpu.memory_space<hbm>>
        %dma_wait3A_31 = tpu.memref_slice %arg5[%add3A_17] : memref<331776xi32, #tpu.memory_space<hbm>> -> memref<128xi32, #tpu.memory_space<hbm>>
        tpu.wait_dma2 semaphore(%run_scoped3A : memref<!tpu.dma_semaphore, #tpu.memory_space<semaphore_mem>>) src(%dma_wait3A_31 : memref<128xi32, #tpu.memory_space<hbm>>) dst(%arg13 : memref<128xi32, #tpu.memory_space<vmem>>)
        tpu.yield
      }) : () -> ()
      %dma_start3A = arith.constant 0 : i32
      %dma_start3A_18 = arith.constant 0 : i32
      %dma_start3A_19 = tpu.memref_slice %arg2[%dma_start3A, %dma_start3A_18] : memref<10240x128xf32, #tpu.memory_space<hbm>> -> memref<10240x128xf32, #tpu.memory_space<hbm>>
      tpu.enqueue_indirect_dma source(%dma_start3A_19 : memref<10240x128xf32, #tpu.memory_space<hbm>>) target(%arg15 : memref<128x128xf32, #tpu.memory_space<vmem>>) offsets(%arg12 : memref<128xi32, #tpu.memory_space<vmem>>) semaphore(%arg16 : memref<!tpu.dma_semaphore, #tpu.memory_space<semaphore_mem>>)
      "tpu.region"() ({
        %run_scoped3A = tpu.sem_alloc : memref<!tpu.dma_semaphore, #tpu.memory_space<semaphore_mem>>
        %dma_start3A_28 = tpu.memref_slice %arg3[%add3A_17] : memref<331776xf32, #tpu.memory_space<hbm>> -> memref<128xf32, #tpu.memory_space<hbm>>
        %dma_start3A_29 = tpu.memref_slice %arg3[%add3A_17] : memref<331776xf32, #tpu.memory_space<hbm>> -> memref<128xf32, #tpu.memory_space<hbm>>
        tpu.enqueue_dma source(%dma_start3A_29 : memref<128xf32, #tpu.memory_space<hbm>>) target(%arg14 : memref<128xf32, #tpu.memory_space<vmem>>) target_semaphore(%run_scoped3A : memref<!tpu.dma_semaphore, #tpu.memory_space<semaphore_mem>>)
        %dma_wait3A_30 = tpu.memref_slice %arg3[%add3A_17] : memref<331776xf32, #tpu.memory_space<hbm>> -> memref<128xf32, #tpu.memory_space<hbm>>
        %dma_wait3A_31 = tpu.memref_slice %arg3[%add3A_17] : memref<331776xf32, #tpu.memory_space<hbm>> -> memref<128xf32, #tpu.memory_space<hbm>>
        tpu.wait_dma2 semaphore(%run_scoped3A : memref<!tpu.dma_semaphore, #tpu.memory_space<semaphore_mem>>) src(%dma_wait3A_31 : memref<128xf32, #tpu.memory_space<hbm>>) dst(%arg14 : memref<128xf32, #tpu.memory_space<vmem>>)
        tpu.yield
      }) : () -> ()
      "tpu.region"() ({
        %run_scoped3A = tpu.sem_alloc : memref<!tpu.dma_semaphore, #tpu.memory_space<semaphore_mem>>
        %dma_start3A_28 = arith.constant 0 : i32
        %dma_start3A_29 = tpu.memref_slice %arg11[%dma_start3A_28] : memref<10240xf32, #tpu.memory_space<vmem_shared>> -> memref<10240xf32, #tpu.memory_space<vmem_shared>>
        tpu.enqueue_indirect_dma source(%arg14 : memref<128xf32, #tpu.memory_space<vmem>>) target(%dma_start3A_29 : memref<10240xf32, #tpu.memory_space<vmem_shared>>) offsets(%arg13 : memref<128xi32, #tpu.memory_space<vmem>>) semaphore(%run_scoped3A : memref<!tpu.dma_semaphore, #tpu.memory_space<semaphore_mem>>) {add = true}
        %dma_wait3A_30 = arith.constant 0 : i32
        %dma_wait3A_31 = tpu.memref_slice %arg11[%dma_wait3A_30] : memref<10240xf32, #tpu.memory_space<vmem_shared>> -> memref<10240xf32, #tpu.memory_space<vmem_shared>>
        tpu.wait_indirect_dma semaphore(%run_scoped3A : memref<!tpu.dma_semaphore, #tpu.memory_space<semaphore_mem>>) src(%arg14 : memref<128xf32, #tpu.memory_space<vmem>>) dst(%dma_wait3A_31 : memref<10240xf32, #tpu.memory_space<vmem_shared>>)
        tpu.yield
      }) : () -> ()
      %dma_wait3A = arith.constant 0 : i32
      %dma_wait3A_20 = arith.constant 0 : i32
      %dma_wait3A_21 = tpu.memref_slice %arg2[%dma_wait3A, %dma_wait3A_20] : memref<10240x128xf32, #tpu.memory_space<hbm>> -> memref<10240x128xf32, #tpu.memory_space<hbm>>
      tpu.wait_indirect_dma semaphore(%arg16 : memref<!tpu.dma_semaphore, #tpu.memory_space<semaphore_mem>>) src(%dma_wait3A_21 : memref<10240x128xf32, #tpu.memory_space<hbm>>) dst(%arg15 : memref<128x128xf32, #tpu.memory_space<vmem>>)
      %scan3A_22 = arith.constant 0 : i32
      %scan3A_23 = arith.constant 0 : i32
      %scan3A_24 = arith.constant 32 : i32
      %scan3A_25 = arith.addi %scan3A_23, %scan3A_24 : i32
      %scan3A_26 = arith.constant 1 : i32
      scf.for %scan3A_28 = %scan3A_23 to %scan3A_25 step %scan3A_26  : i32 {
        %mul3A_29 = arith.constant 4 : i32
        %mul3A_30 = arith.muli %scan3A_28, %mul3A_29 : i32
        %add3A_31 = arith.constant 0 : i32
        %add3A_32 = arith.addi %mul3A_30, %add3A_31 : i32
        %broadcast_in_dim3A = vector.broadcast %add3A_32 : i32 to vector<16xi32>
        %gather3A = tpu.vector_load_idx %arg14[%broadcast_in_dim3A] : memref<128xf32, #tpu.memory_space<vmem>>[vector<16xi32>], vector<16xf32>,
        %get3A = arith.index_cast %add3A_32 : i32 to index
        %get3A_33 = arith.constant 0 : index
        %get3A_34 = tpu.vector_load %arg15[%get3A, %get3A_33] {strides = array<i32>} : memref<128x128xf32, #tpu.memory_space<vmem>>, vector<16xf32>,
        %mul3A_35 = arith.mulf %get3A_34, %gather3A : vector<16xf32>
        %swap3A = arith.index_cast %add3A_32 : i32 to index
        %swap3A_36 = arith.constant 0 : index
        %swap3A_37 = tpu.vector_load %arg15[%swap3A, %swap3A_36] {strides = array<i32>} : memref<128x128xf32, #tpu.memory_space<vmem>>, vector<16xf32>,
        tpu.vector_store %arg15[%swap3A, %swap3A_36], %mul3A_35 {strides = array<i32>} : memref<128x128xf32, #tpu.memory_space<vmem>>, vector<16xf32>,
        %get3A_38 = arith.index_cast %add3A_32 : i32 to index
        %get3A_39 = arith.constant 16 : index
        %get3A_40 = tpu.vector_load %arg15[%get3A_38, %get3A_39] {strides = array<i32>} : memref<128x128xf32, #tpu.memory_space<vmem>>, vector<16xf32>,
        %mul3A_41 = arith.mulf %get3A_40, %gather3A : vector<16xf32>
        %swap3A_42 = arith.index_cast %add3A_32 : i32 to index
        %swap3A_43 = arith.constant 16 : index
        %swap3A_44 = tpu.vector_load %arg15[%swap3A_42, %swap3A_43] {strides = array<i32>} : memref<128x128xf32, #tpu.memory_space<vmem>>, vector<16xf32>,
        tpu.vector_store %arg15[%swap3A_42, %swap3A_43], %mul3A_41 {strides = array<i32>} : memref<128x128xf32, #tpu.memory_space<vmem>>, vector<16xf32>,
        %get3A_45 = arith.index_cast %add3A_32 : i32 to index
        %get3A_46 = arith.constant 32 : index
        %get3A_47 = tpu.vector_load %arg15[%get3A_45, %get3A_46] {strides = array<i32>} : memref<128x128xf32, #tpu.memory_space<vmem>>, vector<16xf32>,
        %mul3A_48 = arith.mulf %get3A_47, %gather3A : vector<16xf32>
        %swap3A_49 = arith.index_cast %add3A_32 : i32 to index
        %swap3A_50 = arith.constant 32 : index
        %swap3A_51 = tpu.vector_load %arg15[%swap3A_49, %swap3A_50] {strides = array<i32>} : memref<128x128xf32, #tpu.memory_space<vmem>>, vector<16xf32>,
        tpu.vector_store %arg15[%swap3A_49, %swap3A_50], %mul3A_48 {strides = array<i32>} : memref<128x128xf32, #tpu.memory_space<vmem>>, vector<16xf32>,
        %get3A_52 = arith.index_cast %add3A_32 : i32 to index
        %get3A_53 = arith.constant 48 : index
        %get3A_54 = tpu.vector_load %arg15[%get3A_52, %get3A_53] {strides = array<i32>} : memref<128x128xf32, #tpu.memory_space<vmem>>, vector<16xf32>,
        %mul3A_55 = arith.mulf %get3A_54, %gather3A : vector<16xf32>
        %swap3A_56 = arith.index_cast %add3A_32 : i32 to index
        %swap3A_57 = arith.constant 48 : index
        %swap3A_58 = tpu.vector_load %arg15[%swap3A_56, %swap3A_57] {strides = array<i32>} : memref<128x128xf32, #tpu.memory_space<vmem>>, vector<16xf32>,
        tpu.vector_store %arg15[%swap3A_56, %swap3A_57], %mul3A_55 {strides = array<i32>} : memref<128x128xf32, #tpu.memory_space<vmem>>, vector<16xf32>,
        %get3A_59 = arith.index_cast %add3A_32 : i32 to index
        %get3A_60 = arith.constant 64 : index
        %get3A_61 = tpu.vector_load %arg15[%get3A_59, %get3A_60] {strides = array<i32>} : memref<128x128xf32, #tpu.memory_space<vmem>>, vector<16xf32>,
        %mul3A_62 = arith.mulf %get3A_61, %gather3A : vector<16xf32>
        %swap3A_63 = arith.index_cast %add3A_32 : i32 to index
        %swap3A_64 = arith.constant 64 : index
        %swap3A_65 = tpu.vector_load %arg15[%swap3A_63, %swap3A_64] {strides = array<i32>} : memref<128x128xf32, #tpu.memory_space<vmem>>, vector<16xf32>,
        tpu.vector_store %arg15[%swap3A_63, %swap3A_64], %mul3A_62 {strides = array<i32>} : memref<128x128xf32, #tpu.memory_space<vmem>>, vector<16xf32>,
        %get3A_66 = arith.index_cast %add3A_32 : i32 to index
        %get3A_67 = arith.constant 80 : index
        %get3A_68 = tpu.vector_load %arg15[%get3A_66, %get3A_67] {strides = array<i32>} : memref<128x128xf32, #tpu.memory_space<vmem>>, vector<16xf32>,
        %mul3A_69 = arith.mulf %get3A_68, %gather3A : vector<16xf32>
        %swap3A_70 = arith.index_cast %add3A_32 : i32 to index
        %swap3A_71 = arith.constant 80 : index
        %swap3A_72 = tpu.vector_load %arg15[%swap3A_70, %swap3A_71] {strides = array<i32>} : memref<128x128xf32, #tpu.memory_space<vmem>>, vector<16xf32>,
        tpu.vector_store %arg15[%swap3A_70, %swap3A_71], %mul3A_69 {strides = array<i32>} : memref<128x128xf32, #tpu.memory_space<vmem>>, vector<16xf32>,
        %get3A_73 = arith.index_cast %add3A_32 : i32 to index
        %get3A_74 = arith.constant 96 : index
        %get3A_75 = tpu.vector_load %arg15[%get3A_73, %get3A_74] {strides = array<i32>} : memref<128x128xf32, #tpu.memory_space<vmem>>, vector<16xf32>,
        %mul3A_76 = arith.mulf %get3A_75, %gather3A : vector<16xf32>
        %swap3A_77 = arith.index_cast %add3A_32 : i32 to index
        %swap3A_78 = arith.constant 96 : index
        %swap3A_79 = tpu.vector_load %arg15[%swap3A_77, %swap3A_78] {strides = array<i32>} : memref<128x128xf32, #tpu.memory_space<vmem>>, vector<16xf32>,
        tpu.vector_store %arg15[%swap3A_77, %swap3A_78], %mul3A_76 {strides = array<i32>} : memref<128x128xf32, #tpu.memory_space<vmem>>, vector<16xf32>,
        %get3A_80 = arith.index_cast %add3A_32 : i32 to index
        %get3A_81 = arith.constant 112 : index
        %get3A_82 = tpu.vector_load %arg15[%get3A_80, %get3A_81] {strides = array<i32>} : memref<128x128xf32, #tpu.memory_space<vmem>>, vector<16xf32>,
        %mul3A_83 = arith.mulf %get3A_82, %gather3A : vector<16xf32>
        %swap3A_84 = arith.index_cast %add3A_32 : i32 to index
        %swap3A_85 = arith.constant 112 : index
        %swap3A_86 = tpu.vector_load %arg15[%swap3A_84, %swap3A_85] {strides = array<i32>} : memref<128x128xf32, #tpu.memory_space<vmem>>, vector<16xf32>,
        tpu.vector_store %arg15[%swap3A_84, %swap3A_85], %mul3A_83 {strides = array<i32>} : memref<128x128xf32, #tpu.memory_space<vmem>>, vector<16xf32>,
        %mul3A_87 = arith.constant 4 : i32
        %mul3A_88 = arith.muli %scan3A_28, %mul3A_87 : i32
        %add3A_89 = arith.constant 1 : i32
        %add3A_90 = arith.addi %mul3A_88, %add3A_89 : i32
        %broadcast_in_dim3A_91 = vector.broadcast %add3A_90 : i32 to vector<16xi32>
        %gather3A_92 = tpu.vector_load_idx %arg14[%broadcast_in_dim3A_91] : memref<128xf32, #tpu.memory_space<vmem>>[vector<16xi32>], vector<16xf32>,
        %get3A_93 = arith.index_cast %add3A_90 : i32 to index
        %get3A_94 = arith.constant 0 : index
        %get3A_95 = tpu.vector_load %arg15[%get3A_93, %get3A_94] {strides = array<i32>} : memref<128x128xf32, #tpu.memory_space<vmem>>, vector<16xf32>,
        %mul3A_96 = arith.mulf %get3A_95, %gather3A_92 : vector<16xf32>
        %swap3A_97 = arith.index_cast %add3A_90 : i32 to index
        %swap3A_98 = arith.constant 0 : index
        %swap3A_99 = tpu.vector_load %arg15[%swap3A_97, %swap3A_98] {strides = array<i32>} : memref<128x128xf32, #tpu.memory_space<vmem>>, vector<16xf32>,
        tpu.vector_store %arg15[%swap3A_97, %swap3A_98], %mul3A_96 {strides = array<i32>} : memref<128x128xf32, #tpu.memory_space<vmem>>, vector<16xf32>,
        %get3A_100 = arith.index_cast %add3A_90 : i32 to index
        %get3A_101 = arith.constant 16 : index
        %get3A_102 = tpu.vector_load %arg15[%get3A_100, %get3A_101] {strides = array<i32>} : memref<128x128xf32, #tpu.memory_space<vmem>>, vector<16xf32>,
        %mul3A_103 = arith.mulf %get3A_102, %gather3A_92 : vector<16xf32>
        %swap3A_104 = arith.index_cast %add3A_90 : i32 to index
        %swap3A_105 = arith.constant 16 : index
        %swap3A_106 = tpu.vector_load %arg15[%swap3A_104, %swap3A_105] {strides = array<i32>} : memref<128x128xf32, #tpu.memory_space<vmem>>, vector<16xf32>,
        tpu.vector_store %arg15[%swap3A_104, %swap3A_105], %mul3A_103 {strides = array<i32>} : memref<128x128xf32, #tpu.memory_space<vmem>>, vector<16xf32>,
        %get3A_107 = arith.index_cast %add3A_90 : i32 to index
        %get3A_108 = arith.constant 32 : index
        %get3A_109 = tpu.vector_load %arg15[%get3A_107, %get3A_108] {strides = array<i32>} : memref<128x128xf32, #tpu.memory_space<vmem>>, vector<16xf32>,
        %mul3A_110 = arith.mulf %get3A_109, %gather3A_92 : vector<16xf32>
        %swap3A_111 = arith.index_cast %add3A_90 : i32 to index
        %swap3A_112 = arith.constant 32 : index
        %swap3A_113 = tpu.vector_load %arg15[%swap3A_111, %swap3A_112] {strides = array<i32>} : memref<128x128xf32, #tpu.memory_space<vmem>>, vector<16xf32>,
        tpu.vector_store %arg15[%swap3A_111, %swap3A_112], %mul3A_110 {strides = array<i32>} : memref<128x128xf32, #tpu.memory_space<vmem>>, vector<16xf32>,
        %get3A_114 = arith.index_cast %add3A_90 : i32 to index
        %get3A_115 = arith.constant 48 : index
        %get3A_116 = tpu.vector_load %arg15[%get3A_114, %get3A_115] {strides = array<i32>} : memref<128x128xf32, #tpu.memory_space<vmem>>, vector<16xf32>,
        %mul3A_117 = arith.mulf %get3A_116, %gather3A_92 : vector<16xf32>
        %swap3A_118 = arith.index_cast %add3A_90 : i32 to index
        %swap3A_119 = arith.constant 48 : index
        %swap3A_120 = tpu.vector_load %arg15[%swap3A_118, %swap3A_119] {strides = array<i32>} : memref<128x128xf32, #tpu.memory_space<vmem>>, vector<16xf32>,
        tpu.vector_store %arg15[%swap3A_118, %swap3A_119], %mul3A_117 {strides = array<i32>} : memref<128x128xf32, #tpu.memory_space<vmem>>, vector<16xf32>,
        %get3A_121 = arith.index_cast %add3A_90 : i32 to index
        %get3A_122 = arith.constant 64 : index
        %get3A_123 = tpu.vector_load %arg15[%get3A_121, %get3A_122] {strides = array<i32>} : memref<128x128xf32, #tpu.memory_space<vmem>>, vector<16xf32>,
        %mul3A_124 = arith.mulf %get3A_123, %gather3A_92 : vector<16xf32>
        %swap3A_125 = arith.index_cast %add3A_90 : i32 to index
        %swap3A_126 = arith.constant 64 : index
        %swap3A_127 = tpu.vector_load %arg15[%swap3A_125, %swap3A_126] {strides = array<i32>} : memref<128x128xf32, #tpu.memory_space<vmem>>, vector<16xf32>,
        tpu.vector_store %arg15[%swap3A_125, %swap3A_126], %mul3A_124 {strides = array<i32>} : memref<128x128xf32, #tpu.memory_space<vmem>>, vector<16xf32>,
        %get3A_128 = arith.index_cast %add3A_90 : i32 to index
        %get3A_129 = arith.constant 80 : index
        %get3A_130 = tpu.vector_load %arg15[%get3A_128, %get3A_129] {strides = array<i32>} : memref<128x128xf32, #tpu.memory_space<vmem>>, vector<16xf32>,
        %mul3A_131 = arith.mulf %get3A_130, %gather3A_92 : vector<16xf32>
        %swap3A_132 = arith.index_cast %add3A_90 : i32 to index
        %swap3A_133 = arith.constant 80 : index
        %swap3A_134 = tpu.vector_load %arg15[%swap3A_132, %swap3A_133] {strides = array<i32>} : memref<128x128xf32, #tpu.memory_space<vmem>>, vector<16xf32>,
        tpu.vector_store %arg15[%swap3A_132, %swap3A_133], %mul3A_131 {strides = array<i32>} : memref<128x128xf32, #tpu.memory_space<vmem>>, vector<16xf32>,
        %get3A_135 = arith.index_cast %add3A_90 : i32 to index
        %get3A_136 = arith.constant 96 : index
        %get3A_137 = tpu.vector_load %arg15[%get3A_135, %get3A_136] {strides = array<i32>} : memref<128x128xf32, #tpu.memory_space<vmem>>, vector<16xf32>,
        %mul3A_138 = arith.mulf %get3A_137, %gather3A_92 : vector<16xf32>
        %swap3A_139 = arith.index_cast %add3A_90 : i32 to index
        %swap3A_140 = arith.constant 96 : index
        %swap3A_141 = tpu.vector_load %arg15[%swap3A_139, %swap3A_140] {strides = array<i32>} : memref<128x128xf32, #tpu.memory_space<vmem>>, vector<16xf32>,
        tpu.vector_store %arg15[%swap3A_139, %swap3A_140], %mul3A_138 {strides = array<i32>} : memref<128x128xf32, #tpu.memory_space<vmem>>, vector<16xf32>,
        %get3A_142 = arith.index_cast %add3A_90 : i32 to index
        %get3A_143 = arith.constant 112 : index
        %get3A_144 = tpu.vector_load %arg15[%get3A_142, %get3A_143] {strides = array<i32>} : memref<128x128xf32, #tpu.memory_space<vmem>>, vector<16xf32>,
        %mul3A_145 = arith.mulf %get3A_144, %gather3A_92 : vector<16xf32>
        %swap3A_146 = arith.index_cast %add3A_90 : i32 to index
        %swap3A_147 = arith.constant 112 : index
        %swap3A_148 = tpu.vector_load %arg15[%swap3A_146, %swap3A_147] {strides = array<i32>} : memref<128x128xf32, #tpu.memory_space<vmem>>, vector<16xf32>,
        tpu.vector_store %arg15[%swap3A_146, %swap3A_147], %mul3A_145 {strides = array<i32>} : memref<128x128xf32, #tpu.memory_space<vmem>>, vector<16xf32>,
        %mul3A_149 = arith.constant 4 : i32
        %mul3A_150 = arith.muli %scan3A_28, %mul3A_149 : i32
        %add3A_151 = arith.constant 2 : i32
        %add3A_152 = arith.addi %mul3A_150, %add3A_151 : i32
        %broadcast_in_dim3A_153 = vector.broadcast %add3A_152 : i32 to vector<16xi32>
        %gather3A_154 = tpu.vector_load_idx %arg14[%broadcast_in_dim3A_153] : memref<128xf32, #tpu.memory_space<vmem>>[vector<16xi32>], vector<16xf32>,
        %get3A_155 = arith.index_cast %add3A_152 : i32 to index
        %get3A_156 = arith.constant 0 : index
        %get3A_157 = tpu.vector_load %arg15[%get3A_155, %get3A_156] {strides = array<i32>} : memref<128x128xf32, #tpu.memory_space<vmem>>, vector<16xf32>,
        %mul3A_158 = arith.mulf %get3A_157, %gather3A_154 : vector<16xf32>
        %swap3A_159 = arith.index_cast %add3A_152 : i32 to index
        %swap3A_160 = arith.constant 0 : index
        %swap3A_161 = tpu.vector_load %arg15[%swap3A_159, %swap3A_160] {strides = array<i32>} : memref<128x128xf32, #tpu.memory_space<vmem>>, vector<16xf32>,
        tpu.vector_store %arg15[%swap3A_159, %swap3A_160], %mul3A_158 {strides = array<i32>} : memref<128x128xf32, #tpu.memory_space<vmem>>, vector<16xf32>,
        %get3A_162 = arith.index_cast %add3A_152 : i32 to index
        %get3A_163 = arith.constant 16 : index
        %get3A_164 = tpu.vector_load %arg15[%get3A_162, %get3A_163] {strides = array<i32>} : memref<128x128xf32, #tpu.memory_space<vmem>>, vector<16xf32>,
        %mul3A_165 = arith.mulf %get3A_164, %gather3A_154 : vector<16xf32>
        %swap3A_166 = arith.index_cast %add3A_152 : i32 to index
        %swap3A_167 = arith.constant 16 : index
        %swap3A_168 = tpu.vector_load %arg15[%swap3A_166, %swap3A_167] {strides = array<i32>} : memref<128x128xf32, #tpu.memory_space<vmem>>, vector<16xf32>,
        tpu.vector_store %arg15[%swap3A_166, %swap3A_167], %mul3A_165 {strides = array<i32>} : memref<128x128xf32, #tpu.memory_space<vmem>>, vector<16xf32>,
        %get3A_169 = arith.index_cast %add3A_152 : i32 to index
        %get3A_170 = arith.constant 32 : index
        %get3A_171 = tpu.vector_load %arg15[%get3A_169, %get3A_170] {strides = array<i32>} : memref<128x128xf32, #tpu.memory_space<vmem>>, vector<16xf32>,
        %mul3A_172 = arith.mulf %get3A_171, %gather3A_154 : vector<16xf32>
        %swap3A_173 = arith.index_cast %add3A_152 : i32 to index
        %swap3A_174 = arith.constant 32 : index
        %swap3A_175 = tpu.vector_load %arg15[%swap3A_173, %swap3A_174] {strides = array<i32>} : memref<128x128xf32, #tpu.memory_space<vmem>>, vector<16xf32>,
        tpu.vector_store %arg15[%swap3A_173, %swap3A_174], %mul3A_172 {strides = array<i32>} : memref<128x128xf32, #tpu.memory_space<vmem>>, vector<16xf32>,
        %get3A_176 = arith.index_cast %add3A_152 : i32 to index
        %get3A_177 = arith.constant 48 : index
        %get3A_178 = tpu.vector_load %arg15[%get3A_176, %get3A_177] {strides = array<i32>} : memref<128x128xf32, #tpu.memory_space<vmem>>, vector<16xf32>,
        %mul3A_179 = arith.mulf %get3A_178, %gather3A_154 : vector<16xf32>
        %swap3A_180 = arith.index_cast %add3A_152 : i32 to index
        %swap3A_181 = arith.constant 48 : index
        %swap3A_182 = tpu.vector_load %arg15[%swap3A_180, %swap3A_181] {strides = array<i32>} : memref<128x128xf32, #tpu.memory_space<vmem>>, vector<16xf32>,
        tpu.vector_store %arg15[%swap3A_180, %swap3A_181], %mul3A_179 {strides = array<i32>} : memref<128x128xf32, #tpu.memory_space<vmem>>, vector<16xf32>,
        %get3A_183 = arith.index_cast %add3A_152 : i32 to index
        %get3A_184 = arith.constant 64 : index
        %get3A_185 = tpu.vector_load %arg15[%get3A_183, %get3A_184] {strides = array<i32>} : memref<128x128xf32, #tpu.memory_space<vmem>>, vector<16xf32>,
        %mul3A_186 = arith.mulf %get3A_185, %gather3A_154 : vector<16xf32>
        %swap3A_187 = arith.index_cast %add3A_152 : i32 to index
        %swap3A_188 = arith.constant 64 : index
        %swap3A_189 = tpu.vector_load %arg15[%swap3A_187, %swap3A_188] {strides = array<i32>} : memref<128x128xf32, #tpu.memory_space<vmem>>, vector<16xf32>,
        tpu.vector_store %arg15[%swap3A_187, %swap3A_188], %mul3A_186 {strides = array<i32>} : memref<128x128xf32, #tpu.memory_space<vmem>>, vector<16xf32>,
        %get3A_190 = arith.index_cast %add3A_152 : i32 to index
        %get3A_191 = arith.constant 80 : index
        %get3A_192 = tpu.vector_load %arg15[%get3A_190, %get3A_191] {strides = array<i32>} : memref<128x128xf32, #tpu.memory_space<vmem>>, vector<16xf32>,
        %mul3A_193 = arith.mulf %get3A_192, %gather3A_154 : vector<16xf32>
        %swap3A_194 = arith.index_cast %add3A_152 : i32 to index
        %swap3A_195 = arith.constant 80 : index
        %swap3A_196 = tpu.vector_load %arg15[%swap3A_194, %swap3A_195] {strides = array<i32>} : memref<128x128xf32, #tpu.memory_space<vmem>>, vector<16xf32>,
        tpu.vector_store %arg15[%swap3A_194, %swap3A_195], %mul3A_193 {strides = array<i32>} : memref<128x128xf32, #tpu.memory_space<vmem>>, vector<16xf32>,
        %get3A_197 = arith.index_cast %add3A_152 : i32 to index
        %get3A_198 = arith.constant 96 : index
        %get3A_199 = tpu.vector_load %arg15[%get3A_197, %get3A_198] {strides = array<i32>} : memref<128x128xf32, #tpu.memory_space<vmem>>, vector<16xf32>,
        %mul3A_200 = arith.mulf %get3A_199, %gather3A_154 : vector<16xf32>
        %swap3A_201 = arith.index_cast %add3A_152 : i32 to index
        %swap3A_202 = arith.constant 96 : index
        %swap3A_203 = tpu.vector_load %arg15[%swap3A_201, %swap3A_202] {strides = array<i32>} : memref<128x128xf32, #tpu.memory_space<vmem>>, vector<16xf32>,
        tpu.vector_store %arg15[%swap3A_201, %swap3A_202], %mul3A_200 {strides = array<i32>} : memref<128x128xf32, #tpu.memory_space<vmem>>, vector<16xf32>,
        %get3A_204 = arith.index_cast %add3A_152 : i32 to index
        %get3A_205 = arith.constant 112 : index
        %get3A_206 = tpu.vector_load %arg15[%get3A_204, %get3A_205] {strides = array<i32>} : memref<128x128xf32, #tpu.memory_space<vmem>>, vector<16xf32>,
        %mul3A_207 = arith.mulf %get3A_206, %gather3A_154 : vector<16xf32>
        %swap3A_208 = arith.index_cast %add3A_152 : i32 to index
        %swap3A_209 = arith.constant 112 : index
        %swap3A_210 = tpu.vector_load %arg15[%swap3A_208, %swap3A_209] {strides = array<i32>} : memref<128x128xf32, #tpu.memory_space<vmem>>, vector<16xf32>,
        tpu.vector_store %arg15[%swap3A_208, %swap3A_209], %mul3A_207 {strides = array<i32>} : memref<128x128xf32, #tpu.memory_space<vmem>>, vector<16xf32>,
        %mul3A_211 = arith.constant 4 : i32
        %mul3A_212 = arith.muli %scan3A_28, %mul3A_211 : i32
        %add3A_213 = arith.constant 3 : i32
        %add3A_214 = arith.addi %mul3A_212, %add3A_213 : i32
        %broadcast_in_dim3A_215 = vector.broadcast %add3A_214 : i32 to vector<16xi32>
        %gather3A_216 = tpu.vector_load_idx %arg14[%broadcast_in_dim3A_215] : memref<128xf32, #tpu.memory_space<vmem>>[vector<16xi32>], vector<16xf32>,
        %get3A_217 = arith.index_cast %add3A_214 : i32 to index
        %get3A_218 = arith.constant 0 : index
        %get3A_219 = tpu.vector_load %arg15[%get3A_217, %get3A_218] {strides = array<i32>} : memref<128x128xf32, #tpu.memory_space<vmem>>, vector<16xf32>,
        %mul3A_220 = arith.mulf %get3A_219, %gather3A_216 : vector<16xf32>
        %swap3A_221 = arith.index_cast %add3A_214 : i32 to index
        %swap3A_222 = arith.constant 0 : index
        %swap3A_223 = tpu.vector_load %arg15[%swap3A_221, %swap3A_222] {strides = array<i32>} : memref<128x128xf32, #tpu.memory_space<vmem>>, vector<16xf32>,
        tpu.vector_store %arg15[%swap3A_221, %swap3A_222], %mul3A_220 {strides = array<i32>} : memref<128x128xf32, #tpu.memory_space<vmem>>, vector<16xf32>,
        %get3A_224 = arith.index_cast %add3A_214 : i32 to index
        %get3A_225 = arith.constant 16 : index
        %get3A_226 = tpu.vector_load %arg15[%get3A_224, %get3A_225] {strides = array<i32>} : memref<128x128xf32, #tpu.memory_space<vmem>>, vector<16xf32>,
        %mul3A_227 = arith.mulf %get3A_226, %gather3A_216 : vector<16xf32>
        %swap3A_228 = arith.index_cast %add3A_214 : i32 to index
        %swap3A_229 = arith.constant 16 : index
        %swap3A_230 = tpu.vector_load %arg15[%swap3A_228, %swap3A_229] {strides = array<i32>} : memref<128x128xf32, #tpu.memory_space<vmem>>, vector<16xf32>,
        tpu.vector_store %arg15[%swap3A_228, %swap3A_229], %mul3A_227 {strides = array<i32>} : memref<128x128xf32, #tpu.memory_space<vmem>>, vector<16xf32>,
        %get3A_231 = arith.index_cast %add3A_214 : i32 to index
        %get3A_232 = arith.constant 32 : index
        %get3A_233 = tpu.vector_load %arg15[%get3A_231, %get3A_232] {strides = array<i32>} : memref<128x128xf32, #tpu.memory_space<vmem>>, vector<16xf32>,
        %mul3A_234 = arith.mulf %get3A_233, %gather3A_216 : vector<16xf32>
        %swap3A_235 = arith.index_cast %add3A_214 : i32 to index
        %swap3A_236 = arith.constant 32 : index
        %swap3A_237 = tpu.vector_load %arg15[%swap3A_235, %swap3A_236] {strides = array<i32>} : memref<128x128xf32, #tpu.memory_space<vmem>>, vector<16xf32>,
        tpu.vector_store %arg15[%swap3A_235, %swap3A_236], %mul3A_234 {strides = array<i32>} : memref<128x128xf32, #tpu.memory_space<vmem>>, vector<16xf32>,
        %get3A_238 = arith.index_cast %add3A_214 : i32 to index
        %get3A_239 = arith.constant 48 : index
        %get3A_240 = tpu.vector_load %arg15[%get3A_238, %get3A_239] {strides = array<i32>} : memref<128x128xf32, #tpu.memory_space<vmem>>, vector<16xf32>,
        %mul3A_241 = arith.mulf %get3A_240, %gather3A_216 : vector<16xf32>
        %swap3A_242 = arith.index_cast %add3A_214 : i32 to index
        %swap3A_243 = arith.constant 48 : index
        %swap3A_244 = tpu.vector_load %arg15[%swap3A_242, %swap3A_243] {strides = array<i32>} : memref<128x128xf32, #tpu.memory_space<vmem>>, vector<16xf32>,
        tpu.vector_store %arg15[%swap3A_242, %swap3A_243], %mul3A_241 {strides = array<i32>} : memref<128x128xf32, #tpu.memory_space<vmem>>, vector<16xf32>,
        %get3A_245 = arith.index_cast %add3A_214 : i32 to index
        %get3A_246 = arith.constant 64 : index
        %get3A_247 = tpu.vector_load %arg15[%get3A_245, %get3A_246] {strides = array<i32>} : memref<128x128xf32, #tpu.memory_space<vmem>>, vector<16xf32>,
        %mul3A_248 = arith.mulf %get3A_247, %gather3A_216 : vector<16xf32>
        %swap3A_249 = arith.index_cast %add3A_214 : i32 to index
        %swap3A_250 = arith.constant 64 : index
        %swap3A_251 = tpu.vector_load %arg15[%swap3A_249, %swap3A_250] {strides = array<i32>} : memref<128x128xf32, #tpu.memory_space<vmem>>, vector<16xf32>,
        tpu.vector_store %arg15[%swap3A_249, %swap3A_250], %mul3A_248 {strides = array<i32>} : memref<128x128xf32, #tpu.memory_space<vmem>>, vector<16xf32>,
        %get3A_252 = arith.index_cast %add3A_214 : i32 to index
        %get3A_253 = arith.constant 80 : index
        %get3A_254 = tpu.vector_load %arg15[%get3A_252, %get3A_253] {strides = array<i32>} : memref<128x128xf32, #tpu.memory_space<vmem>>, vector<16xf32>,
        %mul3A_255 = arith.mulf %get3A_254, %gather3A_216 : vector<16xf32>
        %swap3A_256 = arith.index_cast %add3A_214 : i32 to index
        %swap3A_257 = arith.constant 80 : index
        %swap3A_258 = tpu.vector_load %arg15[%swap3A_256, %swap3A_257] {strides = array<i32>} : memref<128x128xf32, #tpu.memory_space<vmem>>, vector<16xf32>,
        tpu.vector_store %arg15[%swap3A_256, %swap3A_257], %mul3A_255 {strides = array<i32>} : memref<128x128xf32, #tpu.memory_space<vmem>>, vector<16xf32>,
        %get3A_259 = arith.index_cast %add3A_214 : i32 to index
        %get3A_260 = arith.constant 96 : index
        %get3A_261 = tpu.vector_load %arg15[%get3A_259, %get3A_260] {strides = array<i32>} : memref<128x128xf32, #tpu.memory_space<vmem>>, vector<16xf32>,
        %mul3A_262 = arith.mulf %get3A_261, %gather3A_216 : vector<16xf32>
        %swap3A_263 = arith.index_cast %add3A_214 : i32 to index
        %swap3A_264 = arith.constant 96 : index
        %swap3A_265 = tpu.vector_load %arg15[%swap3A_263, %swap3A_264] {strides = array<i32>} : memref<128x128xf32, #tpu.memory_space<vmem>>, vector<16xf32>,
        tpu.vector_store %arg15[%swap3A_263, %swap3A_264], %mul3A_262 {strides = array<i32>} : memref<128x128xf32, #tpu.memory_space<vmem>>, vector<16xf32>,
        %get3A_266 = arith.index_cast %add3A_214 : i32 to index
        %get3A_267 = arith.constant 112 : index
        %get3A_268 = tpu.vector_load %arg15[%get3A_266, %get3A_267] {strides = array<i32>} : memref<128x128xf32, #tpu.memory_space<vmem>>, vector<16xf32>,
        %mul3A_269 = arith.mulf %get3A_268, %gather3A_216 : vector<16xf32>
        %swap3A_270 = arith.index_cast %add3A_214 : i32 to index
        %swap3A_271 = arith.constant 112 : index
        %swap3A_272 = tpu.vector_load %arg15[%swap3A_270, %swap3A_271] {strides = array<i32>} : memref<128x128xf32, #tpu.memory_space<vmem>>, vector<16xf32>,
        tpu.vector_store %arg15[%swap3A_270, %swap3A_271], %mul3A_269 {strides = array<i32>} : memref<128x128xf32, #tpu.memory_space<vmem>>, vector<16xf32>,
      }
      %scan3A_27 = arith.constant 32 : i32
      "tpu.region"() ({
        %run_scoped3A = tpu.sem_alloc : memref<!tpu.dma_semaphore, #tpu.memory_space<semaphore_mem>>
        %dma_start3A_28 = arith.constant 0 : i32
        %dma_start3A_29 = arith.constant 0 : i32
        %dma_start3A_30 = tpu.memref_slice %arg10[%dma_start3A_28, %dma_start3A_29] : memref<10240x128xf32, #tpu.memory_space<vmem_shared>> -> memref<10240x128xf32, #tpu.memory_space<vmem_shared>>
        tpu.enqueue_indirect_dma source(%arg15 : memref<128x128xf32, #tpu.memory_space<vmem>>) target(%dma_start3A_30 : memref<10240x128xf32, #tpu.memory_space<vmem_shared>>) offsets(%arg13 : memref<128xi32, #tpu.memory_space<vmem>>) semaphore(%run_scoped3A : memref<!tpu.dma_semaphore, #tpu.memory_space<semaphore_mem>>) {add = true}
        %dma_wait3A_31 = arith.constant 0 : i32
        %dma_wait3A_32 = arith.constant 0 : i32
        %dma_wait3A_33 = tpu.memref_slice %arg10[%dma_wait3A_31, %dma_wait3A_32] : memref<10240x128xf32, #tpu.memory_space<vmem_shared>> -> memref<10240x128xf32, #tpu.memory_space<vmem_shared>>
        tpu.wait_indirect_dma semaphore(%run_scoped3A : memref<!tpu.dma_semaphore, #tpu.memory_space<semaphore_mem>>) src(%arg15 : memref<128x128xf32, #tpu.memory_space<vmem>>) dst(%dma_wait3A_33 : memref<10240x128xf32, #tpu.memory_space<vmem_shared>>)
        tpu.yield
      }) : () -> ()
    }
    %scan3A_9 = arith.constant 81 : i32
    %barrier3A_10 = arith.constant 0 : index
    tpu.barrier barrier_id(%barrier3A_10)
    "tpu.region"() ({
      %run_scoped3A = tpu.sem_alloc : memref<!tpu.dma_semaphore, #tpu.memory_space<semaphore_mem>>
      %dma_start3A = arith.constant 0 : i32
      %dma_start3A_14 = tpu.memref_slice %arg8[%arg0, %mul3A_4, %dma_start3A] : memref<2x10240x128xf32, #tpu.memory_space<hbm>> -> memref<1x640x128xf32, #tpu.memory_space<hbm>>
      %dma_start3A_15 = tpu.memref_squeeze %dma_start3A_14 : memref<1x640x128xf32, #tpu.memory_space<hbm>> -> memref<640x128xf32, #tpu.memory_space<hbm>>
      %dma_start3A_16 = arith.constant 0 : i32
      %dma_start3A_17 = tpu.memref_slice %arg10[%mul3A_4, %dma_start3A_16] : memref<10240x128xf32, #tpu.memory_space<vmem_shared>> -> memref<640x128xf32, #tpu.memory_space<vmem_shared>>
      tpu.enqueue_dma source(%dma_start3A_17 : memref<640x128xf32, #tpu.memory_space<vmem_shared>>) target(%dma_start3A_15 : memref<640x128xf32, #tpu.memory_space<hbm>>) target_semaphore(%run_scoped3A : memref<!tpu.dma_semaphore, #tpu.memory_space<semaphore_mem>>)
      %dma_wait3A = arith.constant 0 : i32
      %dma_wait3A_18 = tpu.memref_slice %arg8[%arg0, %mul3A_4, %dma_wait3A] : memref<2x10240x128xf32, #tpu.memory_space<hbm>> -> memref<1x640x128xf32, #tpu.memory_space<hbm>>
      %dma_wait3A_19 = tpu.memref_squeeze %dma_wait3A_18 : memref<1x640x128xf32, #tpu.memory_space<hbm>> -> memref<640x128xf32, #tpu.memory_space<hbm>>
      %dma_wait3A_20 = arith.constant 0 : i32
      %dma_wait3A_21 = tpu.memref_slice %arg10[%mul3A_4, %dma_wait3A_20] : memref<10240x128xf32, #tpu.memory_space<vmem_shared>> -> memref<640x128xf32, #tpu.memory_space<vmem_shared>>
      tpu.wait_dma2 semaphore(%run_scoped3A : memref<!tpu.dma_semaphore, #tpu.memory_space<semaphore_mem>>) src(%dma_wait3A_21 : memref<640x128xf32, #tpu.memory_space<vmem_shared>>) dst(%dma_wait3A_19 : memref<640x128xf32, #tpu.memory_space<hbm>>)
      tpu.yield
    }) : () -> ()
    %mul3A_11 = arith.constant 10240 : i32
    %mul3A_12 = arith.muli %arg0, %mul3A_11 : i32
    %add3A_13 = arith.addi %mul3A_12, %mul3A_4 : i32
    "tpu.region"() ({
      %run_scoped3A = tpu.sem_alloc : memref<!tpu.dma_semaphore, #tpu.memory_space<semaphore_mem>>
      %dma_start3A = tpu.memref_slice %arg9[%add3A_13] : memref<20480xf32, #tpu.memory_space<hbm>> -> memref<640xf32, #tpu.memory_space<hbm>>
      %dma_start3A_14 = tpu.memref_slice %arg11[%mul3A_4] : memref<10240xf32, #tpu.memory_space<vmem_shared>> -> memref<640xf32, #tpu.memory_space<vmem_shared>>
      tpu.enqueue_dma source(%dma_start3A_14 : memref<640xf32, #tpu.memory_space<vmem_shared>>) target(%dma_start3A : memref<640xf32, #tpu.memory_space<hbm>>) target_semaphore(%run_scoped3A : memref<!tpu.dma_semaphore, #tpu.memory_space<semaphore_mem>>)
      %dma_wait3A = tpu.memref_slice %arg9[%add3A_13] : memref<20480xf32, #tpu.memory_space<hbm>> -> memref<640xf32, #tpu.memory_space<hbm>>
      %dma_wait3A_15 = tpu.memref_slice %arg11[%mul3A_4] : memref<10240xf32, #tpu.memory_space<vmem_shared>> -> memref<640xf32, #tpu.memory_space<vmem_shared>>
      tpu.wait_dma2 semaphore(%run_scoped3A : memref<!tpu.dma_semaphore, #tpu.memory_space<semaphore_mem>>) src(%dma_wait3A_15 : memref<640xf32, #tpu.memory_space<vmem_shared>>) dst(%dma_wait3A : memref<640xf32, #tpu.memory_space<hbm>>)
      tpu.yield
    }) : () -> ()
    return
  }
}

#map = affine_map<(d0, d1) -> (0)>
#map1 = affine_map<(d0, d1) -> (0, 0, 0)>
module attributes {stable_mosaic.version = 14 : i64} {
  func.func @score_kernel(%arg0: i32, %arg1: i32, %arg2: memref<10240xf32, #tpu.memory_space<hbm>>, %arg3: memref<10240xf32, #tpu.memory_space<hbm>>, %arg4: memref<32x81x128xi32, #tpu.memory_space<hbm>>, %arg5: memref<32x81x128xi32, #tpu.memory_space<hbm>>, %arg6: memref<32x81x128xf32, #tpu.memory_space<hbm>>, %arg7: memref<10240xf32, #tpu.memory_space<vmem>>, %arg8: memref<10240xf32, #tpu.memory_space<vmem>>, %arg9: memref<81x128xi32, #tpu.memory_space<vmem>>, %arg10: memref<81x128xi32, #tpu.memory_space<vmem>>, %arg11: memref<81x128xf32, #tpu.memory_space<vmem>>) attributes {dimension_semantics = [#tpu.dimension_semantics<core_parallel>, #tpu.dimension_semantics<subcore_parallel>], iteration_bounds = array<i64: 2, 16>, scalar_prefetch = 0 : i64, scratch_operands = 5 : i64, tpu.core_type = #tpu.core_type<sc_vector_subcore>, window_params = [{transform_indices = #map}, {transform_indices = #map}, {transform_indices = #map1}, {transform_indices = #map1}, {transform_indices = #map1}]} {
    %mul3A = arith.constant 2 : i32
    %mul3A_0 = arith.muli %arg1, %mul3A : i32
    %add3A = arith.addi %mul3A_0, %arg0 : i32
    "tpu.region"() ({
      %run_scoped3A = tpu.sem_alloc : memref<!tpu.dma_semaphore, #tpu.memory_space<semaphore_mem>>
      tpu.enqueue_dma source(%arg2 : memref<10240xf32, #tpu.memory_space<hbm>>) target(%arg7 : memref<10240xf32, #tpu.memory_space<vmem>>) target_semaphore(%run_scoped3A : memref<!tpu.dma_semaphore, #tpu.memory_space<semaphore_mem>>)
      tpu.wait_dma2 semaphore(%run_scoped3A : memref<!tpu.dma_semaphore, #tpu.memory_space<semaphore_mem>>) src(%arg2 : memref<10240xf32, #tpu.memory_space<hbm>>) dst(%arg7 : memref<10240xf32, #tpu.memory_space<vmem>>)
      tpu.yield
    }) : () -> ()
    "tpu.region"() ({
      %run_scoped3A = tpu.sem_alloc : memref<!tpu.dma_semaphore, #tpu.memory_space<semaphore_mem>>
      tpu.enqueue_dma source(%arg3 : memref<10240xf32, #tpu.memory_space<hbm>>) target(%arg8 : memref<10240xf32, #tpu.memory_space<vmem>>) target_semaphore(%run_scoped3A : memref<!tpu.dma_semaphore, #tpu.memory_space<semaphore_mem>>)
      tpu.wait_dma2 semaphore(%run_scoped3A : memref<!tpu.dma_semaphore, #tpu.memory_space<semaphore_mem>>) src(%arg3 : memref<10240xf32, #tpu.memory_space<hbm>>) dst(%arg8 : memref<10240xf32, #tpu.memory_space<vmem>>)
      tpu.yield
    }) : () -> ()
    "tpu.region"() ({
      %run_scoped3A = tpu.sem_alloc : memref<!tpu.dma_semaphore, #tpu.memory_space<semaphore_mem>>
      %dma_start3A = arith.constant 0 : i32
      %dma_start3A_6 = arith.constant 0 : i32
      %dma_start3A_7 = tpu.memref_slice %arg4[%add3A, %dma_start3A, %dma_start3A_6] : memref<32x81x128xi32, #tpu.memory_space<hbm>> -> memref<1x81x128xi32, #tpu.memory_space<hbm>>
      %dma_start3A_8 = tpu.memref_squeeze %dma_start3A_7 : memref<1x81x128xi32, #tpu.memory_space<hbm>> -> memref<81x128xi32, #tpu.memory_space<hbm>>
      %dma_start3A_9 = arith.constant 0 : i32
      %dma_start3A_10 = arith.constant 0 : i32
      %dma_start3A_11 = tpu.memref_slice %arg4[%add3A, %dma_start3A_9, %dma_start3A_10] : memref<32x81x128xi32, #tpu.memory_space<hbm>> -> memref<1x81x128xi32, #tpu.memory_space<hbm>>
      %dma_start3A_12 = tpu.memref_squeeze %dma_start3A_11 : memref<1x81x128xi32, #tpu.memory_space<hbm>> -> memref<81x128xi32, #tpu.memory_space<hbm>>
      tpu.enqueue_dma source(%dma_start3A_12 : memref<81x128xi32, #tpu.memory_space<hbm>>) target(%arg9 : memref<81x128xi32, #tpu.memory_space<vmem>>) target_semaphore(%run_scoped3A : memref<!tpu.dma_semaphore, #tpu.memory_space<semaphore_mem>>)
      %dma_wait3A = arith.constant 0 : i32
      %dma_wait3A_13 = arith.constant 0 : i32
      %dma_wait3A_14 = tpu.memref_slice %arg4[%add3A, %dma_wait3A, %dma_wait3A_13] : memref<32x81x128xi32, #tpu.memory_space<hbm>> -> memref<1x81x128xi32, #tpu.memory_space<hbm>>
      %dma_wait3A_15 = tpu.memref_squeeze %dma_wait3A_14 : memref<1x81x128xi32, #tpu.memory_space<hbm>> -> memref<81x128xi32, #tpu.memory_space<hbm>>
      %dma_wait3A_16 = arith.constant 0 : i32
      %dma_wait3A_17 = arith.constant 0 : i32
      %dma_wait3A_18 = tpu.memref_slice %arg4[%add3A, %dma_wait3A_16, %dma_wait3A_17] : memref<32x81x128xi32, #tpu.memory_space<hbm>> -> memref<1x81x128xi32, #tpu.memory_space<hbm>>
      %dma_wait3A_19 = tpu.memref_squeeze %dma_wait3A_18 : memref<1x81x128xi32, #tpu.memory_space<hbm>> -> memref<81x128xi32, #tpu.memory_space<hbm>>
      tpu.wait_dma2 semaphore(%run_scoped3A : memref<!tpu.dma_semaphore, #tpu.memory_space<semaphore_mem>>) src(%dma_wait3A_19 : memref<81x128xi32, #tpu.memory_space<hbm>>) dst(%arg9 : memref<81x128xi32, #tpu.memory_space<vmem>>)
      tpu.yield
    }) : () -> ()
    "tpu.region"() ({
      %run_scoped3A = tpu.sem_alloc : memref<!tpu.dma_semaphore, #tpu.memory_space<semaphore_mem>>
      %dma_start3A = arith.constant 0 : i32
      %dma_start3A_6 = arith.constant 0 : i32
      %dma_start3A_7 = tpu.memref_slice %arg5[%add3A, %dma_start3A, %dma_start3A_6] : memref<32x81x128xi32, #tpu.memory_space<hbm>> -> memref<1x81x128xi32, #tpu.memory_space<hbm>>
      %dma_start3A_8 = tpu.memref_squeeze %dma_start3A_7 : memref<1x81x128xi32, #tpu.memory_space<hbm>> -> memref<81x128xi32, #tpu.memory_space<hbm>>
      %dma_start3A_9 = arith.constant 0 : i32
      %dma_start3A_10 = arith.constant 0 : i32
      %dma_start3A_11 = tpu.memref_slice %arg5[%add3A, %dma_start3A_9, %dma_start3A_10] : memref<32x81x128xi32, #tpu.memory_space<hbm>> -> memref<1x81x128xi32, #tpu.memory_space<hbm>>
      %dma_start3A_12 = tpu.memref_squeeze %dma_start3A_11 : memref<1x81x128xi32, #tpu.memory_space<hbm>> -> memref<81x128xi32, #tpu.memory_space<hbm>>
      tpu.enqueue_dma source(%dma_start3A_12 : memref<81x128xi32, #tpu.memory_space<hbm>>) target(%arg10 : memref<81x128xi32, #tpu.memory_space<vmem>>) target_semaphore(%run_scoped3A : memref<!tpu.dma_semaphore, #tpu.memory_space<semaphore_mem>>)
      %dma_wait3A = arith.constant 0 : i32
      %dma_wait3A_13 = arith.constant 0 : i32
      %dma_wait3A_14 = tpu.memref_slice %arg5[%add3A, %dma_wait3A, %dma_wait3A_13] : memref<32x81x128xi32, #tpu.memory_space<hbm>> -> memref<1x81x128xi32, #tpu.memory_space<hbm>>
      %dma_wait3A_15 = tpu.memref_squeeze %dma_wait3A_14 : memref<1x81x128xi32, #tpu.memory_space<hbm>> -> memref<81x128xi32, #tpu.memory_space<hbm>>
      %dma_wait3A_16 = arith.constant 0 : i32
      %dma_wait3A_17 = arith.constant 0 : i32
      %dma_wait3A_18 = tpu.memref_slice %arg5[%add3A, %dma_wait3A_16, %dma_wait3A_17] : memref<32x81x128xi32, #tpu.memory_space<hbm>> -> memref<1x81x128xi32, #tpu.memory_space<hbm>>
      %dma_wait3A_19 = tpu.memref_squeeze %dma_wait3A_18 : memref<1x81x128xi32, #tpu.memory_space<hbm>> -> memref<81x128xi32, #tpu.memory_space<hbm>>
      tpu.wait_dma2 semaphore(%run_scoped3A : memref<!tpu.dma_semaphore, #tpu.memory_space<semaphore_mem>>) src(%dma_wait3A_19 : memref<81x128xi32, #tpu.memory_space<hbm>>) dst(%arg10 : memref<81x128xi32, #tpu.memory_space<vmem>>)
      tpu.yield
    }) : () -> ()
    %scan3A = arith.constant 0 : i32
    %scan3A_1 = arith.constant 0 : i32
    %scan3A_2 = arith.constant 81 : i32
    %scan3A_3 = arith.addi %scan3A_1, %scan3A_2 : i32
    %scan3A_4 = arith.constant 1 : i32
    scf.for %scan3A_6 = %scan3A_1 to %scan3A_3 step %scan3A_4  : i32 {
      %get3A = arith.index_cast %scan3A_6 : i32 to index
      %get3A_7 = arith.constant 0 : index
      %get3A_8 = tpu.vector_load %arg9[%get3A, %get3A_7] {strides = array<i32>} : memref<81x128xi32, #tpu.memory_space<vmem>>, vector<16xi32>,
      %get3A_9 = arith.index_cast %scan3A_6 : i32 to index
      %get3A_10 = arith.constant 0 : index
      %get3A_11 = tpu.vector_load %arg10[%get3A_9, %get3A_10] {strides = array<i32>} : memref<81x128xi32, #tpu.memory_space<vmem>>, vector<16xi32>,
      %gather3A = tpu.vector_load_idx %arg7[%get3A_8] : memref<10240xf32, #tpu.memory_space<vmem>>[vector<16xi32>], vector<16xf32>,
      %gather3A_12 = tpu.vector_load_idx %arg8[%get3A_11] : memref<10240xf32, #tpu.memory_space<vmem>>[vector<16xi32>], vector<16xf32>,
      %add3A_13 = arith.addf %gather3A, %gather3A_12 : vector<16xf32>
      %mul3A_14 = arith.constant 2.000000e-01 : f32
      %mul3A_15 = vector.broadcast %mul3A_14 : f32 to vector<16xf32>
      %mul3A_16 = arith.mulf %mul3A_15, %add3A_13 : vector<16xf32>
      %max3A = arith.maximumf %add3A_13, %mul3A_16 : vector<16xf32>
      %swap3A = arith.index_cast %scan3A_6 : i32 to index
      %swap3A_17 = arith.constant 0 : index
      %swap3A_18 = tpu.vector_load %arg11[%swap3A, %swap3A_17] {strides = array<i32>} : memref<81x128xf32, #tpu.memory_space<vmem>>, vector<16xf32>,
      tpu.vector_store %arg11[%swap3A, %swap3A_17], %max3A {strides = array<i32>} : memref<81x128xf32, #tpu.memory_space<vmem>>, vector<16xf32>,
      %get3A_19 = arith.index_cast %scan3A_6 : i32 to index
      %get3A_20 = arith.constant 16 : index
      %get3A_21 = tpu.vector_load %arg9[%get3A_19, %get3A_20] {strides = array<i32>} : memref<81x128xi32, #tpu.memory_space<vmem>>, vector<16xi32>,
      %get3A_22 = arith.index_cast %scan3A_6 : i32 to index
      %get3A_23 = arith.constant 16 : index
      %get3A_24 = tpu.vector_load %arg10[%get3A_22, %get3A_23] {strides = array<i32>} : memref<81x128xi32, #tpu.memory_space<vmem>>, vector<16xi32>,
      %gather3A_25 = tpu.vector_load_idx %arg7[%get3A_21] : memref<10240xf32, #tpu.memory_space<vmem>>[vector<16xi32>], vector<16xf32>,
      %gather3A_26 = tpu.vector_load_idx %arg8[%get3A_24] : memref<10240xf32, #tpu.memory_space<vmem>>[vector<16xi32>], vector<16xf32>,
      %add3A_27 = arith.addf %gather3A_25, %gather3A_26 : vector<16xf32>
      %mul3A_28 = arith.constant 2.000000e-01 : f32
      %mul3A_29 = vector.broadcast %mul3A_28 : f32 to vector<16xf32>
      %mul3A_30 = arith.mulf %mul3A_29, %add3A_27 : vector<16xf32>
      %max3A_31 = arith.maximumf %add3A_27, %mul3A_30 : vector<16xf32>
      %swap3A_32 = arith.index_cast %scan3A_6 : i32 to index
      %swap3A_33 = arith.constant 16 : index
      %swap3A_34 = tpu.vector_load %arg11[%swap3A_32, %swap3A_33] {strides = array<i32>} : memref<81x128xf32, #tpu.memory_space<vmem>>, vector<16xf32>,
      tpu.vector_store %arg11[%swap3A_32, %swap3A_33], %max3A_31 {strides = array<i32>} : memref<81x128xf32, #tpu.memory_space<vmem>>, vector<16xf32>,
      %get3A_35 = arith.index_cast %scan3A_6 : i32 to index
      %get3A_36 = arith.constant 32 : index
      %get3A_37 = tpu.vector_load %arg9[%get3A_35, %get3A_36] {strides = array<i32>} : memref<81x128xi32, #tpu.memory_space<vmem>>, vector<16xi32>,
      %get3A_38 = arith.index_cast %scan3A_6 : i32 to index
      %get3A_39 = arith.constant 32 : index
      %get3A_40 = tpu.vector_load %arg10[%get3A_38, %get3A_39] {strides = array<i32>} : memref<81x128xi32, #tpu.memory_space<vmem>>, vector<16xi32>,
      %gather3A_41 = tpu.vector_load_idx %arg7[%get3A_37] : memref<10240xf32, #tpu.memory_space<vmem>>[vector<16xi32>], vector<16xf32>,
      %gather3A_42 = tpu.vector_load_idx %arg8[%get3A_40] : memref<10240xf32, #tpu.memory_space<vmem>>[vector<16xi32>], vector<16xf32>,
      %add3A_43 = arith.addf %gather3A_41, %gather3A_42 : vector<16xf32>
      %mul3A_44 = arith.constant 2.000000e-01 : f32
      %mul3A_45 = vector.broadcast %mul3A_44 : f32 to vector<16xf32>
      %mul3A_46 = arith.mulf %mul3A_45, %add3A_43 : vector<16xf32>
      %max3A_47 = arith.maximumf %add3A_43, %mul3A_46 : vector<16xf32>
      %swap3A_48 = arith.index_cast %scan3A_6 : i32 to index
      %swap3A_49 = arith.constant 32 : index
      %swap3A_50 = tpu.vector_load %arg11[%swap3A_48, %swap3A_49] {strides = array<i32>} : memref<81x128xf32, #tpu.memory_space<vmem>>, vector<16xf32>,
      tpu.vector_store %arg11[%swap3A_48, %swap3A_49], %max3A_47 {strides = array<i32>} : memref<81x128xf32, #tpu.memory_space<vmem>>, vector<16xf32>,
      %get3A_51 = arith.index_cast %scan3A_6 : i32 to index
      %get3A_52 = arith.constant 48 : index
      %get3A_53 = tpu.vector_load %arg9[%get3A_51, %get3A_52] {strides = array<i32>} : memref<81x128xi32, #tpu.memory_space<vmem>>, vector<16xi32>,
      %get3A_54 = arith.index_cast %scan3A_6 : i32 to index
      %get3A_55 = arith.constant 48 : index
      %get3A_56 = tpu.vector_load %arg10[%get3A_54, %get3A_55] {strides = array<i32>} : memref<81x128xi32, #tpu.memory_space<vmem>>, vector<16xi32>,
      %gather3A_57 = tpu.vector_load_idx %arg7[%get3A_53] : memref<10240xf32, #tpu.memory_space<vmem>>[vector<16xi32>], vector<16xf32>,
      %gather3A_58 = tpu.vector_load_idx %arg8[%get3A_56] : memref<10240xf32, #tpu.memory_space<vmem>>[vector<16xi32>], vector<16xf32>,
      %add3A_59 = arith.addf %gather3A_57, %gather3A_58 : vector<16xf32>
      %mul3A_60 = arith.constant 2.000000e-01 : f32
      %mul3A_61 = vector.broadcast %mul3A_60 : f32 to vector<16xf32>
      %mul3A_62 = arith.mulf %mul3A_61, %add3A_59 : vector<16xf32>
      %max3A_63 = arith.maximumf %add3A_59, %mul3A_62 : vector<16xf32>
      %swap3A_64 = arith.index_cast %scan3A_6 : i32 to index
      %swap3A_65 = arith.constant 48 : index
      %swap3A_66 = tpu.vector_load %arg11[%swap3A_64, %swap3A_65] {strides = array<i32>} : memref<81x128xf32, #tpu.memory_space<vmem>>, vector<16xf32>,
      tpu.vector_store %arg11[%swap3A_64, %swap3A_65], %max3A_63 {strides = array<i32>} : memref<81x128xf32, #tpu.memory_space<vmem>>, vector<16xf32>,
      %get3A_67 = arith.index_cast %scan3A_6 : i32 to index
      %get3A_68 = arith.constant 64 : index
      %get3A_69 = tpu.vector_load %arg9[%get3A_67, %get3A_68] {strides = array<i32>} : memref<81x128xi32, #tpu.memory_space<vmem>>, vector<16xi32>,
      %get3A_70 = arith.index_cast %scan3A_6 : i32 to index
      %get3A_71 = arith.constant 64 : index
      %get3A_72 = tpu.vector_load %arg10[%get3A_70, %get3A_71] {strides = array<i32>} : memref<81x128xi32, #tpu.memory_space<vmem>>, vector<16xi32>,
      %gather3A_73 = tpu.vector_load_idx %arg7[%get3A_69] : memref<10240xf32, #tpu.memory_space<vmem>>[vector<16xi32>], vector<16xf32>,
      %gather3A_74 = tpu.vector_load_idx %arg8[%get3A_72] : memref<10240xf32, #tpu.memory_space<vmem>>[vector<16xi32>], vector<16xf32>,
      %add3A_75 = arith.addf %gather3A_73, %gather3A_74 : vector<16xf32>
      %mul3A_76 = arith.constant 2.000000e-01 : f32
      %mul3A_77 = vector.broadcast %mul3A_76 : f32 to vector<16xf32>
      %mul3A_78 = arith.mulf %mul3A_77, %add3A_75 : vector<16xf32>
      %max3A_79 = arith.maximumf %add3A_75, %mul3A_78 : vector<16xf32>
      %swap3A_80 = arith.index_cast %scan3A_6 : i32 to index
      %swap3A_81 = arith.constant 64 : index
      %swap3A_82 = tpu.vector_load %arg11[%swap3A_80, %swap3A_81] {strides = array<i32>} : memref<81x128xf32, #tpu.memory_space<vmem>>, vector<16xf32>,
      tpu.vector_store %arg11[%swap3A_80, %swap3A_81], %max3A_79 {strides = array<i32>} : memref<81x128xf32, #tpu.memory_space<vmem>>, vector<16xf32>,
      %get3A_83 = arith.index_cast %scan3A_6 : i32 to index
      %get3A_84 = arith.constant 80 : index
      %get3A_85 = tpu.vector_load %arg9[%get3A_83, %get3A_84] {strides = array<i32>} : memref<81x128xi32, #tpu.memory_space<vmem>>, vector<16xi32>,
      %get3A_86 = arith.index_cast %scan3A_6 : i32 to index
      %get3A_87 = arith.constant 80 : index
      %get3A_88 = tpu.vector_load %arg10[%get3A_86, %get3A_87] {strides = array<i32>} : memref<81x128xi32, #tpu.memory_space<vmem>>, vector<16xi32>,
      %gather3A_89 = tpu.vector_load_idx %arg7[%get3A_85] : memref<10240xf32, #tpu.memory_space<vmem>>[vector<16xi32>], vector<16xf32>,
      %gather3A_90 = tpu.vector_load_idx %arg8[%get3A_88] : memref<10240xf32, #tpu.memory_space<vmem>>[vector<16xi32>], vector<16xf32>,
      %add3A_91 = arith.addf %gather3A_89, %gather3A_90 : vector<16xf32>
      %mul3A_92 = arith.constant 2.000000e-01 : f32
      %mul3A_93 = vector.broadcast %mul3A_92 : f32 to vector<16xf32>
      %mul3A_94 = arith.mulf %mul3A_93, %add3A_91 : vector<16xf32>
      %max3A_95 = arith.maximumf %add3A_91, %mul3A_94 : vector<16xf32>
      %swap3A_96 = arith.index_cast %scan3A_6 : i32 to index
      %swap3A_97 = arith.constant 80 : index
      %swap3A_98 = tpu.vector_load %arg11[%swap3A_96, %swap3A_97] {strides = array<i32>} : memref<81x128xf32, #tpu.memory_space<vmem>>, vector<16xf32>,
      tpu.vector_store %arg11[%swap3A_96, %swap3A_97], %max3A_95 {strides = array<i32>} : memref<81x128xf32, #tpu.memory_space<vmem>>, vector<16xf32>,
      %get3A_99 = arith.index_cast %scan3A_6 : i32 to index
      %get3A_100 = arith.constant 96 : index
      %get3A_101 = tpu.vector_load %arg9[%get3A_99, %get3A_100] {strides = array<i32>} : memref<81x128xi32, #tpu.memory_space<vmem>>, vector<16xi32>,
      %get3A_102 = arith.index_cast %scan3A_6 : i32 to index
      %get3A_103 = arith.constant 96 : index
      %get3A_104 = tpu.vector_load %arg10[%get3A_102, %get3A_103] {strides = array<i32>} : memref<81x128xi32, #tpu.memory_space<vmem>>, vector<16xi32>,
      %gather3A_105 = tpu.vector_load_idx %arg7[%get3A_101] : memref<10240xf32, #tpu.memory_space<vmem>>[vector<16xi32>], vector<16xf32>,
      %gather3A_106 = tpu.vector_load_idx %arg8[%get3A_104] : memref<10240xf32, #tpu.memory_space<vmem>>[vector<16xi32>], vector<16xf32>,
      %add3A_107 = arith.addf %gather3A_105, %gather3A_106 : vector<16xf32>
      %mul3A_108 = arith.constant 2.000000e-01 : f32
      %mul3A_109 = vector.broadcast %mul3A_108 : f32 to vector<16xf32>
      %mul3A_110 = arith.mulf %mul3A_109, %add3A_107 : vector<16xf32>
      %max3A_111 = arith.maximumf %add3A_107, %mul3A_110 : vector<16xf32>
      %swap3A_112 = arith.index_cast %scan3A_6 : i32 to index
      %swap3A_113 = arith.constant 96 : index
      %swap3A_114 = tpu.vector_load %arg11[%swap3A_112, %swap3A_113] {strides = array<i32>} : memref<81x128xf32, #tpu.memory_space<vmem>>, vector<16xf32>,
      tpu.vector_store %arg11[%swap3A_112, %swap3A_113], %max3A_111 {strides = array<i32>} : memref<81x128xf32, #tpu.memory_space<vmem>>, vector<16xf32>,
      %get3A_115 = arith.index_cast %scan3A_6 : i32 to index
      %get3A_116 = arith.constant 112 : index
      %get3A_117 = tpu.vector_load %arg9[%get3A_115, %get3A_116] {strides = array<i32>} : memref<81x128xi32, #tpu.memory_space<vmem>>, vector<16xi32>,
      %get3A_118 = arith.index_cast %scan3A_6 : i32 to index
      %get3A_119 = arith.constant 112 : index
      %get3A_120 = tpu.vector_load %arg10[%get3A_118, %get3A_119] {strides = array<i32>} : memref<81x128xi32, #tpu.memory_space<vmem>>, vector<16xi32>,
      %gather3A_121 = tpu.vector_load_idx %arg7[%get3A_117] : memref<10240xf32, #tpu.memory_space<vmem>>[vector<16xi32>], vector<16xf32>,
      %gather3A_122 = tpu.vector_load_idx %arg8[%get3A_120] : memref<10240xf32, #tpu.memory_space<vmem>>[vector<16xi32>], vector<16xf32>,
      %add3A_123 = arith.addf %gather3A_121, %gather3A_122 : vector<16xf32>
      %mul3A_124 = arith.constant 2.000000e-01 : f32
      %mul3A_125 = vector.broadcast %mul3A_124 : f32 to vector<16xf32>
      %mul3A_126 = arith.mulf %mul3A_125, %add3A_123 : vector<16xf32>
      %max3A_127 = arith.maximumf %add3A_123, %mul3A_126 : vector<16xf32>
      %swap3A_128 = arith.index_cast %scan3A_6 : i32 to index
      %swap3A_129 = arith.constant 112 : index
      %swap3A_130 = tpu.vector_load %arg11[%swap3A_128, %swap3A_129] {strides = array<i32>} : memref<81x128xf32, #tpu.memory_space<vmem>>, vector<16xf32>,
      tpu.vector_store %arg11[%swap3A_128, %swap3A_129], %max3A_127 {strides = array<i32>} : memref<81x128xf32, #tpu.memory_space<vmem>>, vector<16xf32>,
    }
    %scan3A_5 = arith.constant 81 : i32
    "tpu.region"() ({
      %run_scoped3A = tpu.sem_alloc : memref<!tpu.dma_semaphore, #tpu.memory_space<semaphore_mem>>
      %dma_start3A = arith.constant 0 : i32
      %dma_start3A_6 = arith.constant 0 : i32
      %dma_start3A_7 = tpu.memref_slice %arg6[%add3A, %dma_start3A, %dma_start3A_6] : memref<32x81x128xf32, #tpu.memory_space<hbm>> -> memref<1x81x128xf32, #tpu.memory_space<hbm>>
      %dma_start3A_8 = tpu.memref_squeeze %dma_start3A_7 : memref<1x81x128xf32, #tpu.memory_space<hbm>> -> memref<81x128xf32, #tpu.memory_space<hbm>>
      %dma_start3A_9 = arith.constant 0 : i32
      %dma_start3A_10 = arith.constant 0 : i32
      %dma_start3A_11 = tpu.memref_slice %arg6[%add3A, %dma_start3A_9, %dma_start3A_10] : memref<32x81x128xf32, #tpu.memory_space<hbm>> -> memref<1x81x128xf32, #tpu.memory_space<hbm>>
      %dma_start3A_12 = tpu.memref_squeeze %dma_start3A_11 : memref<1x81x128xf32, #tpu.memory_space<hbm>> -> memref<81x128xf32, #tpu.memory_space<hbm>>
      tpu.enqueue_dma source(%arg11 : memref<81x128xf32, #tpu.memory_space<vmem>>) target(%dma_start3A_12 : memref<81x128xf32, #tpu.memory_space<hbm>>) target_semaphore(%run_scoped3A : memref<!tpu.dma_semaphore, #tpu.memory_space<semaphore_mem>>)
      %dma_wait3A = arith.constant 0 : i32
      %dma_wait3A_13 = arith.constant 0 : i32
      %dma_wait3A_14 = tpu.memref_slice %arg6[%add3A, %dma_wait3A, %dma_wait3A_13] : memref<32x81x128xf32, #tpu.memory_space<hbm>> -> memref<1x81x128xf32, #tpu.memory_space<hbm>>
      %dma_wait3A_15 = tpu.memref_squeeze %dma_wait3A_14 : memref<1x81x128xf32, #tpu.memory_space<hbm>> -> memref<81x128xf32, #tpu.memory_space<hbm>>
      %dma_wait3A_16 = arith.constant 0 : i32
      %dma_wait3A_17 = arith.constant 0 : i32
      %dma_wait3A_18 = tpu.memref_slice %arg6[%add3A, %dma_wait3A_16, %dma_wait3A_17] : memref<32x81x128xf32, #tpu.memory_space<hbm>> -> memref<1x81x128xf32, #tpu.memory_space<hbm>>
      %dma_wait3A_19 = tpu.memref_squeeze %dma_wait3A_18 : memref<1x81x128xf32, #tpu.memory_space<hbm>> -> memref<81x128xf32, #tpu.memory_space<hbm>>
      tpu.wait_dma2 semaphore(%run_scoped3A : memref<!tpu.dma_semaphore, #tpu.memory_space<semaphore_mem>>) src(%arg11 : memref<81x128xf32, #tpu.memory_space<vmem>>) dst(%dma_wait3A_19 : memref<81x128xf32, #tpu.memory_space<hbm>>)
      tpu.yield
    }) : () -> ()
    return
  }
}

#map = affine_map<(d0, d1) -> (0, 0)>
#map1 = affine_map<(d0, d1) -> (0)>
#map2 = affine_map<(d0, d1) -> (0, 0, 0)>
module attributes {stable_mosaic.version = 14 : i64} {
  func.func @gcn_kernel(%arg0: i32, %arg1: i32, %arg2: memref<10000x128xf32, #tpu.memory_space<hbm>>, %arg3: memref<331776xi32, #tpu.memory_space<hbm>>, %arg4: memref<331776xi32, #tpu.memory_space<hbm>>, %arg5: memref<10240x128xf32, #tpu.memory_space<hbm>>, %arg6: memref<2x10240x128xf32, #tpu.memory_space<hbm>>, %arg7: memref<10240x128xf32, #tpu.memory_space<vmem_shared>>, %arg8: memref<128xi32, #tpu.memory_space<vmem>>, %arg9: memref<128xi32, #tpu.memory_space<vmem>>, %arg10: memref<128x128xf32, #tpu.memory_space<vmem>>, %arg11: memref<!tpu.dma_semaphore, #tpu.memory_space<semaphore_mem>>) attributes {dimension_semantics = [#tpu.dimension_semantics<core_parallel>, #tpu.dimension_semantics<subcore_parallel>], iteration_bounds = array<i64: 2, 16>, scalar_prefetch = 0 : i64, scratch_operands = 5 : i64, tpu.core_type = #tpu.core_type<sc_vector_subcore>, window_params = [{transform_indices = #map}, {transform_indices = #map1}, {transform_indices = #map1}, {transform_indices = #map}, {transform_indices = #map2}]} {
    %mul3A = arith.constant 2 : i32
    %mul3A_0 = arith.muli %arg1, %mul3A : i32
    %add3A = arith.addi %mul3A_0, %arg0 : i32
    %mul3A_1 = arith.constant 10368 : i32
    %mul3A_2 = arith.muli %add3A, %mul3A_1 : i32
    %mul3A_3 = arith.constant 640 : i32
    %mul3A_4 = arith.muli %arg1, %mul3A_3 : i32
    "tpu.region"() ({
      %run_scoped3A = tpu.sem_alloc : memref<!tpu.dma_semaphore, #tpu.memory_space<semaphore_mem>>
      %dma_start3A = arith.constant 0 : i32
      %dma_start3A_11 = tpu.memref_slice %arg7[%mul3A_4, %dma_start3A] : memref<10240x128xf32, #tpu.memory_space<vmem_shared>> -> memref<640x128xf32, #tpu.memory_space<vmem_shared>>
      %dma_start3A_12 = arith.constant 0 : i32
      %dma_start3A_13 = tpu.memref_slice %arg5[%mul3A_4, %dma_start3A_12] : memref<10240x128xf32, #tpu.memory_space<hbm>> -> memref<640x128xf32, #tpu.memory_space<hbm>>
      tpu.enqueue_dma source(%dma_start3A_13 : memref<640x128xf32, #tpu.memory_space<hbm>>) target(%dma_start3A_11 : memref<640x128xf32, #tpu.memory_space<vmem_shared>>) target_semaphore(%run_scoped3A : memref<!tpu.dma_semaphore, #tpu.memory_space<semaphore_mem>>)
      %dma_wait3A = arith.constant 0 : i32
      %dma_wait3A_14 = tpu.memref_slice %arg7[%mul3A_4, %dma_wait3A] : memref<10240x128xf32, #tpu.memory_space<vmem_shared>> -> memref<640x128xf32, #tpu.memory_space<vmem_shared>>
      %dma_wait3A_15 = arith.constant 0 : i32
      %dma_wait3A_16 = tpu.memref_slice %arg5[%mul3A_4, %dma_wait3A_15] : memref<10240x128xf32, #tpu.memory_space<hbm>> -> memref<640x128xf32, #tpu.memory_space<hbm>>
      tpu.wait_dma2 semaphore(%run_scoped3A : memref<!tpu.dma_semaphore, #tpu.memory_space<semaphore_mem>>) src(%dma_wait3A_16 : memref<640x128xf32, #tpu.memory_space<hbm>>) dst(%dma_wait3A_14 : memref<640x128xf32, #tpu.memory_space<vmem_shared>>)
      tpu.yield
    }) : () -> ()
    %barrier3A = arith.constant 0 : index
    tpu.barrier barrier_id(%barrier3A)
    %scan3A = arith.constant 0 : i32
    %scan3A_5 = arith.constant 0 : i32
    %scan3A_6 = arith.constant 81 : i32
    %scan3A_7 = arith.addi %scan3A_5, %scan3A_6 : i32
    %scan3A_8 = arith.constant 1 : i32
    scf.for %scan3A_11 = %scan3A_5 to %scan3A_7 step %scan3A_8  : i32 {
      %mul3A_12 = arith.constant 128 : i32
      %mul3A_13 = arith.muli %scan3A_11, %mul3A_12 : i32
      %add3A_14 = arith.addi %mul3A_2, %mul3A_13 : i32
      "tpu.region"() ({
        %run_scoped3A = tpu.sem_alloc : memref<!tpu.dma_semaphore, #tpu.memory_space<semaphore_mem>>
        %dma_start3A_19 = tpu.memref_slice %arg3[%add3A_14] : memref<331776xi32, #tpu.memory_space<hbm>> -> memref<128xi32, #tpu.memory_space<hbm>>
        %dma_start3A_20 = tpu.memref_slice %arg3[%add3A_14] : memref<331776xi32, #tpu.memory_space<hbm>> -> memref<128xi32, #tpu.memory_space<hbm>>
        tpu.enqueue_dma source(%dma_start3A_20 : memref<128xi32, #tpu.memory_space<hbm>>) target(%arg8 : memref<128xi32, #tpu.memory_space<vmem>>) target_semaphore(%run_scoped3A : memref<!tpu.dma_semaphore, #tpu.memory_space<semaphore_mem>>)
        %dma_wait3A_21 = tpu.memref_slice %arg3[%add3A_14] : memref<331776xi32, #tpu.memory_space<hbm>> -> memref<128xi32, #tpu.memory_space<hbm>>
        %dma_wait3A_22 = tpu.memref_slice %arg3[%add3A_14] : memref<331776xi32, #tpu.memory_space<hbm>> -> memref<128xi32, #tpu.memory_space<hbm>>
        tpu.wait_dma2 semaphore(%run_scoped3A : memref<!tpu.dma_semaphore, #tpu.memory_space<semaphore_mem>>) src(%dma_wait3A_22 : memref<128xi32, #tpu.memory_space<hbm>>) dst(%arg8 : memref<128xi32, #tpu.memory_space<vmem>>)
        tpu.yield
      }) : () -> ()
      "tpu.region"() ({
        %run_scoped3A = tpu.sem_alloc : memref<!tpu.dma_semaphore, #tpu.memory_space<semaphore_mem>>
        %dma_start3A_19 = tpu.memref_slice %arg4[%add3A_14] : memref<331776xi32, #tpu.memory_space<hbm>> -> memref<128xi32, #tpu.memory_space<hbm>>
        %dma_start3A_20 = tpu.memref_slice %arg4[%add3A_14] : memref<331776xi32, #tpu.memory_space<hbm>> -> memref<128xi32, #tpu.memory_space<hbm>>
        tpu.enqueue_dma source(%dma_start3A_20 : memref<128xi32, #tpu.memory_space<hbm>>) target(%arg9 : memref<128xi32, #tpu.memory_space<vmem>>) target_semaphore(%run_scoped3A : memref<!tpu.dma_semaphore, #tpu.memory_space<semaphore_mem>>)
        %dma_wait3A_21 = tpu.memref_slice %arg4[%add3A_14] : memref<331776xi32, #tpu.memory_space<hbm>> -> memref<128xi32, #tpu.memory_space<hbm>>
        %dma_wait3A_22 = tpu.memref_slice %arg4[%add3A_14] : memref<331776xi32, #tpu.memory_space<hbm>> -> memref<128xi32, #tpu.memory_space<hbm>>
        tpu.wait_dma2 semaphore(%run_scoped3A : memref<!tpu.dma_semaphore, #tpu.memory_space<semaphore_mem>>) src(%dma_wait3A_22 : memref<128xi32, #tpu.memory_space<hbm>>) dst(%arg9 : memref<128xi32, #tpu.memory_space<vmem>>)
        tpu.yield
      }) : () -> ()
      %dma_start3A = arith.constant 0 : i32
      %dma_start3A_15 = arith.constant 0 : i32
      %dma_start3A_16 = tpu.memref_slice %arg2[%dma_start3A, %dma_start3A_15] : memref<10000x128xf32, #tpu.memory_space<hbm>> -> memref<10000x128xf32, #tpu.memory_space<hbm>>
      tpu.enqueue_indirect_dma source(%dma_start3A_16 : memref<10000x128xf32, #tpu.memory_space<hbm>>) target(%arg10 : memref<128x128xf32, #tpu.memory_space<vmem>>) offsets(%arg8 : memref<128xi32, #tpu.memory_space<vmem>>) semaphore(%arg11 : memref<!tpu.dma_semaphore, #tpu.memory_space<semaphore_mem>>)
      %dma_wait3A = arith.constant 0 : i32
      %dma_wait3A_17 = arith.constant 0 : i32
      %dma_wait3A_18 = tpu.memref_slice %arg2[%dma_wait3A, %dma_wait3A_17] : memref<10000x128xf32, #tpu.memory_space<hbm>> -> memref<10000x128xf32, #tpu.memory_space<hbm>>
      tpu.wait_indirect_dma semaphore(%arg11 : memref<!tpu.dma_semaphore, #tpu.memory_space<semaphore_mem>>) src(%dma_wait3A_18 : memref<10000x128xf32, #tpu.memory_space<hbm>>) dst(%arg10 : memref<128x128xf32, #tpu.memory_space<vmem>>)
      "tpu.region"() ({
        %run_scoped3A = tpu.sem_alloc : memref<!tpu.dma_semaphore, #tpu.memory_space<semaphore_mem>>
        %dma_start3A_19 = arith.constant 0 : i32
        %dma_start3A_20 = arith.constant 0 : i32
        %dma_start3A_21 = tpu.memref_slice %arg7[%dma_start3A_19, %dma_start3A_20] : memref<10240x128xf32, #tpu.memory_space<vmem_shared>> -> memref<10240x128xf32, #tpu.memory_space<vmem_shared>>
        tpu.enqueue_indirect_dma source(%arg10 : memref<128x128xf32, #tpu.memory_space<vmem>>) target(%dma_start3A_21 : memref<10240x128xf32, #tpu.memory_space<vmem_shared>>) offsets(%arg9 : memref<128xi32, #tpu.memory_space<vmem>>) semaphore(%run_scoped3A : memref<!tpu.dma_semaphore, #tpu.memory_space<semaphore_mem>>) {add = true}
        %dma_wait3A_22 = arith.constant 0 : i32
        %dma_wait3A_23 = arith.constant 0 : i32
        %dma_wait3A_24 = tpu.memref_slice %arg7[%dma_wait3A_22, %dma_wait3A_23] : memref<10240x128xf32, #tpu.memory_space<vmem_shared>> -> memref<10240x128xf32, #tpu.memory_space<vmem_shared>>
        tpu.wait_indirect_dma semaphore(%run_scoped3A : memref<!tpu.dma_semaphore, #tpu.memory_space<semaphore_mem>>) src(%arg10 : memref<128x128xf32, #tpu.memory_space<vmem>>) dst(%dma_wait3A_24 : memref<10240x128xf32, #tpu.memory_space<vmem_shared>>)
        tpu.yield
      }) : () -> ()
    }
    %scan3A_9 = arith.constant 81 : i32
    %barrier3A_10 = arith.constant 0 : index
    tpu.barrier barrier_id(%barrier3A_10)
    "tpu.region"() ({
      %run_scoped3A = tpu.sem_alloc : memref<!tpu.dma_semaphore, #tpu.memory_space<semaphore_mem>>
      %dma_start3A = arith.constant 0 : i32
      %dma_start3A_11 = tpu.memref_slice %arg6[%arg0, %mul3A_4, %dma_start3A] : memref<2x10240x128xf32, #tpu.memory_space<hbm>> -> memref<1x640x128xf32, #tpu.memory_space<hbm>>
      %dma_start3A_12 = tpu.memref_squeeze %dma_start3A_11 : memref<1x640x128xf32, #tpu.memory_space<hbm>> -> memref<640x128xf32, #tpu.memory_space<hbm>>
      %dma_start3A_13 = arith.constant 0 : i32
      %dma_start3A_14 = tpu.memref_slice %arg7[%mul3A_4, %dma_start3A_13] : memref<10240x128xf32, #tpu.memory_space<vmem_shared>> -> memref<640x128xf32, #tpu.memory_space<vmem_shared>>
      tpu.enqueue_dma source(%dma_start3A_14 : memref<640x128xf32, #tpu.memory_space<vmem_shared>>) target(%dma_start3A_12 : memref<640x128xf32, #tpu.memory_space<hbm>>) target_semaphore(%run_scoped3A : memref<!tpu.dma_semaphore, #tpu.memory_space<semaphore_mem>>)
      %dma_wait3A = arith.constant 0 : i32
      %dma_wait3A_15 = tpu.memref_slice %arg6[%arg0, %mul3A_4, %dma_wait3A] : memref<2x10240x128xf32, #tpu.memory_space<hbm>> -> memref<1x640x128xf32, #tpu.memory_space<hbm>>
      %dma_wait3A_16 = tpu.memref_squeeze %dma_wait3A_15 : memref<1x640x128xf32, #tpu.memory_space<hbm>> -> memref<640x128xf32, #tpu.memory_space<hbm>>
      %dma_wait3A_17 = arith.constant 0 : i32
      %dma_wait3A_18 = tpu.memref_slice %arg7[%mul3A_4, %dma_wait3A_17] : memref<10240x128xf32, #tpu.memory_space<vmem_shared>> -> memref<640x128xf32, #tpu.memory_space<vmem_shared>>
      tpu.wait_dma2 semaphore(%run_scoped3A : memref<!tpu.dma_semaphore, #tpu.memory_space<semaphore_mem>>) src(%dma_wait3A_18 : memref<640x128xf32, #tpu.memory_space<vmem_shared>>) dst(%dma_wait3A_16 : memref<640x128xf32, #tpu.memory_space<hbm>>)
      tpu.yield
    }) : () -> ()
    return
  }
}

module attributes {stable_mosaic.version = 14 : i64} {
  func.func @_tc2_body(%arg0: i32, %arg1: memref<2x2048x128xf32, #tpu.memory_space<vmem>>, %arg2: memref<2048x2xf32, #tpu.memory_space<vmem>>, %arg3: memref<1x128xf32, #tpu.memory_space<vmem>>, %arg4: memref<128x128xf32, #tpu.memory_space<vmem>>, %arg5: memref<128x2xf32, #tpu.memory_space<vmem>>, %arg6: memref<2048x128xf32, #tpu.memory_space<vmem>>, %arg7: memref<2048x1xf32, #tpu.memory_space<vmem>>, %arg8: memref<2048x1xf32, #tpu.memory_space<vmem>>) attributes {dimension_semantics = [#tpu.dimension_semantics<arbitrary>], iteration_bounds = array<i64: 5>, scalar_prefetch = 0 : i64, scratch_operands = 0 : i64, tpu.core_type = #tpu.core_type<tc>, window_params = [{transform_indices = @transform_0, window_bounds = array<i64: 2, 2048, 128>}, {transform_indices = @transform_1, window_bounds = array<i64: 2048, 2>}, {pipeline_mode = #tpu.pipeline_mode<synchronous>, transform_indices = @transform_2, window_bounds = array<i64: 1, 128>}, {pipeline_mode = #tpu.pipeline_mode<synchronous>, transform_indices = @transform_3, window_bounds = array<i64: 128, 128>}, {pipeline_mode = #tpu.pipeline_mode<synchronous>, transform_indices = @transform_4, window_bounds = array<i64: 128, 2>}, {transform_indices = @transform_5, window_bounds = array<i64: 2048, 128>}, {transform_indices = @transform_6, window_bounds = array<i64: 2048, 1>}, {transform_indices = @transform_7, window_bounds = array<i64: 2048, 1>}]} {
    %get3A = arith.constant 0 : index
    %get3A_0 = arith.constant 0 : index
    %get3A_1 = vector.load %arg2[%get3A, %get3A_0] : memref<2048x2xf32, #tpu.memory_space<vmem>>, vector<2048x1xf32>
    %get3A_2 = arith.constant 0 : index
    %get3A_3 = arith.constant 1 : index
    %get3A_4 = vector.load %arg2[%get3A_2, %get3A_3] : memref<2048x2xf32, #tpu.memory_space<vmem>>, vector<2048x1xf32>
    %add3A = arith.addf %get3A_1, %get3A_4 : vector<2048x1xf32>
    %gt3A = arith.constant 0.000000e+00 : f32
    %gt3A_5 = vector.broadcast %gt3A : f32 to vector<2048x1xf32>
    %gt3A_6 = arith.cmpf ogt, %add3A, %gt3A_5 : vector<2048x1xf32>
    %max3A = arith.constant 9.99999996E-13 : f32
    %max3A_7 = vector.broadcast %max3A : f32 to vector<2048x1xf32>
    %max3A_8 = arith.maximumf %add3A, %max3A_7 : vector<2048x1xf32>
    %rsqrt3A = math.rsqrt %max3A_8 : vector<2048x1xf32>
    %jit3A = arith.constant 0.000000e+00 : f32
    %broadcast_in_dim3A = vector.broadcast %jit3A : f32 to vector<2048x1xf32>
    %select_n3A = arith.select %gt3A_6, %rsqrt3A, %broadcast_in_dim3A : vector<2048x1xi1>, vector<2048x1xf32>
    %get3A_9 = arith.constant 0 : index
    %get3A_10 = arith.constant 0 : index
    %get3A_11 = arith.constant 0 : index
    %get3A_12 = vector.load %arg1[%get3A_9, %get3A_10, %get3A_11] : memref<2x2048x128xf32, #tpu.memory_space<vmem>>, vector<1x2048x128xf32>
    %get3A_13 = vector.shape_cast %get3A_12 : vector<1x2048x128xf32> to vector<2048x128xf32>
    %get3A_14 = arith.constant 1 : index
    %get3A_15 = arith.constant 0 : index
    %get3A_16 = arith.constant 0 : index
    %get3A_17 = vector.load %arg1[%get3A_14, %get3A_15, %get3A_16] : memref<2x2048x128xf32, #tpu.memory_space<vmem>>, vector<1x2048x128xf32>
    %get3A_18 = vector.shape_cast %get3A_17 : vector<1x2048x128xf32> to vector<2048x128xf32>
    %add3A_19 = arith.addf %get3A_13, %get3A_18 : vector<2048x128xf32>
    %mul3A = vector.broadcast %select_n3A : vector<2048x1xf32> to vector<2048x128xf32>
    %mul3A_20 = arith.mulf %add3A_19, %mul3A : vector<2048x128xf32>
    %get3A_21 = arith.constant 0 : index
    %get3A_22 = arith.constant 0 : index
    %get3A_23 = vector.load %arg3[%get3A_21, %get3A_22] : memref<1x128xf32, #tpu.memory_space<vmem>>, vector<1x128xf32>
    %add3A_24 = vector.broadcast %get3A_23 : vector<1x128xf32> to vector<2048x128xf32>
    %add3A_25 = arith.addf %mul3A_20, %add3A_24 : vector<2048x128xf32>
    %mul3A_26 = arith.constant 0.00999999977 : f32
    %mul3A_27 = vector.broadcast %mul3A_26 : f32 to vector<2048x128xf32>
    %mul3A_28 = arith.mulf %mul3A_27, %add3A_25 : vector<2048x128xf32>
    %max3A_29 = arith.maximumf %add3A_25, %mul3A_28 : vector<2048x128xf32>
    %get3A_30 = arith.constant 0 : index
    %get3A_31 = arith.constant 0 : index
    %get3A_32 = vector.load %arg4[%get3A_30, %get3A_31] : memref<128x128xf32, #tpu.memory_space<vmem>>, vector<128x128xf32>
    %dot_general3A = arith.constant dense<0.000000e+00> : vector<2048x128xf32>
    %dot_general3A_33 = tpu.matmul %max3A_29, %get3A_32, %dot_general3A {dimension_numbers = #tpu.dot_dimension_numbers<[1], [0], [0], [1], [0, 0, 1, 1], [], []>, transpose_lhs_hint = false} : vector<2048x128xf32>, vector<128x128xf32>, vector<2048x128xf32> -> vector<2048x128xf32>
    %swap3A = arith.constant 0 : index
    %swap3A_34 = arith.constant 0 : index
    %swap3A_35 = vector.load %arg6[%swap3A, %swap3A_34] : memref<2048x128xf32, #tpu.memory_space<vmem>>, vector<2048x128xf32>
    tpu.vector_store %arg6[%swap3A, %swap3A_34], %dot_general3A_33 {strides = array<i32>} : memref<2048x128xf32, #tpu.memory_space<vmem>>, vector<2048x128xf32>,
    %get3A_36 = arith.constant 0 : index
    %get3A_37 = arith.constant 0 : index
    %get3A_38 = vector.load %arg5[%get3A_36, %get3A_37] : memref<128x2xf32, #tpu.memory_space<vmem>>, vector<128x2xf32>
    %dot_general3A_39 = arith.constant dense<0.000000e+00> : vector<2048x2xf32>
    %dot_general3A_40 = tpu.matmul %dot_general3A_33, %get3A_38, %dot_general3A_39 {dimension_numbers = #tpu.dot_dimension_numbers<[1], [0], [0], [1], [0, 0, 1, 1], [], []>, transpose_lhs_hint = false} : vector<2048x128xf32>, vector<128x2xf32>, vector<2048x2xf32> -> vector<2048x2xf32>
    %slice3A = vector.extract_strided_slice %dot_general3A_40 {offsets = [0, 0], sizes = [2048, 1], strides = [1, 1]} : vector<2048x2xf32> to vector<2048x1xf32>
    %swap3A_41 = arith.constant 0 : index
    %swap3A_42 = arith.constant 0 : index
    %swap3A_43 = vector.load %arg7[%swap3A_41, %swap3A_42] : memref<2048x1xf32, #tpu.memory_space<vmem>>, vector<2048x1xf32>
    tpu.vector_store %arg7[%swap3A_41, %swap3A_42], %slice3A {strides = array<i32>} : memref<2048x1xf32, #tpu.memory_space<vmem>>, vector<2048x1xf32>,
    %slice3A_44 = vector.extract_strided_slice %dot_general3A_40 {offsets = [0, 1], sizes = [2048, 1], strides = [1, 1]} : vector<2048x2xf32> to vector<2048x1xf32>
    %swap3A_45 = arith.constant 0 : index
    %swap3A_46 = arith.constant 0 : index
    %swap3A_47 = vector.load %arg8[%swap3A_45, %swap3A_46] : memref<2048x1xf32, #tpu.memory_space<vmem>>, vector<2048x1xf32>
    tpu.vector_store %arg8[%swap3A_45, %swap3A_46], %slice3A_44 {strides = array<i32>} : memref<2048x1xf32, #tpu.memory_space<vmem>>, vector<2048x1xf32>,
    return
  }
  func.func @transform_0(%arg0: i32) -> (i32, i32, i32) {
    %c0_i32 = arith.constant 0 : i32
    %c0_i32_0 = arith.constant 0 : i32
    %c0_i32_1 = arith.constant 0 : i32
    return %c0_i32, %arg0, %c0_i32_0 : i32, i32, i32
  }
  func.func @transform_1(%arg0: i32) -> (i32, i32) {
    %c0_i32 = arith.constant 0 : i32
    %c0_i32_0 = arith.constant 0 : i32
    return %arg0, %c0_i32 : i32, i32
  }
  func.func @transform_2(%arg0: i32) -> (i32, i32) {
    %c0_i32 = arith.constant 0 : i32
    %c0_i32_0 = arith.constant 0 : i32
    %c0_i32_1 = arith.constant 0 : i32
    return %c0_i32, %c0_i32_0 : i32, i32
  }
  func.func @transform_3(%arg0: i32) -> (i32, i32) {
    %c0_i32 = arith.constant 0 : i32
    %c0_i32_0 = arith.constant 0 : i32
    %c0_i32_1 = arith.constant 0 : i32
    return %c0_i32, %c0_i32_0 : i32, i32
  }
  func.func @transform_4(%arg0: i32) -> (i32, i32) {
    %c0_i32 = arith.constant 0 : i32
    %c0_i32_0 = arith.constant 0 : i32
    %c0_i32_1 = arith.constant 0 : i32
    return %c0_i32, %c0_i32_0 : i32, i32
  }
  func.func @transform_5(%arg0: i32) -> (i32, i32) {
    %c0_i32 = arith.constant 0 : i32
    %c0_i32_0 = arith.constant 0 : i32
    return %arg0, %c0_i32 : i32, i32
  }
  func.func @transform_6(%arg0: i32) -> (i32, i32) {
    %c0_i32 = arith.constant 0 : i32
    %c0_i32_0 = arith.constant 0 : i32
    return %arg0, %c0_i32 : i32, i32
  }
  func.func @transform_7(%arg0: i32) -> (i32, i32) {
    %c0_i32 = arith.constant 0 : i32
    %c0_i32_0 = arith.constant 0 : i32
    return %arg0, %c0_i32 : i32, i32
  }
}

module attributes {stable_mosaic.version = 14 : i64} {
  func.func @_tc1_body(%arg0: i32, %arg1: memref<1000x128xf32, #tpu.memory_space<vmem>>, %arg2: memref<128x128xf32, #tpu.memory_space<vmem>>, %arg3: memref<1000x2xf32, #tpu.memory_space<vmem>>, %arg4: memref<1000x128xf32, #tpu.memory_space<vmem>>) attributes {dimension_semantics = [#tpu.dimension_semantics<arbitrary>], iteration_bounds = array<i64: 10>, scalar_prefetch = 0 : i64, scratch_operands = 0 : i64, tpu.core_type = #tpu.core_type<tc>, window_params = [{transform_indices = @transform_0, window_bounds = array<i64: 1000, 128>}, {pipeline_mode = #tpu.pipeline_mode<synchronous>, transform_indices = @transform_1, window_bounds = array<i64: 128, 128>}, {transform_indices = @transform_2, window_bounds = array<i64: 1000, 2>}, {transform_indices = @transform_3, window_bounds = array<i64: 1000, 128>}]} {
    %get3A = arith.constant 0 : index
    %get3A_0 = arith.constant 0 : index
    %get3A_1 = vector.load %arg3[%get3A, %get3A_0] : memref<1000x2xf32, #tpu.memory_space<vmem>>, vector<1000x1xf32>
    %get3A_2 = arith.constant 0 : index
    %get3A_3 = arith.constant 1 : index
    %get3A_4 = vector.load %arg3[%get3A_2, %get3A_3] : memref<1000x2xf32, #tpu.memory_space<vmem>>, vector<1000x1xf32>
    %add3A = arith.addf %get3A_1, %get3A_4 : vector<1000x1xf32>
    %gt3A = arith.constant 0.000000e+00 : f32
    %gt3A_5 = vector.broadcast %gt3A : f32 to vector<1000x1xf32>
    %gt3A_6 = arith.cmpf ogt, %add3A, %gt3A_5 : vector<1000x1xf32>
    %max3A = arith.constant 9.99999996E-13 : f32
    %max3A_7 = vector.broadcast %max3A : f32 to vector<1000x1xf32>
    %max3A_8 = arith.maximumf %add3A, %max3A_7 : vector<1000x1xf32>
    %rsqrt3A = math.rsqrt %max3A_8 : vector<1000x1xf32>
    %jit3A = arith.constant 0.000000e+00 : f32
    %broadcast_in_dim3A = vector.broadcast %jit3A : f32 to vector<1000x1xf32>
    %select_n3A = arith.select %gt3A_6, %rsqrt3A, %broadcast_in_dim3A : vector<1000x1xi1>, vector<1000x1xf32>
    %get3A_9 = arith.constant 0 : index
    %get3A_10 = arith.constant 0 : index
    %get3A_11 = vector.load %arg1[%get3A_9, %get3A_10] : memref<1000x128xf32, #tpu.memory_space<vmem>>, vector<1000x128xf32>
    %get3A_12 = arith.constant 0 : index
    %get3A_13 = arith.constant 0 : index
    %get3A_14 = vector.load %arg2[%get3A_12, %get3A_13] : memref<128x128xf32, #tpu.memory_space<vmem>>, vector<128x128xf32>
    %dot_general3A = arith.constant dense<0.000000e+00> : vector<1000x128xf32>
    %dot_general3A_15 = tpu.matmul %get3A_11, %get3A_14, %dot_general3A {dimension_numbers = #tpu.dot_dimension_numbers<[1], [0], [0], [1], [0, 0, 1, 1], [], []>, transpose_lhs_hint = false} : vector<1000x128xf32>, vector<128x128xf32>, vector<1000x128xf32> -> vector<1000x128xf32>
    %mul3A = vector.broadcast %select_n3A : vector<1000x1xf32> to vector<1000x128xf32>
    %mul3A_16 = arith.mulf %dot_general3A_15, %mul3A : vector<1000x128xf32>
    %swap3A = arith.constant 0 : index
    %swap3A_17 = arith.constant 0 : index
    %swap3A_18 = vector.load %arg4[%swap3A, %swap3A_17] : memref<1000x128xf32, #tpu.memory_space<vmem>>, vector<1000x128xf32>
    tpu.vector_store %arg4[%swap3A, %swap3A_17], %mul3A_16 {strides = array<i32>} : memref<1000x128xf32, #tpu.memory_space<vmem>>, vector<1000x128xf32>,
    return
  }
  func.func @transform_0(%arg0: i32) -> (i32, i32) {
    %c0_i32 = arith.constant 0 : i32
    %c0_i32_0 = arith.constant 0 : i32
    return %arg0, %c0_i32 : i32, i32
  }
  func.func @transform_1(%arg0: i32) -> (i32, i32) {
    %c0_i32 = arith.constant 0 : i32
    %c0_i32_0 = arith.constant 0 : i32
    %c0_i32_1 = arith.constant 0 : i32
    return %c0_i32, %c0_i32_0 : i32, i32
  }
  func.func @transform_2(%arg0: i32) -> (i32, i32) {
    %c0_i32 = arith.constant 0 : i32
    %c0_i32_0 = arith.constant 0 : i32
    return %arg0, %c0_i32 : i32, i32
  }
  func.func @transform_3(%arg0: i32) -> (i32, i32) {
    %c0_i32 = arith.constant 0 : i32
    %c0_i32_0 = arith.constant 0 : i32
    return %arg0, %c0_i32 : i32, i32
  }
}

module attributes {stable_mosaic.version = 14 : i64} {
  func.func @_exp_body(%arg0: i32, %arg1: memref<1296x128xf32, #tpu.memory_space<vmem>>, %arg2: memref<1296x128xf32, #tpu.memory_space<vmem>>) attributes {dimension_semantics = [#tpu.dimension_semantics<arbitrary>], iteration_bounds = array<i64: 2>, scalar_prefetch = 0 : i64, scratch_operands = 0 : i64, tpu.core_type = #tpu.core_type<tc>, window_params = [{transform_indices = @transform_0, window_bounds = array<i64: 1296, 128>}, {transform_indices = @transform_1, window_bounds = array<i64: 1296, 128>}]} {
    %get3A = arith.constant 0 : index
    %get3A_0 = arith.constant 0 : index
    %get3A_1 = vector.load %arg1[%get3A, %get3A_0] : memref<1296x128xf32, #tpu.memory_space<vmem>>, vector<1296x128xf32>
    %exp3A = math.exp %get3A_1 : vector<1296x128xf32>
    %swap3A = arith.constant 0 : index
    %swap3A_2 = arith.constant 0 : index
    %swap3A_3 = vector.load %arg2[%swap3A, %swap3A_2] : memref<1296x128xf32, #tpu.memory_space<vmem>>, vector<1296x128xf32>
    tpu.vector_store %arg2[%swap3A, %swap3A_2], %exp3A {strides = array<i32>} : memref<1296x128xf32, #tpu.memory_space<vmem>>, vector<1296x128xf32>,
    return
  }
  func.func @transform_0(%arg0: i32) -> (i32, i32) {
    %c0_i32 = arith.constant 0 : i32
    %c0_i32_0 = arith.constant 0 : i32
    return %arg0, %c0_i32 : i32, i32
  }
  func.func @transform_1(%arg0: i32) -> (i32, i32) {
    %c0_i32 = arith.constant 0 : i32
    %c0_i32_0 = arith.constant 0 : i32
    return %arg0, %c0_i32 : i32, i32
  }
}

module attributes {stable_mosaic.version = 14 : i64} {
  func.func @_tc3_body(%arg0: i32, %arg1: memref<2x1000x128xf32, #tpu.memory_space<vmem>>, %arg2: memref<1000x2xf32, #tpu.memory_space<vmem>>, %arg3: memref<1x128xf32, #tpu.memory_space<vmem>>, %arg4: memref<1x1x1000xi32, #tpu.memory_space<vmem>>, %arg5: memref<128x1xf32, #tpu.memory_space<vmem>>, %arg6: memref<1x1xf32, #tpu.memory_space<vmem>>, %arg7: memref<64x1xf32, #tpu.memory_space<vmem>>, %arg8: memref<64x128xf32, #tpu.memory_space<vmem>>, %arg9: memref<64x1xf32, #tpu.memory_space<vmem>>) attributes {dimension_semantics = [#tpu.dimension_semantics<arbitrary>], iteration_bounds = array<i64: 10>, scalar_prefetch = 0 : i64, scratch_operands = 2 : i64, tpu.core_type = #tpu.core_type<tc>, window_params = [{transform_indices = @transform_0, window_bounds = array<i64: 2, 1000, 128>}, {transform_indices = @transform_1, window_bounds = array<i64: 1000, 2>}, {pipeline_mode = #tpu.pipeline_mode<synchronous>, transform_indices = @transform_2, window_bounds = array<i64: 1, 128>}, {transform_indices = @transform_3, window_bounds = array<i64: 1, 1, 1000>}, {pipeline_mode = #tpu.pipeline_mode<synchronous>, transform_indices = @transform_4, window_bounds = array<i64: 128, 1>}, {pipeline_mode = #tpu.pipeline_mode<synchronous>, transform_indices = @transform_5, window_bounds = array<i64: 1, 1>}, {pipeline_mode = #tpu.pipeline_mode<synchronous>, transform_indices = @transform_6, window_bounds = array<i64: 64, 1>}]} {
    %eq3A = arith.constant 0 : i32
    %eq3A_0 = arith.cmpi eq, %arg0, %eq3A : i32
    %convert_element_type3A = arith.extui %eq3A_0 : i1 to i32
    %cond3A = arith.constant 0 : i32
    %cond3A_1 = arith.cmpi ne, %convert_element_type3A, %cond3A : i32
    scf.if %cond3A_1 {
      %broadcast_in_dim3A_58 = arith.constant 0.000000e+00 : f32
      %broadcast_in_dim3A_59 = vector.broadcast %broadcast_in_dim3A_58 : f32 to vector<64x128xf32>
      %swap3A_60 = arith.constant 0 : index
      %swap3A_61 = arith.constant 0 : index
      %swap3A_62 = vector.load %arg8[%swap3A_60, %swap3A_61] : memref<64x128xf32, #tpu.memory_space<vmem>>, vector<64x128xf32>
      tpu.vector_store %arg8[%swap3A_60, %swap3A_61], %broadcast_in_dim3A_59 {strides = array<i32>} : memref<64x128xf32, #tpu.memory_space<vmem>>, vector<64x128xf32>,
      %broadcast_in_dim3A_63 = arith.constant 0.000000e+00 : f32
      %broadcast_in_dim3A_64 = vector.broadcast %broadcast_in_dim3A_63 : f32 to vector<64x1xf32>
      %swap3A_65 = arith.constant 0 : index
      %swap3A_66 = arith.constant 0 : index
      %swap3A_67 = vector.load %arg9[%swap3A_65, %swap3A_66] : memref<64x1xf32, #tpu.memory_space<vmem>>, vector<64x1xf32>
      tpu.vector_store %arg9[%swap3A_65, %swap3A_66], %broadcast_in_dim3A_64 {strides = array<i32>} : memref<64x1xf32, #tpu.memory_space<vmem>>, vector<64x1xf32>,
    } else {
    }
    %get3A = arith.constant 0 : index
    %get3A_2 = arith.constant 0 : index
    %get3A_3 = vector.load %arg2[%get3A, %get3A_2] : memref<1000x2xf32, #tpu.memory_space<vmem>>, vector<1000x1xf32>
    %get3A_4 = arith.constant 0 : index
    %get3A_5 = arith.constant 1 : index
    %get3A_6 = vector.load %arg2[%get3A_4, %get3A_5] : memref<1000x2xf32, #tpu.memory_space<vmem>>, vector<1000x1xf32>
    %add3A = arith.addf %get3A_3, %get3A_6 : vector<1000x1xf32>
    %get3A_7 = arith.constant 0 : index
    %get3A_8 = arith.constant 0 : index
    %get3A_9 = arith.constant 0 : index
    %get3A_10 = vector.load %arg1[%get3A_7, %get3A_8, %get3A_9] : memref<2x1000x128xf32, #tpu.memory_space<vmem>>, vector<1x1000x128xf32>
    %get3A_11 = vector.shape_cast %get3A_10 : vector<1x1000x128xf32> to vector<1000x128xf32>
    %get3A_12 = arith.constant 1 : index
    %get3A_13 = arith.constant 0 : index
    %get3A_14 = arith.constant 0 : index
    %get3A_15 = vector.load %arg1[%get3A_12, %get3A_13, %get3A_14] : memref<2x1000x128xf32, #tpu.memory_space<vmem>>, vector<1x1000x128xf32>
    %get3A_16 = vector.shape_cast %get3A_15 : vector<1x1000x128xf32> to vector<1000x128xf32>
    %add3A_17 = arith.addf %get3A_11, %get3A_16 : vector<1000x128xf32>
    %max3A = arith.constant 1.000000e-16 : f32
    %max3A_18 = vector.broadcast %max3A : f32 to vector<1000x1xf32>
    %max3A_19 = arith.maximumf %add3A, %max3A_18 : vector<1000x1xf32>
    %div3A = vector.broadcast %max3A_19 : vector<1000x1xf32> to vector<1000x128xf32>
    %div3A_20 = arith.divf %add3A_17, %div3A : vector<1000x128xf32>
    %get3A_21 = arith.constant 0 : index
    %get3A_22 = arith.constant 0 : index
    %get3A_23 = vector.load %arg3[%get3A_21, %get3A_22] : memref<1x128xf32, #tpu.memory_space<vmem>>, vector<1x128xf32>
    %add3A_24 = vector.broadcast %get3A_23 : vector<1x128xf32> to vector<1000x128xf32>
    %add3A_25 = arith.addf %div3A_20, %add3A_24 : vector<1000x128xf32>
    %mul3A = arith.constant 0.00999999977 : f32
    %mul3A_26 = vector.broadcast %mul3A : f32 to vector<1000x128xf32>
    %mul3A_27 = arith.mulf %mul3A_26, %add3A_25 : vector<1000x128xf32>
    %max3A_28 = arith.maximumf %add3A_25, %mul3A_27 : vector<1000x128xf32>
    %get3A_29 = arith.constant 0 : index
    %get3A_30 = arith.constant 0 : index
    %get3A_31 = arith.constant 0 : index
    %get3A_32 = vector.load %arg4[%get3A_29, %get3A_30, %get3A_31] : memref<1x1x1000xi32, #tpu.memory_space<vmem>>, vector<1x1x1000xi32>
    %get3A_33 = vector.shape_cast %get3A_32 : vector<1x1x1000xi32> to vector<1x1000xi32>
    %iota3A = tpu.iota {dimensions = array<i32: 0>} : vector<64x1000xi32>
    %eq3A_34 = vector.broadcast %get3A_33 : vector<1x1000xi32> to vector<64x1000xi32>
    %eq3A_35 = arith.cmpi eq, %iota3A, %eq3A_34 : vector<64x1000xi32>
    %convert_element_type3A_36 = arith.extui %eq3A_35 : vector<64x1000xi1> to vector<64x1000xi32>
    %convert_element_type3A_37 = arith.sitofp %convert_element_type3A_36 : vector<64x1000xi32> to vector<64x1000xf32>
    %get3A_38 = arith.constant 0 : index
    %get3A_39 = arith.constant 0 : index
    %get3A_40 = vector.load %arg8[%get3A_38, %get3A_39] : memref<64x128xf32, #tpu.memory_space<vmem>>, vector<64x128xf32>
    %dot_general3A = arith.constant dense<0.000000e+00> : vector<64x128xf32>
    %dot_general3A_41 = tpu.matmul %convert_element_type3A_37, %max3A_28, %dot_general3A {dimension_numbers = #tpu.dot_dimension_numbers<[1], [0], [0], [1], [0, 0, 1, 1], [], []>, transpose_lhs_hint = false} : vector<64x1000xf32>, vector<1000x128xf32>, vector<64x128xf32> -> vector<64x128xf32>
    %add3A_42 = arith.addf %get3A_40, %dot_general3A_41 : vector<64x128xf32>
    %swap3A = arith.constant 0 : index
    %swap3A_43 = arith.constant 0 : index
    %swap3A_44 = vector.load %arg8[%swap3A, %swap3A_43] : memref<64x128xf32, #tpu.memory_space<vmem>>, vector<64x128xf32>
    tpu.vector_store %arg8[%swap3A, %swap3A_43], %add3A_42 {strides = array<i32>} : memref<64x128xf32, #tpu.memory_space<vmem>>, vector<64x128xf32>,
    %get3A_45 = arith.constant 0 : index
    %get3A_46 = arith.constant 0 : index
    %get3A_47 = vector.load %arg9[%get3A_45, %get3A_46] : memref<64x1xf32, #tpu.memory_space<vmem>>, vector<64x1xf32>
    %reduce_sum3A = arith.constant dense<0.000000e+00> : vector<64xf32>
    %reduce_sum3A_48 = vector.multi_reduction <add>, %convert_element_type3A_37, %reduce_sum3A [1] : vector<64x1000xf32> to vector<64xf32>
    %broadcast_in_dim3A = vector.shape_cast %reduce_sum3A_48 : vector<64xf32> to vector<64x1xf32>
    %add3A_49 = arith.addf %get3A_47, %broadcast_in_dim3A : vector<64x1xf32>
    %swap3A_50 = arith.constant 0 : index
    %swap3A_51 = arith.constant 0 : index
    %swap3A_52 = vector.load %arg9[%swap3A_50, %swap3A_51] : memref<64x1xf32, #tpu.memory_space<vmem>>, vector<64x1xf32>
    tpu.vector_store %arg9[%swap3A_50, %swap3A_51], %add3A_49 {strides = array<i32>} : memref<64x1xf32, #tpu.memory_space<vmem>>, vector<64x1xf32>,
    %eq3A_53 = arith.constant 9 : i32
    %eq3A_54 = arith.cmpi eq, %arg0, %eq3A_53 : i32
    %convert_element_type3A_55 = arith.extui %eq3A_54 : i1 to i32
    %cond3A_56 = arith.constant 0 : i32
    %cond3A_57 = arith.cmpi ne, %convert_element_type3A_55, %cond3A_56 : i32
    scf.if %cond3A_57 {
      %get3A_58 = arith.constant 0 : index
      %get3A_59 = arith.constant 0 : index
      %get3A_60 = vector.load %arg8[%get3A_58, %get3A_59] : memref<64x128xf32, #tpu.memory_space<vmem>>, vector<64x128xf32>
      %get3A_61 = arith.constant 0 : index
      %get3A_62 = arith.constant 0 : index
      %get3A_63 = vector.load %arg9[%get3A_61, %get3A_62] : memref<64x1xf32, #tpu.memory_space<vmem>>, vector<64x1xf32>
      %max3A_64 = arith.constant 1.000000e+00 : f32
      %max3A_65 = vector.broadcast %max3A_64 : f32 to vector<64x1xf32>
      %max3A_66 = arith.maximumf %get3A_63, %max3A_65 : vector<64x1xf32>
      %div3A_67 = vector.broadcast %max3A_66 : vector<64x1xf32> to vector<64x128xf32>
      %div3A_68 = arith.divf %get3A_60, %div3A_67 : vector<64x128xf32>
      %get3A_69 = arith.constant 0 : index
      %get3A_70 = arith.constant 0 : index
      %get3A_71 = vector.load %arg5[%get3A_69, %get3A_70] : memref<128x1xf32, #tpu.memory_space<vmem>>, vector<128x1xf32>
      %dot_general3A_72 = arith.constant dense<0.000000e+00> : vector<64x1xf32>
      %dot_general3A_73 = tpu.matmul %div3A_68, %get3A_71, %dot_general3A_72 {dimension_numbers = #tpu.dot_dimension_numbers<[1], [0], [0], [1], [0, 0, 1, 1], [], []>, transpose_lhs_hint = false} : vector<64x128xf32>, vector<128x1xf32>, vector<64x1xf32> -> vector<64x1xf32>
      %get3A_74 = arith.constant 0 : index
      %get3A_75 = arith.constant 0 : index
      %get3A_76 = vector.load %arg6[%get3A_74, %get3A_75] : memref<1x1xf32, #tpu.memory_space<vmem>>, vector<1x1xf32>
      %add3A_77 = vector.broadcast %get3A_76 : vector<1x1xf32> to vector<64x1xf32>
      %add3A_78 = arith.addf %dot_general3A_73, %add3A_77 : vector<64x1xf32>
      %swap3A_79 = arith.constant 0 : index
      %swap3A_80 = arith.constant 0 : index
      %swap3A_81 = vector.load %arg7[%swap3A_79, %swap3A_80] : memref<64x1xf32, #tpu.memory_space<vmem>>, vector<64x1xf32>
      tpu.vector_store %arg7[%swap3A_79, %swap3A_80], %add3A_78 {strides = array<i32>} : memref<64x1xf32, #tpu.memory_space<vmem>>, vector<64x1xf32>,
    } else {
    }
    return
  }
  func.func @transform_0(%arg0: i32) -> (i32, i32, i32) {
    %c0_i32 = arith.constant 0 : i32
    %c0_i32_0 = arith.constant 0 : i32
    %c0_i32_1 = arith.constant 0 : i32
    return %c0_i32, %arg0, %c0_i32_0 : i32, i32, i32
  }
  func.func @transform_1(%arg0: i32) -> (i32, i32) {
    %c0_i32 = arith.constant 0 : i32
    %c0_i32_0 = arith.constant 0 : i32
    return %arg0, %c0_i32 : i32, i32
  }
  func.func @transform_2(%arg0: i32) -> (i32, i32) {
    %c0_i32 = arith.constant 0 : i32
    %c0_i32_0 = arith.constant 0 : i32
    %c0_i32_1 = arith.constant 0 : i32
    return %c0_i32, %c0_i32_0 : i32, i32
  }
  func.func @transform_3(%arg0: i32) -> (i32, i32, i32) {
    %c0_i32 = arith.constant 0 : i32
    %c0_i32_0 = arith.constant 0 : i32
    %c0_i32_1 = arith.constant 0 : i32
    return %arg0, %c0_i32, %c0_i32_0 : i32, i32, i32
  }
  func.func @transform_4(%arg0: i32) -> (i32, i32) {
    %c0_i32 = arith.constant 0 : i32
    %c0_i32_0 = arith.constant 0 : i32
    %c0_i32_1 = arith.constant 0 : i32
    return %c0_i32, %c0_i32_0 : i32, i32
  }
  func.func @transform_5(%arg0: i32) -> (i32, i32) {
    %c0_i32 = arith.constant 0 : i32
    %c0_i32_0 = arith.constant 0 : i32
    %c0_i32_1 = arith.constant 0 : i32
    return %c0_i32, %c0_i32_0 : i32, i32
  }
  func.func @transform_6(%arg0: i32) -> (i32, i32) {
    %c0_i32 = arith.constant 0 : i32
    %c0_i32_0 = arith.constant 0 : i32
    %c0_i32_1 = arith.constant 0 : i32
    return %c0_i32, %c0_i32_0 : i32, i32
  }
}

</mosaic_0001>

<sc_bundles>
// kernel: kernel.10.cloned.1.call-start
scs
__scs_entry_jumppad:
0x0: {  	(pc) =	sbr.rel $0x88, $3  }
0x1: {  	(tag) =	ssettag $0x0;
	lr =	simm.s32 $0x1  }
0x2: {  	[smem:$0x3F96] =	sst lr;
	_ =	strace $0xD0000000  }
0x3: {  	_ = 	snop  }
0x4: {  	_ = 	snop  }
0x5: {  	_ = 	snop  }
0x6: {  	_ = 	snop  }
0x7: {  	_ = 	snop  }
__scs_overlays_trampoline_lowered:
0x8: {  	[smem:$0x3FA5] =	sst s0  }
0x9: {  	[smem:$0x3FA6] =	sst s1  }
0xa: {  	[smem:$0x3FA7] =	sst s2  }
0xb: {  	[smem:$0x3FA8] =	sst s3  }
0xc: {  	[smem:$0x3FA9] =	sst s4  }
0xd: {  	[smem:$0x3FAA] =	sst s5  }
0xe: {  	[smem:$0x3FAB] =	sst s6  }
0xf: {  	[smem:$0x3FAC] =	sst s7  }
0x10: {  	[smem:$0x3FAD] =	sst s8  }
0x11: {  	[smem:$0x3FAE] =	sst s9;
	s0 =	simm.s32 @!p0 $0x0  }
0x12: {  	s1 =	sld [smem:$0x3F94];
	s0 =	simm.s32 @p0 $0x1  }
0x13: {  	[smem:$0x3FAF] =	sst s0;
	s0 =	simm.s32 @!p1 $0x0  }
0x14: {  	s2 =	sld [smem:$0x3F93];
	s0 =	simm.s32 @p1 $0x1  }
0x15: {  	[smem:$0x3FB0] =	sst s0;
	s0 =	simm.s32 @!p2 $0x0  }
0x16: {  	s3 =	sld [smem:$0x3FDB];
	s0 =	simm.s32 @p2 $0x1  }
0x17: {  	s4 =	simm.s32 $0x1BF5;
	[smem:$0x3FB2] =	sst s0  }
0x18: {  	s0 =	sld [smem:$0x3F95];
	_ =	swait.ge [sflag:s4], $0x0  }
0x19: {  	s7 =	sld [smem:$0x3F96]  }
0x1a: {  	s8 =	sadd.s32 $0xFFFFE003, lr  }
0x1b: {  	s9 =	sadd.s32 $0xFFFFFEF7, lr;
	s5 =	simm.s32 $0xFFFFFFFF;
	p2 =	slt.u32 s8, $0xFFFFF086  }
0x1c: {  	p1 =	slt.u32 s9, $0xF7A;
	s5 =	simm.s32 @!p2 $0x0  }
0x1d: {  	s5 =	simm.s32 @p1 $0x1;
	p0 =	seq.s32 s7, s2  }
0x1e: {  	s7 =	smul.u32 @!p0 $0xF7A, s2;
	p2 =	seq.s32 @!p0 s5, $0x0  }
0x1f: {  	s9 =	smul.u32 $0xF7A, s1;
	s8 =	simm.s32 @!p0 $0x1BF5;
	p2 =	por !p2, p0  }
0x20: {  	[sflag:s8] =	ssyncset.s32 @!p0 $0xFFFFF086;
	s6 =	sadd.s32 @!p0 s3, s7;
	s7 =	simm.s32 @!p0 $0x108  }
0x21: {  	s3 =	sadd.s32 s3, s9;
	s6 =	sadd.s32 @!p0 $0x88, s6;
	s7 =	simm.s32 @p2 $0x1082  }
0x22: {  	[simem:s7], [sflag:s8] =	dma.local @!p0 [hbm:s6], $0xF7A  }
0x23: {  	s9 =	sor.u32 $0xD0000000, s2;
	s6 =	simm.s32 $0x108;
	_ =	swait.ge @!p0 [sflag:s8], $0x0  }
0x24: {  	s3 =	sadd.s32 $0x88, s3;
	s6 =	simm.s32 @!p1 $0x1082;
	[sflag:s4] =	ssyncset.s32 $0xFFFFF086  }
0x25: {  	[simem:s6], [sflag:s4] =	dma.local [hbm:s3], $0xF7A  }
0x26: {  	[smem:$0x3F96] =	sst s1;
	(tag) =	ssettag s2;
	_ =	strace s9  }
0x27: {  	s1 =	sld [smem:$0x3FA6]  }
0x28: {  	s2 =	sld [smem:$0x3FA7]  }
0x29: {  	s4 =	sld [smem:$0x3FA9]  }
0x2a: {  	p0 =	seq.s32 s5, $0x0;
	s5 =	sld [smem:$0x3FAA]  }
0x2b: {  	s6 =	sld [smem:$0x3FAB]  }
0x2c: {  	s7 =	sld [smem:$0x3FAC]  }
0x2d: {  	s3 =	simm.s32 $0x108;
	s8 =	sld [smem:$0x3FAD]  }
0x2e: {  	s3 =	simm.s32 @!p0 $0x1082;
	s9 =	sld [smem:$0x3FAE]  }
0x2f: {  	lr =	sadd.s32 s0, s3;
	s0 =	sld [smem:$0x3FA5]  }
0x30: {  	s3 =	sld [smem:$0x3FA8]  }
0x31: {  	[smem:$0x3FB1] =	sst s10  }
0x32: {  	s10 =	sld [smem:$0x3FAF];
	_ =	sdelay $0x3  }
0x33: {  	p0 =	seq.s32 s10, $0x1;
	s10 =	sld [smem:$0x3FB1];
	_ =	sdelay $0x3  }
0x34: {  	[smem:$0x3FB1] =	sst s10  }
0x35: {  	s10 =	sld [smem:$0x3FB0];
	_ =	sdelay $0x3  }
0x36: {  	p1 =	seq.s32 s10, $0x1;
	s10 =	sld [smem:$0x3FB1];
	_ =	sdelay $0x3  }
0x37: {  	[smem:$0x3FB1] =	sst s10  }
0x38: {  	s10 =	sld [smem:$0x3FB2]  }
0x39: {  	_ = 	snop;
	(pc) =	sbr.ind lr, $3  }
0x3a: {  	_ = 	snop  }
0x3b: {  	_ = 	snop  }
0x3c: {  	p2 =	seq.s32 s10, $0x1;
	s10 =	sld [smem:$0x3FB1]  }
0x3d: {  	_ =	shalt  }
0x3e: {  	_ =	shalt  }
0x3f: {  	_ =	shalt  }
0x40: {  	_ =	shalt  }
0x41: {  	_ =	shalt  }
0x42: {  	_ =	shalt  }
0x43: {  	_ =	shalt  }
0x44: {  	_ =	shalt  }
0x45: {  	_ =	shalt  }
0x46: {  	_ =	shalt  }
0x47: {  	_ =	shalt  }
0x48: {  	_ =	shalt  }
0x49: {  	_ =	shalt  }
0x4a: {  	_ =	shalt  }
0x4b: {  	_ =	shalt  }
0x4c: {  	_ =	shalt  }
0x4d: {  	_ =	shalt  }
0x4e: {  	_ =	shalt  }
0x4f: {  	_ =	shalt  }
0x50: {  	_ =	shalt  }
0x51: {  	_ =	shalt  }
0x52: {  	_ =	shalt  }
0x53: {  	_ =	shalt  }
0x54: {  	_ =	shalt  }
0x55: {  	_ =	shalt  }
0x56: {  	_ =	shalt  }
0x57: {  	_ =	shalt  }
0x58: {  	_ =	shalt  }
0x59: {  	_ =	shalt  }
0x5a: {  	_ =	shalt  }
0x5b: {  	_ =	shalt  }
0x5c: {  	_ =	shalt  }
0x5d: {  	_ =	shalt  }
0x5e: {  	_ =	shalt  }
0x5f: {  	_ =	shalt  }
0x60: {  	_ =	shalt  }
0x61: {  	_ =	shalt  }
0x62: {  	_ =	shalt  }
0x63: {  	_ =	shalt  }
0x64: {  	_ =	shalt  }
0x65: {  	_ =	shalt  }
0x66: {  	_ =	shalt  }
0x67: {  	_ =	shalt  }
0x68: {  	_ =	shalt  }
0x69: {  	_ =	shalt  }
0x6a: {  	_ =	shalt  }
0x6b: {  	_ =	shalt  }
0x6c: {  	_ =	shalt  }
0x6d: {  	_ =	shalt  }
0x6e: {  	_ =	shalt  }
0x6f: {  	_ =	shalt  }
0x70: {  	_ =	shalt  }
0x71: {  	_ =	shalt  }
0x72: {  	_ =	shalt  }
0x73: {  	_ =	shalt  }
0x74: {  	_ =	shalt  }
0x75: {  	_ =	shalt  }
0x76: {  	_ =	shalt  }
0x77: {  	_ =	shalt  }
0x78: {  	_ =	shalt  }
0x79: {  	_ =	shalt  }
0x7a: {  	_ =	shalt  }
0x7b: {  	_ =	shalt  }
0x7c: {  	_ =	shalt  }
0x7d: {  	_ =	shalt  }
0x7e: {  	_ =	shalt  }
0x7f: {  	_ =	shalt  }
0x80: {  	_ =	shalt  }
0x81: {  	_ =	shalt  }
0x82: {  	_ =	shalt  }
0x83: {  	_ =	shalt  }
0x84: {  	_ =	shalt  }
0x85: {  	_ =	shalt  }
0x86: {  	_ =	shalt  }
0x87: {  	_ =	shalt  }
.Lfunc_end0:
.L_simem_size_0:
called_computation_lowered:
.L_overlay_start_0:
0x88: {  	s2 =	sld [smem:$0x3FD9]  }
0x89: {  	s3 =	sld [smem:$0x3FFE];
	_ =	sdelay $0x1  }
0x8a: {  	s1 =	srdreg.scid  }
0x8b: {  	s0 =	sand.u32 $0x1, s1  }
0x8c: {  	s16 =	sshll.u32 s0, $0xA;
	s2 =	sadd.s32 s3, s2  }
0x8d: {  	s2 =	sadd.s32 s2, s16  }
0x8e: {  	[smem:$0x3FBD] =	sst s2  }
0x8f: {  	_ = 	snop  }
0x90: {  	(tm) =	ssettm $0x1  }
0x91: {  	s17 =	sld [smem:$0x3FFB];
	_ =	sdelay $0x3  }
0x92: {  	_ =	strace s17  }
0x93: {  	s2 =	sld [smem:$0x3FFC];
	_ =	sdelay $0x3  }
0x94: {  	_ =	strace s2  }
0x95: {  	s2 =	sld [smem:$0x3FFD];
	_ =	sdelay $0x3  }
0x96: {  	_ =	strace s2  }
0x97: {  	_ =	strace $0x8FFFFFFF  }
0x98: {  	s18 =	sld [smem:$0x3FDB];
	_ =	sdelay $0x1  }
0x99: {  	s19 =	simm.s32 $_scs_section_size  }
0x9a: {  	s4 =	simm.s32 $_size__tile_overlayer_lowered;
	s5 =	simm.s32 $_tile_overlayer_lowered  }
0x9b: {  	s22 =	simm.s32 $0x1BFF;
	s21 =	sshll.u32 s5, $0x1;
	s2 =	sadd.s32 s19, s18  }
0x9c: {  	s6 =	simm.s32 $0x0;
	s20 =	sshll.u32 s4, $0x1;
	s4 =	sadd.s32 s21, s2  }
0x9d: {  	[timem:s6], [sflag:s22] =	dma.local [hbm:s4], s20  }
0x9e: {  	_ =	swait.ge [sflag:s22], s20  }
0x9f: {  	s3 =	ssub.s32 $0x0, s20;
	[sflag:s22] =	ssyncset.done $0x0  }
0xa0: {  	[sflag:s22] =	ssyncadd.s32 s3;
	_ =	sdelay $0x1  }
0xa1: {  	s23 =	simm.s32 $0x1B8B  }
0xa2: {  	_ =	swait.ge [sflag:s23], $0x1  }
0xa3: {  	[sflag:s23] =	ssyncset.done $0x0  }
0xa4: {  	s25 =	simm.s32 $0x1B8E;
	s24 =	sld [smem:$0x3FFE];
	[sflag:s23] =	ssyncadd.s32 $0xFFFFFFFF  }
0xa5: {  	s26 =	simm.s32 $execute0_lowered;
	[smem:$0x3FD2] =	sst s25  }
0xa6: {  	s4 =	sshll.u32 s26, $0x1;
	_ =	strace $0x80000046;
	[dreg:$0x1] =	wrdreg $0xFFFFFFFF  }
0xa7: {  	s28 =	simm.s32 $_size_execute0_lowered;
	s2 =	sadd.s32 s2, s4;
	[dreg:$0x0] =	wrdreg $0x0  }
0xa8: {  	s4 =	sshll.u32 s28, $0x1;
	[dreg:$0x2] =	wrdreg s2  }
0xa9: {  	[dreg:$0x3] =	wrdreg s4  }
0xaa: {  	[dreg:$0x4] =	wrdreg $0xC0  }
0xab: {  	_ =	task [dreg:s6], $0x5FFFF  }
0xac: {  	[dreg:$0x1] =	wrdreg $0xFFFFFFFF  }
0xad: {  	[dreg:$0x0] =	wrdreg $0x60  }
0xae: {  	[dreg:$0x2] =	wrdreg s24  }
0xaf: {  	[dreg:$0x3] =	wrdreg $0x0  }
0xb0: {  	[dreg:$0x4] =	wrdreg $0x9  }
0xb1: {  	_ =	task.clear_ibuf [dreg:s6], $0x5FFFF;
	_ =	strace $0x90000046  }
0xb2: {  	s29 =	simm.s32 $0x9;
	_ =	strace $0x80000048  }
0xb3: {  	_ =	swait.ge [sflag:s29], $0x1  }
0xb4: {  	[sflag:s29] =	ssyncadd.s32 $0xFFFFFFFF  }
0xb5: {  	_ =	strace $0x90000048  }
0xb6: {  	_ =	sfence  }
0xb7: {  	s30 =	sld [smem:$0x0];
	_ =	sdelay $0x2  }
0xb8: {  	s31 =	sshll.u32 s1, $0xD;
	s1 =	sshrl.u32 s1, $0x2  }
0xb9: {  	s3 =	sand.u32 $0x4000, s31;
	s1 =	sadd.s32 s1, s30  }
0xba: {  	s0 =	sor.u32 s3, s0;
	s1 =	sshll.u32 s1, $0x11  }
0xbb: {  	s0 =	sor.u32 s1, s0  }
0xbc: {  	s0 =	sadd.s32 $0x8F2B, s0  }
0xbd: {  	[sflag:s0] =	ssyncadd.remote.s32 $0x1  }
0xbe: {  	_ =	sfence.sel $0xFFFF  }
0xbf: {  	[dreg:$0x0] =	wrdreg $0xFFFFFFFF;
	(pc) =	sbr.abs _section_cstart, $3  }
0xc0: {  	[dreg:$0x1] =	wrdreg $0xFFFFFFFF  }
0xc1: {  	_ =	task.clear_ibuf [dreg:s6], $0x2FFFF;
	_ =	strace $0x9FFFFFFF  }
0xc2: {  	(tm) =	ssettm $0x7FFFFFFF  }
0xc3: {  	_ =	shalt  }
tec
execute0_lowered:
.L_overlay_start_1:
0x0: {  	(tag) =	ssettag $0x1  }
0x1: {  	s1 =	srdreg.scid;
	s5 =	rddreg [dreg:$0x0]  }
0x2: {  	s0 =	stileid.u32;
	s2 =	rddreg [dreg:$0x1];
	s3 =	simm.s32 $0x0  }
0x3: {  	s12 =	simm.s32 $0x80;
	s13 =	simm.s32 $0x2E80;
	s14 =	simm.s32 $0x300  }
0x4: {  	s15 =	simm.s32 $0x1;
	s16 =	simm.s32 $0x0;
	s4 =	sand.u32 $0x1, s1  }
0x5: {  	s30 =	sshll.u32 s0, $0x1;
	s7 =	smul.u32 $0x280, s0;
	[smem:$0x7FF] =	sst s3  }
0x6: {  	s31 =	sshll.u32 s0, $0x6;
	s1 =	sor.u32 s4, s30;
	s8 =	smul.u32 $0x2800, s4  }
0x7: {  	s4 =	ssub.s32 $0x2, s4;
	s6 =	smul.u32 $0x580, s1;
	s1 =	rddreg [dreg:$0x2]  }
0x8: {  	_ =	strace $0x80000047;
	s9 =	sshrl.u32 s7, $0x3;
	s10 =	sshrl.u32 s4, $0x1  }
0x9: {  	s11 =	sadd.s32 s7, s2;
	s8 =	sadd.s32 s7, s8;
	s9 =	sadd.s32 s9, s5  }
0xa: {  	s10 =	ssub.s32 s4, s10;
	s6 =	sadd.s32 s6, s5;
	s8 =	sshrl.u32 s8, $0x3  }
0xb: {  	s4 =	sadd.s32 $0x17800, s9;
	s9 =	sshrl.u32 s11, $0x3;
	s11 =	simm.s32 $0x280  }
0xc: {  	s8 =	sadd.s32 s8, s5;
	s5 =	sor.u32 $0x1C02, s31;
	s6 =	sadd.s32 $0xC800, s6  }
0xd: {  	v0 =	vimm.f32 $1.000000000e+00;
	s7 =	sadd.s32 $0x17E00, s8;
	s8 =	smax.u32 s10, $0x1;
	s10 =	simm.s32 $0x2  }
.LBB2_1:
0xe: {  	[spmem:s9], [sflag:s5] =	dma.local [hbm:s4], $0x50  }
0xf: {  	_ =	swait.ge [sflag:s10], $0x50  }
0x10: {  	[sflag:s10] =	ssyncset.done $0x0  }
0x11: {  	[sflag:s10] =	ssyncadd.s32 $0xFFFFFFB0  }
0x12: {  	[tilespmem:s11], [sflag:$0x2] =	stream.linear.gather [hbm4b:s6+s3], $0x2880, $0x38;
	[tilespmem:$0x2F00] =	vst v63  }
0x13: {  	_ =	swait.ge [sflag:s10], $0x2880  }
0x14: {  	[sflag:s10] =	ssyncset.done $0x0  }
0x15: {  	[sflag:s10] =	ssyncadd.s32 $0xFFFFD780  }
0x16: {  	[tilespmem:$0x2E80] =	vst v0  }
0x17: {  	[tilespmem:$0x2E90] =	vst v0  }
0x18: {  	[tilespmem:$0x2EA0] =	vst v0  }
0x19: {  	[tilespmem:$0x2EB0] =	vst v0  }
0x1a: {  	[tilespmem:$0x2EC0] =	vst v0  }
0x1b: {  	[tilespmem:$0x2ED0] =	vst v0  }
0x1c: {  	[tilespmem:$0x2EE0] =	vst v0  }
0x1d: {  	[tilespmem:$0x2EF0] =	vst v0  }
0x1e: {  	[bflag:$0x0] =	sbarrier.arrive $0xFFFF  }
0x1f: {  	[spmem:s2] =	stream.indirect.scatter.add.f32 [tilespmem:s13], [sflag:$0x1], $0x1, s11, s12, $0xb8;
	[tilespmem:$0x2F00] =	vst v63  }
0x20: {  	_ = 	snop  }
0x21: {  	[spmem:s2] =	stream.indirect.scatter.add.f32 [tilespmem:s13], [sflag:$0x1], $0x1, s14, s12, $0xb8;
	[tilespmem:$0x2F00] =	vst v63  }
0x22: {  	_ =	swait.ge [sflag:s15], $0x80  }
0x23: {  	[sflag:s15] =	ssyncset.done $0x0  }
0x24: {  	s17 =	simm.s32 $0x600;
	s18 =	simm.s32 $0x380;
	[sflag:s15] =	ssyncadd.s32 $0xFFFFFF80  }
.LBB2_2:
0x25: {  	[spmem:s2] =	stream.indirect.scatter.add.f32 [tilespmem:s13], [sflag:$0x1], $0x1, s18, s12, $0xb8;
	[tilespmem:$0x2F00] =	vst v63  }
0x26: {  	s18 =	smov.u32 s17;
	p0 =	sne.s32 s17, $0xA000  }
.Ltmp0:
0x27: {  	s17 =	sadd.s32 $0x200, s17;
	(pc) =	sbr.rel @p0 .LBB2_2-.Ltmp0, $4  }
0x28: {  	_ = 	snop  }
0x29: {  	_ =	swait.ge [sflag:s15], $0x80  }
0x2a: {  	s18 =	sshra.s32 s18, $0x2;
	[sflag:s15] =	ssyncset.done $0x0  }
0x2b: {  	s18 =	sadd.s32 $0x280, s18;
	[sflag:s15] =	ssyncadd.s32 $0xFFFFFF80  }
0x2c: {  	[spmem:s2] =	stream.indirect.scatter.add.f32 [tilespmem:s13], [sflag:$0x1], $0x1, s18, s12, $0xb8;
	[tilespmem:$0x2F00] =	vst v63  }
0x2d: {  	_ =	swait.ge [sflag:s15], $0x80  }
0x2e: {  	[sflag:s15] =	ssyncset.done $0x0  }
0x2f: {  	[sflag:s15] =	ssyncadd.s32 $0xFFFFFF80  }
0x30: {  	_ =	swait.ge [sflag:s15], $0x80  }
0x31: {  	s16 =	sadd.s32 $0x1, s16;
	[sflag:s15] =	ssyncset.done $0x0  }
0x32: {  	p0 =	sne.s32 s16, s8;
	[sflag:s15] =	ssyncadd.s32 $0xFFFFFF80  }
.Ltmp1:
0x33: {  	[bflag:$0x0] =	sbarrier.arrive $0xFFFF;
	(pc) =	sbr.rel @p0 .LBB2_1-.Ltmp1, $4  }
0x34: {  	[hbm:s7], [sflag:s5] =	dma.local [spmem:s9], $0x50  }
0x35: {  	_ =	swait.ge [sflag:s10], $0x50  }
0x36: {  	[sflag:s10] =	ssyncset.done $0x0  }
0x37: {  	[sflag:s10] =	ssyncadd.s32 $0xFFFFFFB0  }
0x38: {  	_ =	sfence.sel $0x180000  }
0x39: {  	[bflag:$0x0] =	sbarrier.arrive $0xFFFF  }
0x3a: {  	p0 =	sne.s32 s0, $0x0;
	_ =	strace $0x90000047  }
0x3b: {  	s0 =	sadd.s32 @!p0 $0x100000, s1;
	[bflag:$0x2] =	sbarrier.arrive $0xFFFF  }
0x3c: {  	[sflag:s0] =	ssyncadd.tile.s32 @!p0 $0x1;
	_ =	shalt  }
.Lfunc_end2:
_tile_overlayer_lowered:
.L_overlay_start_2:
0x3d: {  	(tag) =	ssettag $0x2  }
0x3e: {  	s0 =	rddreg [dreg:$0x0];
	s2 =	stileid.u32  }
0x3f: {  	s1 =	rddreg [dreg:$0x1];
	p0 =	sne.s32 s2, $0x0  }
0x40: {  	s3 =	rddreg [dreg:$0x2];
	[bflag:$0x3] =	sbarrier.arrive $0xFFFF;
	s2 =	simm.s32 @!p0 $0x1C02  }
0x41: {  	[timem:s3], [sflag:s2] =	dma.local @!p0 [hbm:s0], s1  }
0x42: {  	s0 =	simm.s32 @!p0 $0x2  }
0x43: {  	_ =	swait.ge @!p0 [sflag:s0], s1  }
0x44: {  	s1 =	ssub.s32 @!p0 $0x0, s1;
	[sflag:s0] =	ssyncset.done @!p0 $0x0  }
0x45: {  	[sflag:s0] =	ssyncadd.s32 @!p0 s1  }
0x46: {  	[bflag:$0x3] =	sbarrier.arrive $0xFFFF  }
0x47: {  	_ =	shalt  }

// kernel: kernel.13.cloned.1.call-start
scs
__scs_entry_jumppad:
0x0: {  	(pc) =	sbr.rel $0x88, $3  }
0x1: {  	(tag) =	ssettag $0x0;
	lr =	simm.s32 $0x1  }
0x2: {  	[smem:$0x3F96] =	sst lr;
	_ =	strace $0xD0000000  }
0x3: {  	_ = 	snop  }
0x4: {  	_ = 	snop  }
0x5: {  	_ = 	snop  }
0x6: {  	_ = 	snop  }
0x7: {  	_ = 	snop  }
__scs_overlays_trampoline_lowered:
0x8: {  	[smem:$0x3FA5] =	sst s0  }
0x9: {  	[smem:$0x3FA6] =	sst s1  }
0xa: {  	[smem:$0x3FA7] =	sst s2  }
0xb: {  	[smem:$0x3FA8] =	sst s3  }
0xc: {  	[smem:$0x3FA9] =	sst s4  }
0xd: {  	[smem:$0x3FAA] =	sst s5  }
0xe: {  	[smem:$0x3FAB] =	sst s6  }
0xf: {  	[smem:$0x3FAC] =	sst s7  }
0x10: {  	[smem:$0x3FAD] =	sst s8  }
0x11: {  	[smem:$0x3FAE] =	sst s9;
	s0 =	simm.s32 @!p0 $0x0  }
0x12: {  	s1 =	sld [smem:$0x3F94];
	s0 =	simm.s32 @p0 $0x1  }
0x13: {  	[smem:$0x3FAF] =	sst s0;
	s0 =	simm.s32 @!p1 $0x0  }
0x14: {  	s2 =	sld [smem:$0x3F93];
	s0 =	simm.s32 @p1 $0x1  }
0x15: {  	[smem:$0x3FB0] =	sst s0;
	s0 =	simm.s32 @!p2 $0x0  }
0x16: {  	s3 =	sld [smem:$0x3FDB];
	s0 =	simm.s32 @p2 $0x1  }
0x17: {  	s4 =	simm.s32 $0x1BF5;
	[smem:$0x3FB2] =	sst s0  }
0x18: {  	s0 =	sld [smem:$0x3F95];
	_ =	swait.ge [sflag:s4], $0x0  }
0x19: {  	s7 =	sld [smem:$0x3F96]  }
0x1a: {  	s8 =	sadd.s32 $0xFFFFE003, lr  }
0x1b: {  	s9 =	sadd.s32 $0xFFFFFEF7, lr;
	s5 =	simm.s32 $0xFFFFFFFF;
	p2 =	slt.u32 s8, $0xFFFFF086  }
0x1c: {  	p1 =	slt.u32 s9, $0xF7A;
	s5 =	simm.s32 @!p2 $0x0  }
0x1d: {  	s5 =	simm.s32 @p1 $0x1;
	p0 =	seq.s32 s7, s2  }
0x1e: {  	s7 =	smul.u32 @!p0 $0xF7A, s2;
	p2 =	seq.s32 @!p0 s5, $0x0  }
0x1f: {  	s9 =	smul.u32 $0xF7A, s1;
	s8 =	simm.s32 @!p0 $0x1BF5;
	p2 =	por !p2, p0  }
0x20: {  	[sflag:s8] =	ssyncset.s32 @!p0 $0xFFFFF086;
	s6 =	sadd.s32 @!p0 s3, s7;
	s7 =	simm.s32 @!p0 $0x108  }
0x21: {  	s3 =	sadd.s32 s3, s9;
	s6 =	sadd.s32 @!p0 $0x88, s6;
	s7 =	simm.s32 @p2 $0x1082  }
0x22: {  	[simem:s7], [sflag:s8] =	dma.local @!p0 [hbm:s6], $0xF7A  }
0x23: {  	s9 =	sor.u32 $0xD0000000, s2;
	s6 =	simm.s32 $0x108;
	_ =	swait.ge @!p0 [sflag:s8], $0x0  }
0x24: {  	s3 =	sadd.s32 $0x88, s3;
	s6 =	simm.s32 @!p1 $0x1082;
	[sflag:s4] =	ssyncset.s32 $0xFFFFF086  }
0x25: {  	[simem:s6], [sflag:s4] =	dma.local [hbm:s3], $0xF7A  }
0x26: {  	[smem:$0x3F96] =	sst s1;
	(tag) =	ssettag s2;
	_ =	strace s9  }
0x27: {  	s1 =	sld [smem:$0x3FA6]  }
0x28: {  	s2 =	sld [smem:$0x3FA7]  }
0x29: {  	s4 =	sld [smem:$0x3FA9]  }
0x2a: {  	p0 =	seq.s32 s5, $0x0;
	s5 =	sld [smem:$0x3FAA]  }
0x2b: {  	s6 =	sld [smem:$0x3FAB]  }
0x2c: {  	s7 =	sld [smem:$0x3FAC]  }
0x2d: {  	s3 =	simm.s32 $0x108;
	s8 =	sld [smem:$0x3FAD]  }
0x2e: {  	s3 =	simm.s32 @!p0 $0x1082;
	s9 =	sld [smem:$0x3FAE]  }
0x2f: {  	lr =	sadd.s32 s0, s3;
	s0 =	sld [smem:$0x3FA5]  }
0x30: {  	s3 =	sld [smem:$0x3FA8]  }
0x31: {  	[smem:$0x3FB1] =	sst s10  }
0x32: {  	s10 =	sld [smem:$0x3FAF];
	_ =	sdelay $0x3  }
0x33: {  	p0 =	seq.s32 s10, $0x1;
	s10 =	sld [smem:$0x3FB1];
	_ =	sdelay $0x3  }
0x34: {  	[smem:$0x3FB1] =	sst s10  }
0x35: {  	s10 =	sld [smem:$0x3FB0];
	_ =	sdelay $0x3  }
0x36: {  	p1 =	seq.s32 s10, $0x1;
	s10 =	sld [smem:$0x3FB1];
	_ =	sdelay $0x3  }
0x37: {  	[smem:$0x3FB1] =	sst s10  }
0x38: {  	s10 =	sld [smem:$0x3FB2]  }
0x39: {  	_ = 	snop;
	(pc) =	sbr.ind lr, $3  }
0x3a: {  	_ = 	snop  }
0x3b: {  	_ = 	snop  }
0x3c: {  	p2 =	seq.s32 s10, $0x1;
	s10 =	sld [smem:$0x3FB1]  }
0x3d: {  	_ =	shalt  }
0x3e: {  	_ =	shalt  }
0x3f: {  	_ =	shalt  }
0x40: {  	_ =	shalt  }
0x41: {  	_ =	shalt  }
0x42: {  	_ =	shalt  }
0x43: {  	_ =	shalt  }
0x44: {  	_ =	shalt  }
0x45: {  	_ =	shalt  }
0x46: {  	_ =	shalt  }
0x47: {  	_ =	shalt  }
0x48: {  	_ =	shalt  }
0x49: {  	_ =	shalt  }
0x4a: {  	_ =	shalt  }
0x4b: {  	_ =	shalt  }
0x4c: {  	_ =	shalt  }
0x4d: {  	_ =	shalt  }
0x4e: {  	_ =	shalt  }
0x4f: {  	_ =	shalt  }
0x50: {  	_ =	shalt  }
0x51: {  	_ =	shalt  }
0x52: {  	_ =	shalt  }
0x53: {  	_ =	shalt  }
0x54: {  	_ =	shalt  }
0x55: {  	_ =	shalt  }
0x56: {  	_ =	shalt  }
0x57: {  	_ =	shalt  }
0x58: {  	_ =	shalt  }
0x59: {  	_ =	shalt  }
0x5a: {  	_ =	shalt  }
0x5b: {  	_ =	shalt  }
0x5c: {  	_ =	shalt  }
0x5d: {  	_ =	shalt  }
0x5e: {  	_ =	shalt  }
0x5f: {  	_ =	shalt  }
0x60: {  	_ =	shalt  }
0x61: {  	_ =	shalt  }
0x62: {  	_ =	shalt  }
0x63: {  	_ =	shalt  }
0x64: {  	_ =	shalt  }
0x65: {  	_ =	shalt  }
0x66: {  	_ =	shalt  }
0x67: {  	_ =	shalt  }
0x68: {  	_ =	shalt  }
0x69: {  	_ =	shalt  }
0x6a: {  	_ =	shalt  }
0x6b: {  	_ =	shalt  }
0x6c: {  	_ =	shalt  }
0x6d: {  	_ =	shalt  }
0x6e: {  	_ =	shalt  }
0x6f: {  	_ =	shalt  }
0x70: {  	_ =	shalt  }
0x71: {  	_ =	shalt  }
0x72: {  	_ =	shalt  }
0x73: {  	_ =	shalt  }
0x74: {  	_ =	shalt  }
0x75: {  	_ =	shalt  }
0x76: {  	_ =	shalt  }
0x77: {  	_ =	shalt  }
0x78: {  	_ =	shalt  }
0x79: {  	_ =	shalt  }
0x7a: {  	_ =	shalt  }
0x7b: {  	_ =	shalt  }
0x7c: {  	_ =	shalt  }
0x7d: {  	_ =	shalt  }
0x7e: {  	_ =	shalt  }
0x7f: {  	_ =	shalt  }
0x80: {  	_ =	shalt  }
0x81: {  	_ =	shalt  }
0x82: {  	_ =	shalt  }
0x83: {  	_ =	shalt  }
0x84: {  	_ =	shalt  }
0x85: {  	_ =	shalt  }
0x86: {  	_ =	shalt  }
0x87: {  	_ =	shalt  }
.Lfunc_end0:
.L_simem_size_0:
called_computation.1_lowered:
.L_overlay_start_0:
0x88: {  	s2 =	sld [smem:$0x3FD9]  }
0x89: {  	s3 =	sld [smem:$0x3FFE];
	_ =	sdelay $0x1  }
0x8a: {  	s1 =	srdreg.scid  }
0x8b: {  	s0 =	sand.u32 $0x1, s1  }
0x8c: {  	s16 =	sshll.u32 s0, $0xA;
	s2 =	sadd.s32 s3, s2  }
0x8d: {  	s2 =	sadd.s32 s2, s16  }
0x8e: {  	[smem:$0x3FBD] =	sst s2  }
0x8f: {  	_ = 	snop  }
0x90: {  	(tm) =	ssettm $0x1  }
0x91: {  	s17 =	sld [smem:$0x3FFB];
	_ =	sdelay $0x3  }
0x92: {  	_ =	strace s17  }
0x93: {  	s2 =	sld [smem:$0x3FFC];
	_ =	sdelay $0x3  }
0x94: {  	_ =	strace s2  }
0x95: {  	s2 =	sld [smem:$0x3FFD];
	_ =	sdelay $0x3  }
0x96: {  	_ =	strace s2  }
0x97: {  	_ =	strace $0x8FFFFFFF  }
0x98: {  	s18 =	sld [smem:$0x3FDB];
	_ =	sdelay $0x1  }
0x99: {  	s19 =	simm.s32 $_scs_section_size  }
0x9a: {  	s4 =	simm.s32 $_size__tile_overlayer_lowered;
	s5 =	simm.s32 $_tile_overlayer_lowered  }
0x9b: {  	s22 =	simm.s32 $0x1BFF;
	s21 =	sshll.u32 s5, $0x1;
	s2 =	sadd.s32 s19, s18  }
0x9c: {  	s6 =	simm.s32 $0x0;
	s20 =	sshll.u32 s4, $0x1;
	s4 =	sadd.s32 s21, s2  }
0x9d: {  	[timem:s6], [sflag:s22] =	dma.local [hbm:s4], s20  }
0x9e: {  	_ =	swait.ge [sflag:s22], s20  }
0x9f: {  	s3 =	ssub.s32 $0x0, s20;
	[sflag:s22] =	ssyncset.done $0x0  }
0xa0: {  	[sflag:s22] =	ssyncadd.s32 s3;
	_ =	sdelay $0x1  }
0xa1: {  	s23 =	simm.s32 $0x1B8B  }
0xa2: {  	_ =	swait.ge [sflag:s23], $0x1  }
0xa3: {  	[sflag:s23] =	ssyncset.done $0x0  }
0xa4: {  	s25 =	simm.s32 $0x1B8E;
	s24 =	sld [smem:$0x3FFE];
	[sflag:s23] =	ssyncadd.s32 $0xFFFFFFFF  }
0xa5: {  	s26 =	simm.s32 $execute0_lowered;
	[smem:$0x3FD2] =	sst s25  }
0xa6: {  	s4 =	sshll.u32 s26, $0x1;
	_ =	strace $0x80000049;
	[dreg:$0x1] =	wrdreg $0xFFFFFFFF  }
0xa7: {  	s28 =	simm.s32 $_size_execute0_lowered;
	s2 =	sadd.s32 s2, s4;
	[dreg:$0x0] =	wrdreg $0x0  }
0xa8: {  	s4 =	sshll.u32 s28, $0x1;
	[dreg:$0x2] =	wrdreg s2  }
0xa9: {  	[dreg:$0x3] =	wrdreg s4  }
0xaa: {  	[dreg:$0x4] =	wrdreg $0xC0  }
0xab: {  	_ =	task [dreg:s6], $0x5FFFF  }
0xac: {  	[dreg:$0x1] =	wrdreg $0xFFFFFFFF  }
0xad: {  	[dreg:$0x0] =	wrdreg $0x60  }
0xae: {  	[dreg:$0x2] =	wrdreg s24  }
0xaf: {  	[dreg:$0x3] =	wrdreg $0x0  }
0xb0: {  	[dreg:$0x4] =	wrdreg $0x9  }
0xb1: {  	_ =	task.clear_ibuf [dreg:s6], $0x5FFFF;
	_ =	strace $0x90000049  }
0xb2: {  	s29 =	simm.s32 $0x9;
	_ =	strace $0x8000004B  }
0xb3: {  	_ =	swait.ge [sflag:s29], $0x1  }
0xb4: {  	[sflag:s29] =	ssyncadd.s32 $0xFFFFFFFF  }
0xb5: {  	_ =	strace $0x9000004B  }
0xb6: {  	_ =	sfence  }
0xb7: {  	s30 =	sld [smem:$0x0];
	_ =	sdelay $0x2  }
0xb8: {  	s31 =	sshll.u32 s1, $0xD;
	s1 =	sshrl.u32 s1, $0x2  }
0xb9: {  	s3 =	sand.u32 $0x4000, s31;
	s1 =	sadd.s32 s1, s30  }
0xba: {  	s0 =	sor.u32 s3, s0;
	s1 =	sshll.u32 s1, $0x11  }
0xbb: {  	s0 =	sor.u32 s1, s0  }
0xbc: {  	s0 =	sadd.s32 $0x8F2B, s0  }
0xbd: {  	[sflag:s0] =	ssyncadd.remote.s32 $0x1  }
0xbe: {  	_ =	sfence.sel $0xFFFF  }
0xbf: {  	[dreg:$0x0] =	wrdreg $0xFFFFFFFF;
	(pc) =	sbr.abs _section_cstart, $3  }
0xc0: {  	[dreg:$0x1] =	wrdreg $0xFFFFFFFF  }
0xc1: {  	_ =	task.clear_ibuf [dreg:s6], $0x2FFFF;
	_ =	strace $0x9FFFFFFF  }
0xc2: {  	(tm) =	ssettm $0x7FFFFFFF  }
0xc3: {  	_ =	shalt  }
tec
execute0_lowered:
.L_overlay_start_1:
0x0: {  	(tag) =	ssettag $0x1  }
0x1: {  	s5 =	rddreg [dreg:$0x0]  }
0x2: {  	s2 =	rddreg [dreg:$0x1]  }
0x3: {  	s0 =	rddreg [dreg:$0x2]  }
0x4: {  	s1 =	stileid.u32;
	s4 =	srdreg.scid;
	s3 =	simm.s32 $0x0  }
0x5: {  	s14 =	simm.s32 $0x14080;
	s15 =	simm.s32 $0x80;
	s16 =	simm.s32 $0x14100  }
0x6: {  	s17 =	simm.s32 $0x1;
	s18 =	simm.s32 $0x0;
	s6 =	smul.u32 $0xA20, s1  }
0x7: {  	s7 =	smul.u32 $0x14000, s1;
	s8 =	sand.u32 $0x1, s4;
	[smem:$0x7FF] =	sst s3  }
0x8: {  	s4 =	sadd.s32 $0x22A00, s5;
	s28 =	smul.u32 $0x50000, s1;
	s31 =	sshll.u32 s1, $0x6  }
0x9: {  	s9 =	smul.u32 $0x140000, s8;
	_ =	strace $0x8000004A;
	s29 =	ssub.s32 $0x2, s8  }
0xa: {  	s8 =	smul.u32 $0x510, s8;
	s10 =	sadd.s32 s6, s5;
	s30 =	sshrl.u32 s29, $0x1  }
0xb: {  	s26 =	sadd.s32 s7, s9;
	s7 =	sshrl.u32 s7, $0x3;
	s9 =	sshrl.u32 s28, $0x2  }
0xc: {  	s12 =	ssub.s32 s29, s30;
	s10 =	sadd.s32 s8, s10;
	s6 =	sshrl.u32 s26, $0x3  }
0xd: {  	s7 =	sadd.s32 s7, s5;
	s13 =	sadd.s32 s9, s2;
	s8 =	smax.u32 s12, $0x1  }
0xe: {  	s9 =	sadd.s32 $0x2600, s10;
	s10 =	sadd.s32 $0x18800, s10;
	s12 =	simm.s32 $0x2  }
0xf: {  	s11 =	sadd.s32 s6, s5;
	s5 =	sadd.s32 $0x49C00, s7;
	s6 =	sor.u32 $0x1C02, s31  }
0x10: {  	s7 =	sadd.s32 $0x71C00, s11;
	s11 =	sshrl.u32 s13, $0x3;
	s13 =	simm.s32 $0x14000  }
.LBB2_1:
0x11: {  	[spmem:s11], [sflag:s6] =	dma.local [hbm:s5], $0x2800  }
0x12: {  	_ =	swait.ge [sflag:s12], $0x2800  }
0x13: {  	[sflag:s12] =	ssyncset.done $0x0  }
0x14: {  	[sflag:s12] =	ssyncadd.s32 $0xFFFFD800  }
0x15: {  	s19 =	sadd.s32 $0x0, s10;
	[bflag:$0x0] =	sbarrier.arrive $0xFFFF  }
0x16: {  	[tilespmem:s13], [sflag:$0x2] =	stream.linear.gather [hbm4b:s19+s3], $0x80, $0x38;
	[tilespmem:$0x18100] =	vst v63  }
0x17: {  	_ =	swait.ge [sflag:s12], $0x80  }
0x18: {  	[sflag:s12] =	ssyncset.done $0x0  }
0x19: {  	s31 =	sadd.s32 $0x0, s9;
	[sflag:s12] =	ssyncadd.s32 $0xFFFFFF80  }
0x1a: {  	[tilespmem:s14], [sflag:$0x2] =	stream.linear.gather [hbm4b:s31+s3], $0x80, $0x38;
	[tilespmem:$0x18100] =	vst v63  }
0x1b: {  	_ =	swait.ge [sflag:s12], $0x80  }
0x1c: {  	[sflag:s12] =	ssyncset.done $0x0  }
0x1d: {  	[sflag:s12] =	ssyncadd.s32 $0xFFFFFF80  }
0x1e: {  	[tilespmem:s16], [sflag:$0x1] =	stream.indirect.gather [hbm4b:s4+s15], $0x80, s13, s15, $0xb8;
	[tilespmem:$0x18100] =	vst v63  }
0x1f: {  	_ =	swait.ge [sflag:s17], $0x4000  }
0x20: {  	[sflag:s17] =	ssyncset.done $0x0  }
0x21: {  	[sflag:s17] =	ssyncadd.s32 $0xFFFFC000  }
0x22: {  	[spmem:s2] =	stream.indirect.scatter.add.f32 [tilespmem:s16], [sflag:$0x2], $0x80, s14, s15, $0xb8;
	[tilespmem:$0x18100] =	vst v63  }
0x23: {  	_ =	swait.ge [sflag:s12], $0x4000  }
0x24: {  	s20 =	simm.s32 $0x20;
	s19 =	simm.s32 $0x10;
	[sflag:s12] =	ssyncset.done $0x0  }
.LBB2_2:
0x25: {  	s21 =	sadd.s32 s19, s10  }
0x26: {  	[sflag:s12] =	ssyncadd.s32 $0xFFFFC000;
	s22 =	smov.u32 s20;
	s23 =	sadd.s32 $0x10, s20  }
0x27: {  	[tilespmem:s13], [sflag:$0x2] =	stream.linear.gather [hbm4b:s21+s3], $0x80, $0x38;
	[tilespmem:$0x18100] =	vst v63  }
0x28: {  	p0 =	sne.s32 s20, $0x500;
	_ =	swait.ge [sflag:s12], $0x80  }
0x29: {  	[sflag:s12] =	ssyncset.done $0x0  }
0x2a: {  	s20 =	sadd.s32 s19, s9;
	s19 =	smov.u32 s22;
	[sflag:s12] =	ssyncadd.s32 $0xFFFFFF80  }
0x2b: {  	[tilespmem:s14], [sflag:$0x2] =	stream.linear.gather [hbm4b:s20+s3], $0x80, $0x38;
	[tilespmem:$0x18100] =	vst v63  }
0x2c: {  	_ =	swait.ge [sflag:s12], $0x80  }
0x2d: {  	[sflag:s12] =	ssyncset.done $0x0  }
0x2e: {  	[sflag:s12] =	ssyncadd.s32 $0xFFFFFF80  }
0x2f: {  	[tilespmem:s16], [sflag:$0x1] =	stream.indirect.gather [hbm4b:s4+s15], $0x80, s13, s15, $0xb8;
	[tilespmem:$0x18100] =	vst v63  }
0x30: {  	_ =	swait.ge [sflag:s17], $0x4000  }
.Ltmp0:
0x31: {  	[sflag:s17] =	ssyncset.done $0x0;
	(pc) =	sbr.rel @p0 .LBB2_2-.Ltmp0, $4  }
0x32: {  	[sflag:s17] =	ssyncadd.s32 $0xFFFFC000  }
0x33: {  	[spmem:s2] =	stream.indirect.scatter.add.f32 [tilespmem:s16], [sflag:$0x2], $0x80, s14, s15, $0xb8;
	[tilespmem:$0x18100] =	vst v63  }
0x34: {  	_ =	swait.ge [sflag:s12], $0x4000  }
0x35: {  	s20 =	smov.u32 s23;
	[sflag:s12] =	ssyncset.done $0x0  }
0x36: {  	s20 =	sadd.s32 s19, s10;
	[sflag:s12] =	ssyncadd.s32 $0xFFFFC000  }
0x37: {  	[tilespmem:s13], [sflag:$0x2] =	stream.linear.gather [hbm4b:s20+s3], $0x80, $0x38;
	[tilespmem:$0x18100] =	vst v63  }
0x38: {  	_ =	swait.ge [sflag:s12], $0x80  }
0x39: {  	[sflag:s12] =	ssyncset.done $0x0  }
0x3a: {  	s31 =	sadd.s32 s19, s9;
	[sflag:s12] =	ssyncadd.s32 $0xFFFFFF80  }
0x3b: {  	[tilespmem:s14], [sflag:$0x2] =	stream.linear.gather [hbm4b:s31+s3], $0x80, $0x38;
	[tilespmem:$0x18100] =	vst v63  }
0x3c: {  	_ =	swait.ge [sflag:s12], $0x80  }
0x3d: {  	[sflag:s12] =	ssyncset.done $0x0  }
0x3e: {  	[sflag:s12] =	ssyncadd.s32 $0xFFFFFF80  }
0x3f: {  	[tilespmem:s16], [sflag:$0x1] =	stream.indirect.gather [hbm4b:s4+s15], $0x80, s13, s15, $0xb8;
	[tilespmem:$0x18100] =	vst v63  }
0x40: {  	_ =	swait.ge [sflag:s17], $0x4000  }
0x41: {  	[sflag:s17] =	ssyncset.done $0x0  }
0x42: {  	[sflag:s17] =	ssyncadd.s32 $0xFFFFC000  }
0x43: {  	[spmem:s2] =	stream.indirect.scatter.add.f32 [tilespmem:s16], [sflag:$0x2], $0x80, s14, s15, $0xb8;
	[tilespmem:$0x18100] =	vst v63  }
0x44: {  	_ =	swait.ge [sflag:s12], $0x4000  }
0x45: {  	s18 =	sadd.s32 $0x1, s18;
	[sflag:s12] =	ssyncset.done $0x0  }
0x46: {  	p0 =	sne.s32 s18, s8;
	[sflag:s12] =	ssyncadd.s32 $0xFFFFC000  }
.Ltmp1:
0x47: {  	[bflag:$0x0] =	sbarrier.arrive $0xFFFF;
	(pc) =	sbr.rel @p0 .LBB2_1-.Ltmp1, $4  }
0x48: {  	[hbm:s7], [sflag:s6] =	dma.local [spmem:s11], $0x2800  }
0x49: {  	_ =	swait.ge [sflag:s12], $0x2800  }
0x4a: {  	[sflag:s12] =	ssyncset.done $0x0  }
0x4b: {  	[sflag:s12] =	ssyncadd.s32 $0xFFFFD800  }
0x4c: {  	_ =	sfence.sel $0x180000  }
0x4d: {  	[bflag:$0x0] =	sbarrier.arrive $0xFFFF  }
0x4e: {  	p0 =	sne.s32 s1, $0x0;
	_ =	strace $0x9000004A  }
0x4f: {  	s0 =	sadd.s32 @!p0 $0x100000, s0;
	[bflag:$0x2] =	sbarrier.arrive $0xFFFF  }
0x50: {  	[sflag:s0] =	ssyncadd.tile.s32 @!p0 $0x1;
	_ =	shalt  }
.Lfunc_end2:
_tile_overlayer_lowered:
.L_overlay_start_2:
0x51: {  	(tag) =	ssettag $0x2  }
0x52: {  	s0 =	rddreg [dreg:$0x0];
	s2 =	stileid.u32  }
0x53: {  	s1 =	rddreg [dreg:$0x1];
	p0 =	sne.s32 s2, $0x0  }
0x54: {  	s3 =	rddreg [dreg:$0x2];
	[bflag:$0x3] =	sbarrier.arrive $0xFFFF;
	s2 =	simm.s32 @!p0 $0x1C02  }
0x55: {  	[timem:s3], [sflag:s2] =	dma.local @!p0 [hbm:s0], s1  }
0x56: {  	s0 =	simm.s32 @!p0 $0x2  }
0x57: {  	_ =	swait.ge @!p0 [sflag:s0], s1  }
0x58: {  	s1 =	ssub.s32 @!p0 $0x0, s1;
	[sflag:s0] =	ssyncset.done @!p0 $0x0  }
0x59: {  	[sflag:s0] =	ssyncadd.s32 @!p0 s1  }
0x5a: {  	[bflag:$0x3] =	sbarrier.arrive $0xFFFF  }
0x5b: {  	_ =	shalt  }

// kernel: kernel.16.cloned.1.call-start
scs
__scs_entry_jumppad:
0x0: {  	(pc) =	sbr.rel $0x88, $3  }
0x1: {  	(tag) =	ssettag $0x0;
	lr =	simm.s32 $0x1  }
0x2: {  	[smem:$0x3F96] =	sst lr;
	_ =	strace $0xD0000000  }
0x3: {  	_ = 	snop  }
0x4: {  	_ = 	snop  }
0x5: {  	_ = 	snop  }
0x6: {  	_ = 	snop  }
0x7: {  	_ = 	snop  }
__scs_overlays_trampoline_lowered:
0x8: {  	[smem:$0x3FA5] =	sst s0  }
0x9: {  	[smem:$0x3FA6] =	sst s1  }
0xa: {  	[smem:$0x3FA7] =	sst s2  }
0xb: {  	[smem:$0x3FA8] =	sst s3  }
0xc: {  	[smem:$0x3FA9] =	sst s4  }
0xd: {  	[smem:$0x3FAA] =	sst s5  }
0xe: {  	[smem:$0x3FAB] =	sst s6  }
0xf: {  	[smem:$0x3FAC] =	sst s7  }
0x10: {  	[smem:$0x3FAD] =	sst s8  }
0x11: {  	[smem:$0x3FAE] =	sst s9;
	s0 =	simm.s32 @!p0 $0x0  }
0x12: {  	s1 =	sld [smem:$0x3F94];
	s0 =	simm.s32 @p0 $0x1  }
0x13: {  	[smem:$0x3FAF] =	sst s0;
	s0 =	simm.s32 @!p1 $0x0  }
0x14: {  	s2 =	sld [smem:$0x3F93];
	s0 =	simm.s32 @p1 $0x1  }
0x15: {  	[smem:$0x3FB0] =	sst s0;
	s0 =	simm.s32 @!p2 $0x0  }
0x16: {  	s3 =	sld [smem:$0x3FDB];
	s0 =	simm.s32 @p2 $0x1  }
0x17: {  	s4 =	simm.s32 $0x1BF5;
	[smem:$0x3FB2] =	sst s0  }
0x18: {  	s0 =	sld [smem:$0x3F95];
	_ =	swait.ge [sflag:s4], $0x0  }
0x19: {  	s7 =	sld [smem:$0x3F96]  }
0x1a: {  	s8 =	sadd.s32 $0xFFFFE003, lr  }
0x1b: {  	s9 =	sadd.s32 $0xFFFFFEF7, lr;
	s5 =	simm.s32 $0xFFFFFFFF;
	p2 =	slt.u32 s8, $0xFFFFF086  }
0x1c: {  	p1 =	slt.u32 s9, $0xF7A;
	s5 =	simm.s32 @!p2 $0x0  }
0x1d: {  	s5 =	simm.s32 @p1 $0x1;
	p0 =	seq.s32 s7, s2  }
0x1e: {  	s7 =	smul.u32 @!p0 $0xF7A, s2;
	p2 =	seq.s32 @!p0 s5, $0x0  }
0x1f: {  	s9 =	smul.u32 $0xF7A, s1;
	s8 =	simm.s32 @!p0 $0x1BF5;
	p2 =	por !p2, p0  }
0x20: {  	[sflag:s8] =	ssyncset.s32 @!p0 $0xFFFFF086;
	s6 =	sadd.s32 @!p0 s3, s7;
	s7 =	simm.s32 @!p0 $0x108  }
0x21: {  	s3 =	sadd.s32 s3, s9;
	s6 =	sadd.s32 @!p0 $0x88, s6;
	s7 =	simm.s32 @p2 $0x1082  }
0x22: {  	[simem:s7], [sflag:s8] =	dma.local @!p0 [hbm:s6], $0xF7A  }
0x23: {  	s9 =	sor.u32 $0xD0000000, s2;
	s6 =	simm.s32 $0x108;
	_ =	swait.ge @!p0 [sflag:s8], $0x0  }
0x24: {  	s3 =	sadd.s32 $0x88, s3;
	s6 =	simm.s32 @!p1 $0x1082;
	[sflag:s4] =	ssyncset.s32 $0xFFFFF086  }
0x25: {  	[simem:s6], [sflag:s4] =	dma.local [hbm:s3], $0xF7A  }
0x26: {  	[smem:$0x3F96] =	sst s1;
	(tag) =	ssettag s2;
	_ =	strace s9  }
0x27: {  	s1 =	sld [smem:$0x3FA6]  }
0x28: {  	s2 =	sld [smem:$0x3FA7]  }
0x29: {  	s4 =	sld [smem:$0x3FA9]  }
0x2a: {  	p0 =	seq.s32 s5, $0x0;
	s5 =	sld [smem:$0x3FAA]  }
0x2b: {  	s6 =	sld [smem:$0x3FAB]  }
0x2c: {  	s7 =	sld [smem:$0x3FAC]  }
0x2d: {  	s3 =	simm.s32 $0x108;
	s8 =	sld [smem:$0x3FAD]  }
0x2e: {  	s3 =	simm.s32 @!p0 $0x1082;
	s9 =	sld [smem:$0x3FAE]  }
0x2f: {  	lr =	sadd.s32 s0, s3;
	s0 =	sld [smem:$0x3FA5]  }
0x30: {  	s3 =	sld [smem:$0x3FA8]  }
0x31: {  	[smem:$0x3FB1] =	sst s10  }
0x32: {  	s10 =	sld [smem:$0x3FAF];
	_ =	sdelay $0x3  }
0x33: {  	p0 =	seq.s32 s10, $0x1;
	s10 =	sld [smem:$0x3FB1];
	_ =	sdelay $0x3  }
0x34: {  	[smem:$0x3FB1] =	sst s10  }
0x35: {  	s10 =	sld [smem:$0x3FB0];
	_ =	sdelay $0x3  }
0x36: {  	p1 =	seq.s32 s10, $0x1;
	s10 =	sld [smem:$0x3FB1];
	_ =	sdelay $0x3  }
0x37: {  	[smem:$0x3FB1] =	sst s10  }
0x38: {  	s10 =	sld [smem:$0x3FB2]  }
0x39: {  	_ = 	snop;
	(pc) =	sbr.ind lr, $3  }
0x3a: {  	_ = 	snop  }
0x3b: {  	_ = 	snop  }
0x3c: {  	p2 =	seq.s32 s10, $0x1;
	s10 =	sld [smem:$0x3FB1]  }
0x3d: {  	_ =	shalt  }
0x3e: {  	_ =	shalt  }
0x3f: {  	_ =	shalt  }
0x40: {  	_ =	shalt  }
0x41: {  	_ =	shalt  }
0x42: {  	_ =	shalt  }
0x43: {  	_ =	shalt  }
0x44: {  	_ =	shalt  }
0x45: {  	_ =	shalt  }
0x46: {  	_ =	shalt  }
0x47: {  	_ =	shalt  }
0x48: {  	_ =	shalt  }
0x49: {  	_ =	shalt  }
0x4a: {  	_ =	shalt  }
0x4b: {  	_ =	shalt  }
0x4c: {  	_ =	shalt  }
0x4d: {  	_ =	shalt  }
0x4e: {  	_ =	shalt  }
0x4f: {  	_ =	shalt  }
0x50: {  	_ =	shalt  }
0x51: {  	_ =	shalt  }
0x52: {  	_ =	shalt  }
0x53: {  	_ =	shalt  }
0x54: {  	_ =	shalt  }
0x55: {  	_ =	shalt  }
0x56: {  	_ =	shalt  }
0x57: {  	_ =	shalt  }
0x58: {  	_ =	shalt  }
0x59: {  	_ =	shalt  }
0x5a: {  	_ =	shalt  }
0x5b: {  	_ =	shalt  }
0x5c: {  	_ =	shalt  }
0x5d: {  	_ =	shalt  }
0x5e: {  	_ =	shalt  }
0x5f: {  	_ =	shalt  }
0x60: {  	_ =	shalt  }
0x61: {  	_ =	shalt  }
0x62: {  	_ =	shalt  }
0x63: {  	_ =	shalt  }
0x64: {  	_ =	shalt  }
0x65: {  	_ =	shalt  }
0x66: {  	_ =	shalt  }
0x67: {  	_ =	shalt  }
0x68: {  	_ =	shalt  }
0x69: {  	_ =	shalt  }
0x6a: {  	_ =	shalt  }
0x6b: {  	_ =	shalt  }
0x6c: {  	_ =	shalt  }
0x6d: {  	_ =	shalt  }
0x6e: {  	_ =	shalt  }
0x6f: {  	_ =	shalt  }
0x70: {  	_ =	shalt  }
0x71: {  	_ =	shalt  }
0x72: {  	_ =	shalt  }
0x73: {  	_ =	shalt  }
0x74: {  	_ =	shalt  }
0x75: {  	_ =	shalt  }
0x76: {  	_ =	shalt  }
0x77: {  	_ =	shalt  }
0x78: {  	_ =	shalt  }
0x79: {  	_ =	shalt  }
0x7a: {  	_ =	shalt  }
0x7b: {  	_ =	shalt  }
0x7c: {  	_ =	shalt  }
0x7d: {  	_ =	shalt  }
0x7e: {  	_ =	shalt  }
0x7f: {  	_ =	shalt  }
0x80: {  	_ =	shalt  }
0x81: {  	_ =	shalt  }
0x82: {  	_ =	shalt  }
0x83: {  	_ =	shalt  }
0x84: {  	_ =	shalt  }
0x85: {  	_ =	shalt  }
0x86: {  	_ =	shalt  }
0x87: {  	_ =	shalt  }
.Lfunc_end0:
.L_simem_size_0:
called_computation.2_lowered:
.L_overlay_start_0:
0x88: {  	s2 =	sld [smem:$0x3FD9]  }
0x89: {  	s3 =	sld [smem:$0x3FFE];
	_ =	sdelay $0x1  }
0x8a: {  	s1 =	srdreg.scid  }
0x8b: {  	s0 =	sand.u32 $0x1, s1  }
0x8c: {  	s16 =	sshll.u32 s0, $0xA;
	s2 =	sadd.s32 s3, s2  }
0x8d: {  	s2 =	sadd.s32 s2, s16  }
0x8e: {  	[smem:$0x3FBD] =	sst s2  }
0x8f: {  	_ = 	snop  }
0x90: {  	(tm) =	ssettm $0x1  }
0x91: {  	s17 =	sld [smem:$0x3FFB];
	_ =	sdelay $0x3  }
0x92: {  	_ =	strace s17  }
0x93: {  	s2 =	sld [smem:$0x3FFC];
	_ =	sdelay $0x3  }
0x94: {  	_ =	strace s2  }
0x95: {  	s2 =	sld [smem:$0x3FFD];
	_ =	sdelay $0x3  }
0x96: {  	_ =	strace s2  }
0x97: {  	_ =	strace $0x8FFFFFFF  }
0x98: {  	s18 =	sld [smem:$0x3FDB];
	_ =	sdelay $0x1  }
0x99: {  	s19 =	simm.s32 $_scs_section_size  }
0x9a: {  	s4 =	simm.s32 $_size__tile_overlayer_lowered;
	s5 =	simm.s32 $_tile_overlayer_lowered  }
0x9b: {  	s22 =	simm.s32 $0x1BFF;
	s21 =	sshll.u32 s5, $0x1;
	s2 =	sadd.s32 s19, s18  }
0x9c: {  	s6 =	simm.s32 $0x0;
	s20 =	sshll.u32 s4, $0x1;
	s4 =	sadd.s32 s21, s2  }
0x9d: {  	[timem:s6], [sflag:s22] =	dma.local [hbm:s4], s20  }
0x9e: {  	_ =	swait.ge [sflag:s22], s20  }
0x9f: {  	s3 =	ssub.s32 $0x0, s20;
	[sflag:s22] =	ssyncset.done $0x0  }
0xa0: {  	[sflag:s22] =	ssyncadd.s32 s3;
	_ =	sdelay $0x1  }
0xa1: {  	s23 =	simm.s32 $0x1B8B  }
0xa2: {  	_ =	swait.ge [sflag:s23], $0x1  }
0xa3: {  	[sflag:s23] =	ssyncset.done $0x0  }
0xa4: {  	s25 =	simm.s32 $0x1B8E;
	s24 =	sld [smem:$0x3FFE];
	[sflag:s23] =	ssyncadd.s32 $0xFFFFFFFF  }
0xa5: {  	s26 =	simm.s32 $execute0_lowered;
	[smem:$0x3FD2] =	sst s25  }
0xa6: {  	s4 =	sshll.u32 s26, $0x1;
	_ =	strace $0x8000004C;
	[dreg:$0x1] =	wrdreg $0xFFFFFFFF  }
0xa7: {  	s28 =	simm.s32 $_size_execute0_lowered;
	s2 =	sadd.s32 s2, s4;
	[dreg:$0x0] =	wrdreg $0x0  }
0xa8: {  	s4 =	sshll.u32 s28, $0x1;
	[dreg:$0x2] =	wrdreg s2  }
0xa9: {  	[dreg:$0x3] =	wrdreg s4  }
0xaa: {  	[dreg:$0x4] =	wrdreg $0xC0  }
0xab: {  	_ =	task [dreg:s6], $0x5FFFF  }
0xac: {  	[dreg:$0x1] =	wrdreg $0xFFFFFFFF  }
0xad: {  	[dreg:$0x0] =	wrdreg $0x60  }
0xae: {  	[dreg:$0x2] =	wrdreg s24  }
0xaf: {  	[dreg:$0x3] =	wrdreg $0x9  }
0xb0: {  	_ =	task.clear_ibuf [dreg:s6], $0x4FFFF;
	_ =	strace $0x9000004C  }
0xb1: {  	s29 =	simm.s32 $0x9;
	_ =	strace $0x8000004E  }
0xb2: {  	_ =	swait.ge [sflag:s29], $0x1  }
0xb3: {  	[sflag:s29] =	ssyncadd.s32 $0xFFFFFFFF  }
0xb4: {  	_ =	strace $0x9000004E  }
0xb5: {  	_ =	sfence  }
0xb6: {  	s30 =	sld [smem:$0x0];
	_ =	sdelay $0x2  }
0xb7: {  	s31 =	sshll.u32 s1, $0xD;
	s1 =	sshrl.u32 s1, $0x2  }
0xb8: {  	s3 =	sand.u32 $0x4000, s31;
	s1 =	sadd.s32 s1, s30  }
0xb9: {  	s0 =	sor.u32 s3, s0;
	s1 =	sshll.u32 s1, $0x11  }
0xba: {  	s0 =	sor.u32 s1, s0  }
0xbb: {  	s0 =	sadd.s32 $0x8F2B, s0  }
0xbc: {  	[sflag:s0] =	ssyncadd.remote.s32 $0x1  }
0xbd: {  	_ =	sfence.sel $0xFFFF  }
0xbe: {  	[dreg:$0x0] =	wrdreg $0xFFFFFFFF;
	(pc) =	sbr.abs _section_cstart, $3  }
0xbf: {  	[dreg:$0x1] =	wrdreg $0xFFFFFFFF  }
0xc0: {  	_ =	task.clear_ibuf [dreg:s6], $0x2FFFF;
	_ =	strace $0x9FFFFFFF  }
0xc1: {  	(tm) =	ssettm $0x7FFFFFFF  }
tec
execute0_lowered:
.L_overlay_start_1:
0x0: {  	(tag) =	ssettag $0x1  }
0x1: {  	s1 =	srdreg.scid  }
0x2: {  	s0 =	stileid.u32;
	s4 =	rddreg [dreg:$0x0]  }
0x3: {  	s2 =	simm.s32 $0x0;
	s9 =	simm.s32 $0x1;
	s10 =	simm.s32 $0x2800  }
0x4: {  	s11 =	simm.s32 $0x5000;
	s12 =	simm.s32 $0x7C00;
	s13 =	simm.s32 $0xA800  }
0x5: {  	s14 =	simm.s32 $0x0;
	s3 =	sand.u32 $0x1, s1;
	s5 =	sshll.u32 s0, $0x1  }
0x6: {  	s1 =	rddreg [dreg:$0x1];
	s5 =	sor.u32 s3, s5;
	s6 =	ssub.s32 $0x2, s3  }
0x7: {  	[smem:$0x7FF] =	sst s2;
	s5 =	smul.u32 $0x580, s5;
	s31 =	sshrl.u32 s6, $0x1  }
0x8: {  	_ =	strace $0x8000004D;
	s3 =	sadd.s32 $0x17E00, s4;
	s8 =	ssub.s32 s6, s31  }
0x9: {  	s7 =	sadd.s32 s5, s4;
	s4 =	sadd.s32 $0x22A00, s4;
	s8 =	smax.u32 s8, $0x1  }
0xa: {  	s5 =	sadd.s32 $0xC1C00, s7;
	s6 =	sadd.s32 $0xC800, s7;
	s7 =	sadd.s32 $0x23000, s7  }
.LBB2_1:
0xb: {  	[tilespmem:s2], [sflag:$0x1] =	stream.linear.gather [hbm4b:s3+s2], $0x2800, $0x38;
	[tilespmem:$0xD400] =	vst v63  }
0xc: {  	_ =	swait.ge [sflag:s9], $0x2800  }
0xd: {  	[sflag:s9] =	ssyncset.done $0x0  }
0xe: {  	[sflag:s9] =	ssyncadd.s32 $0xFFFFD800  }
0xf: {  	[tilespmem:s10], [sflag:$0x1] =	stream.linear.gather [hbm4b:s4+s2], $0x2800, $0x38;
	[tilespmem:$0xD400] =	vst v63  }
0x10: {  	_ =	swait.ge [sflag:s9], $0x2800  }
0x11: {  	[sflag:s9] =	ssyncset.done $0x0  }
0x12: {  	[sflag:s9] =	ssyncadd.s32 $0xFFFFD800  }
0x13: {  	[tilespmem:s11], [sflag:$0x1] =	stream.linear.gather [hbm4b:s5+s2], $0x2880, $0x38;
	[tilespmem:$0xD400] =	vst v63  }
0x14: {  	_ =	swait.ge [sflag:s9], $0x2880  }
0x15: {  	[sflag:s9] =	ssyncset.done $0x0  }
0x16: {  	[sflag:s9] =	ssyncadd.s32 $0xFFFFD780  }
0x17: {  	[tilespmem:s12], [sflag:$0x1] =	stream.linear.gather [hbm4b:s6+s2], $0x2880, $0x38;
	[tilespmem:$0xD400] =	vst v63  }
0x18: {  	_ =	swait.ge [sflag:s9], $0x2880  }
0x19: {  	[sflag:s9] =	ssyncset.done $0x0  }
0x1a: {  	s15 =	simm.s32 $0x0;
	[sflag:s9] =	ssyncadd.s32 $0xFFFFD780  }
0x1b: {  	v0 =	vld [tilespmem:s15+$0x5000]  }
0x1c: {  	v1 =	vld [tilespmem:s15+$0x7C00];
	_ =	sdelay $0x6  }
0x1d: {  	v0 =	vld.idx.msk [tilespmem:v0+s2+$0x0], $0xffff  }
0x1e: {  	v1 =	vld.idx.msk [tilespmem:v1+s10+$0x0], $0xffff;
	_ =	sdelay $0x2  }
0x1f: {  	v2 =	vld [tilespmem:s15+$0x5010]  }
0x20: {  	v3 =	vld [tilespmem:s15+$0x7C10]  }
0x21: {  	v0 =	vadd.f32 v1, v0;
	_ =	sdelay $0x1  }
0x22: {  	v1 =	vmul.f32 $2.000000030e-01, v0;
	_ =	sdelay $0x1  }
0x23: {  	v0 =	vmax.f32 v0, v1  }
0x24: {  	[tilespmem:s15+$0xA800] =	vst v0  }
0x25: {  	v0 =	vld.idx.msk [tilespmem:v2+s2+$0x0], $0xffff  }
0x26: {  	v1 =	vld.idx.msk [tilespmem:v3+s10+$0x0], $0xffff;
	_ =	sdelay $0x2  }
0x27: {  	v2 =	vld [tilespmem:s15+$0x5020]  }
0x28: {  	v3 =	vld [tilespmem:s15+$0x7C20]  }
0x29: {  	v0 =	vadd.f32 v1, v0;
	_ =	sdelay $0x1  }
0x2a: {  	v1 =	vmul.f32 $2.000000030e-01, v0;
	_ =	sdelay $0x1  }
0x2b: {  	v0 =	vmax.f32 v0, v1  }
0x2c: {  	[tilespmem:s15+$0xA810] =	vst v0  }
0x2d: {  	v0 =	vld.idx.msk [tilespmem:v2+s2+$0x0], $0xffff  }
0x2e: {  	v1 =	vld.idx.msk [tilespmem:v3+s10+$0x0], $0xffff;
	_ =	sdelay $0x2  }
0x2f: {  	v2 =	vld [tilespmem:s15+$0x5030]  }
0x30: {  	v3 =	vld [tilespmem:s15+$0x7C30]  }
0x31: {  	v0 =	vadd.f32 v1, v0;
	_ =	sdelay $0x1  }
0x32: {  	v1 =	vmul.f32 $2.000000030e-01, v0;
	_ =	sdelay $0x1  }
0x33: {  	v0 =	vmax.f32 v0, v1  }
0x34: {  	[tilespmem:s15+$0xA820] =	vst v0  }
0x35: {  	v0 =	vld.idx.msk [tilespmem:v2+s2+$0x0], $0xffff  }
0x36: {  	v1 =	vld.idx.msk [tilespmem:v3+s10+$0x0], $0xffff;
	_ =	sdelay $0x2  }
0x37: {  	v2 =	vld [tilespmem:s15+$0x5040]  }
0x38: {  	v3 =	vld [tilespmem:s15+$0x7C40]  }
0x39: {  	v0 =	vadd.f32 v1, v0;
	_ =	sdelay $0x1  }
0x3a: {  	v1 =	vmul.f32 $2.000000030e-01, v0;
	_ =	sdelay $0x1  }
0x3b: {  	v0 =	vmax.f32 v0, v1  }
0x3c: {  	[tilespmem:s15+$0xA830] =	vst v0  }
0x3d: {  	v0 =	vld.idx.msk [tilespmem:v2+s2+$0x0], $0xffff  }
0x3e: {  	v1 =	vld.idx.msk [tilespmem:v3+s10+$0x0], $0xffff;
	_ =	sdelay $0x2  }
0x3f: {  	v2 =	vld [tilespmem:s15+$0x5050]  }
0x40: {  	v3 =	vld [tilespmem:s15+$0x7C50]  }
0x41: {  	v0 =	vadd.f32 v1, v0;
	_ =	sdelay $0x1  }
0x42: {  	v1 =	vmul.f32 $2.000000030e-01, v0;
	_ =	sdelay $0x1  }
0x43: {  	v0 =	vmax.f32 v0, v1  }
0x44: {  	[tilespmem:s15+$0xA840] =	vst v0  }
0x45: {  	v0 =	vld.idx.msk [tilespmem:v2+s2+$0x0], $0xffff  }
0x46: {  	v1 =	vld.idx.msk [tilespmem:v3+s10+$0x0], $0xffff;
	_ =	sdelay $0x2  }
0x47: {  	v2 =	vld [tilespmem:s15+$0x5060]  }
0x48: {  	v3 =	vld [tilespmem:s15+$0x7C60]  }
0x49: {  	v0 =	vadd.f32 v1, v0;
	_ =	sdelay $0x1  }
0x4a: {  	v1 =	vmul.f32 $2.000000030e-01, v0;
	_ =	sdelay $0x1  }
0x4b: {  	v0 =	vmax.f32 v0, v1  }
0x4c: {  	[tilespmem:s15+$0xA850] =	vst v0  }
0x4d: {  	v0 =	vld.idx.msk [tilespmem:v2+s2+$0x0], $0xffff  }
0x4e: {  	v1 =	vld.idx.msk [tilespmem:v3+s10+$0x0], $0xffff;
	_ =	sdelay $0x2  }
0x4f: {  	v2 =	vld [tilespmem:s15+$0x5070]  }
0x50: {  	v3 =	vld [tilespmem:s15+$0x7C70]  }
0x51: {  	v0 =	vadd.f32 v1, v0;
	_ =	sdelay $0x1  }
0x52: {  	v1 =	vmul.f32 $2.000000030e-01, v0;
	_ =	sdelay $0x1  }
0x53: {  	v0 =	vmax.f32 v0, v1  }
0x54: {  	[tilespmem:s15+$0xA860] =	vst v0  }
0x55: {  	v0 =	vld.idx.msk [tilespmem:v2+s2+$0x0], $0xffff  }
0x56: {  	s16 =	simm.s32 $0x200;
	s17 =	simm.s32 $0x400;
	v1 =	vld.idx.msk [tilespmem:v3+s10+$0x0], $0xffff  }
.LBB2_2:
0x57: {  	p0 =	sne.s32 s17, $0xA000  }
0x58: {  	s18 =	sshra.s32 s16, $0x2;
	s16 =	smov.u32 s17;
	s17 =	sadd.s32 $0x200, s17  }
0x59: {  	v2 =	vld [tilespmem:s18+$0x5000]  }
0x5a: {  	v3 =	vld [tilespmem:s18+$0x7C00]  }
0x5b: {  	v0 =	vadd.f32 v1, v0;
	_ =	sdelay $0x1  }
0x5c: {  	v1 =	vmul.f32 $2.000000030e-01, v0;
	_ =	sdelay $0x1  }
0x5d: {  	v0 =	vmax.f32 v0, v1  }
0x5e: {  	[tilespmem:s15+$0xA870] =	vst v0;
	s15 =	smov.u32 s18  }
0x5f: {  	v0 =	vld.idx.msk [tilespmem:v2+s2+$0x0], $0xffff  }
0x60: {  	v1 =	vld.idx.msk [tilespmem:v3+s10+$0x0], $0xffff;
	_ =	sdelay $0x2  }
0x61: {  	v2 =	vld [tilespmem:s15+$0x7C10]  }
0x62: {  	v3 =	vld [tilespmem:s15+$0x5010];
	_ =	sdelay $0x1  }
0x63: {  	v0 =	vadd.f32 v1, v0;
	_ =	sdelay $0x1  }
0x64: {  	v1 =	vmul.f32 $2.000000030e-01, v0;
	_ =	sdelay $0x1  }
0x65: {  	v0 =	vmax.f32 v0, v1  }
0x66: {  	[tilespmem:s15+$0xA800] =	vst v0  }
0x67: {  	v0 =	vld.idx.msk [tilespmem:v3+s2+$0x0], $0xffff  }
0x68: {  	v1 =	vld.idx.msk [tilespmem:v2+s10+$0x0], $0xffff;
	_ =	sdelay $0x2  }
0x69: {  	v2 =	vld [tilespmem:s15+$0x7C20]  }
0x6a: {  	v3 =	vld [tilespmem:s15+$0x5020];
	_ =	sdelay $0x1  }
0x6b: {  	v0 =	vadd.f32 v1, v0;
	_ =	sdelay $0x1  }
0x6c: {  	v1 =	vmul.f32 $2.000000030e-01, v0;
	_ =	sdelay $0x1  }
0x6d: {  	v0 =	vmax.f32 v0, v1  }
0x6e: {  	[tilespmem:s15+$0xA810] =	vst v0  }
0x6f: {  	v0 =	vld.idx.msk [tilespmem:v3+s2+$0x0], $0xffff  }
0x70: {  	v1 =	vld.idx.msk [tilespmem:v2+s10+$0x0], $0xffff;
	_ =	sdelay $0x2  }
0x71: {  	v2 =	vld [tilespmem:s15+$0x7C30]  }
0x72: {  	v3 =	vld [tilespmem:s15+$0x5030];
	_ =	sdelay $0x1  }
0x73: {  	v0 =	vadd.f32 v1, v0;
	_ =	sdelay $0x1  }
0x74: {  	v1 =	vmul.f32 $2.000000030e-01, v0;
	_ =	sdelay $0x1  }
0x75: {  	v0 =	vmax.f32 v0, v1  }
0x76: {  	[tilespmem:s15+$0xA820] =	vst v0  }
0x77: {  	v0 =	vld.idx.msk [tilespmem:v3+s2+$0x0], $0xffff  }
0x78: {  	v1 =	vld.idx.msk [tilespmem:v2+s10+$0x0], $0xffff;
	_ =	sdelay $0x2  }
0x79: {  	v2 =	vld [tilespmem:s15+$0x7C40]  }
0x7a: {  	v3 =	vld [tilespmem:s15+$0x5040];
	_ =	sdelay $0x1  }
0x7b: {  	v0 =	vadd.f32 v1, v0;
	_ =	sdelay $0x1  }
0x7c: {  	v1 =	vmul.f32 $2.000000030e-01, v0;
	_ =	sdelay $0x1  }
0x7d: {  	v0 =	vmax.f32 v0, v1  }
0x7e: {  	[tilespmem:s15+$0xA830] =	vst v0  }
0x7f: {  	v0 =	vld.idx.msk [tilespmem:v3+s2+$0x0], $0xffff  }
0x80: {  	v1 =	vld.idx.msk [tilespmem:v2+s10+$0x0], $0xffff;
	_ =	sdelay $0x2  }
0x81: {  	v2 =	vld [tilespmem:s15+$0x7C50]  }
0x82: {  	v3 =	vld [tilespmem:s15+$0x5050];
	_ =	sdelay $0x1  }
0x83: {  	v0 =	vadd.f32 v1, v0;
	_ =	sdelay $0x1  }
0x84: {  	v1 =	vmul.f32 $2.000000030e-01, v0;
	_ =	sdelay $0x1  }
0x85: {  	v0 =	vmax.f32 v0, v1  }
0x86: {  	[tilespmem:s15+$0xA840] =	vst v0  }
0x87: {  	v0 =	vld.idx.msk [tilespmem:v3+s2+$0x0], $0xffff  }
0x88: {  	v1 =	vld.idx.msk [tilespmem:v2+s10+$0x0], $0xffff;
	_ =	sdelay $0x2  }
0x89: {  	v2 =	vld [tilespmem:s15+$0x7C60]  }
0x8a: {  	v3 =	vld [tilespmem:s15+$0x5060];
	_ =	sdelay $0x1  }
0x8b: {  	v0 =	vadd.f32 v1, v0;
	_ =	sdelay $0x1  }
0x8c: {  	v1 =	vmul.f32 $2.000000030e-01, v0;
	_ =	sdelay $0x1  }
0x8d: {  	v0 =	vmax.f32 v0, v1  }
0x8e: {  	[tilespmem:s15+$0xA850] =	vst v0  }
0x8f: {  	v0 =	vld.idx.msk [tilespmem:v3+s2+$0x0], $0xffff  }
0x90: {  	v1 =	vld.idx.msk [tilespmem:v2+s10+$0x0], $0xffff;
	_ =	sdelay $0x2  }
0x91: {  	v2 =	vld [tilespmem:s15+$0x7C70]  }
0x92: {  	v3 =	vld [tilespmem:s15+$0x5070];
	_ =	sdelay $0x1  }
0x93: {  	v0 =	vadd.f32 v1, v0;
	_ =	sdelay $0x1  }
0x94: {  	v1 =	vmul.f32 $2.000000030e-01, v0  }
.Ltmp0:
0x95: {  	(pc) =	sbr.rel @p0 .LBB2_2-.Ltmp0, $4  }
0x96: {  	v0 =	vmax.f32 v0, v1  }
0x97: {  	[tilespmem:s15+$0xA860] =	vst v0  }
0x98: {  	v0 =	vld.idx.msk [tilespmem:v3+s2+$0x0], $0xffff  }
0x99: {  	v1 =	vld.idx.msk [tilespmem:v2+s10+$0x0], $0xffff  }
0x9a: {  	_ = 	snop  }
0x9b: {  	s16 =	sshra.s32 s16, $0x2  }
0x9c: {  	v2 =	vld [tilespmem:s16+$0x5000]  }
0x9d: {  	v3 =	vld [tilespmem:s16+$0x7C00]  }
0x9e: {  	v0 =	vadd.f32 v1, v0;
	_ =	sdelay $0x1  }
0x9f: {  	v1 =	vmul.f32 $2.000000030e-01, v0;
	_ =	sdelay $0x1  }
0xa0: {  	v0 =	vmax.f32 v0, v1  }
0xa1: {  	[tilespmem:s15+$0xA870] =	vst v0  }
0xa2: {  	v0 =	vld.idx.msk [tilespmem:v2+s2+$0x0], $0xffff  }
0xa3: {  	v42 =	vld.idx.msk [tilespmem:v3+s10+$0x0], $0xffff;
	_ =	sdelay $0x2  }
0xa4: {  	v43 =	vld [tilespmem:s16+$0x5010]  }
0xa5: {  	v44 =	vld [tilespmem:s16+$0x7C10]  }
0xa6: {  	v0 =	vadd.f32 v42, v0;
	_ =	sdelay $0x1  }
0xa7: {  	v1 =	vmul.f32 $2.000000030e-01, v0;
	_ =	sdelay $0x1  }
0xa8: {  	v0 =	vmax.f32 v0, v1  }
0xa9: {  	[tilespmem:s16+$0xA800] =	vst v0  }
0xaa: {  	v0 =	vld.idx.msk [tilespmem:v43+s2+$0x0], $0xffff  }
0xab: {  	v45 =	vld.idx.msk [tilespmem:v44+s10+$0x0], $0xffff;
	_ =	sdelay $0x2  }
0xac: {  	v46 =	vld [tilespmem:s16+$0x5020]  }
0xad: {  	v47 =	vld [tilespmem:s16+$0x7C20]  }
0xae: {  	v0 =	vadd.f32 v45, v0;
	_ =	sdelay $0x1  }
0xaf: {  	v1 =	vmul.f32 $2.000000030e-01, v0;
	_ =	sdelay $0x1  }
0xb0: {  	v0 =	vmax.f32 v0, v1  }
0xb1: {  	[tilespmem:s16+$0xA810] =	vst v0  }
0xb2: {  	v0 =	vld.idx.msk [tilespmem:v46+s2+$0x0], $0xffff  }
0xb3: {  	v48 =	vld.idx.msk [tilespmem:v47+s10+$0x0], $0xffff;
	_ =	sdelay $0x2  }
0xb4: {  	v49 =	vld [tilespmem:s16+$0x5030]  }
0xb5: {  	v50 =	vld [tilespmem:s16+$0x7C30]  }
0xb6: {  	v0 =	vadd.f32 v48, v0;
	_ =	sdelay $0x1  }
0xb7: {  	v1 =	vmul.f32 $2.000000030e-01, v0;
	_ =	sdelay $0x1  }
0xb8: {  	v0 =	vmax.f32 v0, v1  }
0xb9: {  	[tilespmem:s16+$0xA820] =	vst v0  }
0xba: {  	v0 =	vld.idx.msk [tilespmem:v49+s2+$0x0], $0xffff  }
0xbb: {  	v51 =	vld.idx.msk [tilespmem:v50+s10+$0x0], $0xffff;
	_ =	sdelay $0x2  }
0xbc: {  	v52 =	vld [tilespmem:s16+$0x5040]  }
0xbd: {  	v53 =	vld [tilespmem:s16+$0x7C40]  }
0xbe: {  	v0 =	vadd.f32 v51, v0;
	_ =	sdelay $0x1  }
0xbf: {  	v1 =	vmul.f32 $2.000000030e-01, v0;
	_ =	sdelay $0x1  }
0xc0: {  	v0 =	vmax.f32 v0, v1  }
0xc1: {  	[tilespmem:s16+$0xA830] =	vst v0  }
0xc2: {  	v0 =	vld.idx.msk [tilespmem:v52+s2+$0x0], $0xffff  }
0xc3: {  	v54 =	vld.idx.msk [tilespmem:v53+s10+$0x0], $0xffff;
	_ =	sdelay $0x2  }
0xc4: {  	v55 =	vld [tilespmem:s16+$0x5050]  }
0xc5: {  	v56 =	vld [tilespmem:s16+$0x7C50]  }
0xc6: {  	v0 =	vadd.f32 v54, v0;
	_ =	sdelay $0x1  }
0xc7: {  	v1 =	vmul.f32 $2.000000030e-01, v0;
	_ =	sdelay $0x1  }
0xc8: {  	v0 =	vmax.f32 v0, v1  }
0xc9: {  	[tilespmem:s16+$0xA840] =	vst v0  }
0xca: {  	v0 =	vld.idx.msk [tilespmem:v55+s2+$0x0], $0xffff  }
0xcb: {  	v57 =	vld.idx.msk [tilespmem:v56+s10+$0x0], $0xffff;
	_ =	sdelay $0x2  }
0xcc: {  	v58 =	vld [tilespmem:s16+$0x5060]  }
0xcd: {  	v59 =	vld [tilespmem:s16+$0x7C60]  }
0xce: {  	v0 =	vadd.f32 v57, v0;
	_ =	sdelay $0x1  }
0xcf: {  	v1 =	vmul.f32 $2.000000030e-01, v0;
	_ =	sdelay $0x1  }
0xd0: {  	v0 =	vmax.f32 v0, v1  }
0xd1: {  	[tilespmem:s16+$0xA850] =	vst v0  }
0xd2: {  	v0 =	vld.idx.msk [tilespmem:v58+s2+$0x0], $0xffff  }
0xd3: {  	v60 =	vld.idx.msk [tilespmem:v59+s10+$0x0], $0xffff;
	_ =	sdelay $0x2  }
0xd4: {  	v61 =	vld [tilespmem:s16+$0x5070]  }
0xd5: {  	v62 =	vld [tilespmem:s16+$0x7C70]  }
0xd6: {  	v0 =	vadd.f32 v60, v0;
	_ =	sdelay $0x1  }
0xd7: {  	v1 =	vmul.f32 $2.000000030e-01, v0;
	_ =	sdelay $0x1  }
0xd8: {  	v0 =	vmax.f32 v0, v1  }
0xd9: {  	[tilespmem:s16+$0xA860] =	vst v0  }
0xda: {  	v0 =	vld.idx.msk [tilespmem:v61+s2+$0x0], $0xffff  }
0xdb: {  	v63 =	vld.idx.msk [tilespmem:v62+s10+$0x0], $0xffff;
	_ =	sdelay $0x4  }
0xdc: {  	v0 =	vadd.f32 v63, v0;
	_ =	sdelay $0x1  }
0xdd: {  	v1 =	vmul.f32 $2.000000030e-01, v0  }
0xde: {  	s14 =	sadd.s32 $0x1, s14  }
0xdf: {  	p0 =	sne.s32 s14, s8;
	v0 =	vmax.f32 v0, v1  }
.Ltmp1:
0xe0: {  	[tilespmem:s16+$0xA870] =	vst v0;
	(pc) =	sbr.rel @p0 .LBB2_1-.Ltmp1, $4  }
0xe1: {  	[hbm4b:s7+s2] =	stream.linear.scatter [tilespmem:s13], [sflag:$0x1], $0x2880, $0x38;
	[tilespmem:$0xD400] =	vst v63  }
0xe2: {  	_ =	swait.ge [sflag:s9], $0x2880  }
0xe3: {  	[sflag:s9] =	ssyncset.done $0x0  }
0xe4: {  	[sflag:s9] =	ssyncadd.s32 $0xFFFFD780  }
0xe5: {  	_ =	sfence.sel $0x180000  }
0xe6: {  	[bflag:$0x0] =	sbarrier.arrive $0xFFFF  }
0xe7: {  	p0 =	sne.s32 s0, $0x0;
	_ =	strace $0x9000004D  }
0xe8: {  	s0 =	sadd.s32 @!p0 $0x100000, s1;
	[bflag:$0x2] =	sbarrier.arrive $0xFFFF  }
0xe9: {  	[sflag:s0] =	ssyncadd.tile.s32 @!p0 $0x1;
	_ =	shalt  }
.Lfunc_end2:
_tile_overlayer_lowered:
.L_overlay_start_2:
0xea: {  	(tag) =	ssettag $0x2  }
0xeb: {  	s0 =	rddreg [dreg:$0x0];
	s2 =	stileid.u32  }
0xec: {  	s1 =	rddreg [dreg:$0x1];
	p0 =	sne.s32 s2, $0x0  }
0xed: {  	s3 =	rddreg [dreg:$0x2];
	[bflag:$0x3] =	sbarrier.arrive $0xFFFF;
	s2 =	simm.s32 @!p0 $0x1C01  }
0xee: {  	[timem:s3], [sflag:s2] =	dma.local @!p0 [hbm:s0], s1  }
0xef: {  	s0 =	simm.s32 @!p0 $0x1  }
0xf0: {  	_ =	swait.ge @!p0 [sflag:s0], s1  }
0xf1: {  	s1 =	ssub.s32 @!p0 $0x0, s1;
	[sflag:s0] =	ssyncset.done @!p0 $0x0  }
0xf2: {  	[sflag:s0] =	ssyncadd.s32 @!p0 s1  }
0xf3: {  	[bflag:$0x3] =	sbarrier.arrive $0xFFFF  }
0xf4: {  	_ =	shalt  }

// kernel: kernel.19.cloned.1.call-start
scs
__scs_entry_jumppad:
0x0: {  	(pc) =	sbr.rel $0x88, $3  }
0x1: {  	(tag) =	ssettag $0x0;
	lr =	simm.s32 $0x1  }
0x2: {  	[smem:$0x3F96] =	sst lr;
	_ =	strace $0xD0000000  }
0x3: {  	_ = 	snop  }
0x4: {  	_ = 	snop  }
0x5: {  	_ = 	snop  }
0x6: {  	_ = 	snop  }
0x7: {  	_ = 	snop  }
__scs_overlays_trampoline_lowered:
0x8: {  	[smem:$0x3FA5] =	sst s0  }
0x9: {  	[smem:$0x3FA6] =	sst s1  }
0xa: {  	[smem:$0x3FA7] =	sst s2  }
0xb: {  	[smem:$0x3FA8] =	sst s3  }
0xc: {  	[smem:$0x3FA9] =	sst s4  }
0xd: {  	[smem:$0x3FAA] =	sst s5  }
0xe: {  	[smem:$0x3FAB] =	sst s6  }
0xf: {  	[smem:$0x3FAC] =	sst s7  }
0x10: {  	[smem:$0x3FAD] =	sst s8  }
0x11: {  	[smem:$0x3FAE] =	sst s9;
	s0 =	simm.s32 @!p0 $0x0  }
0x12: {  	s1 =	sld [smem:$0x3F94];
	s0 =	simm.s32 @p0 $0x1  }
0x13: {  	[smem:$0x3FAF] =	sst s0;
	s0 =	simm.s32 @!p1 $0x0  }
0x14: {  	s2 =	sld [smem:$0x3F93];
	s0 =	simm.s32 @p1 $0x1  }
0x15: {  	[smem:$0x3FB0] =	sst s0;
	s0 =	simm.s32 @!p2 $0x0  }
0x16: {  	s3 =	sld [smem:$0x3FDB];
	s0 =	simm.s32 @p2 $0x1  }
0x17: {  	s4 =	simm.s32 $0x1BF5;
	[smem:$0x3FB2] =	sst s0  }
0x18: {  	s0 =	sld [smem:$0x3F95];
	_ =	swait.ge [sflag:s4], $0x0  }
0x19: {  	s7 =	sld [smem:$0x3F96]  }
0x1a: {  	s8 =	sadd.s32 $0xFFFFE003, lr  }
0x1b: {  	s9 =	sadd.s32 $0xFFFFFEF7, lr;
	s5 =	simm.s32 $0xFFFFFFFF;
	p2 =	slt.u32 s8, $0xFFFFF086  }
0x1c: {  	p1 =	slt.u32 s9, $0xF7A;
	s5 =	simm.s32 @!p2 $0x0  }
0x1d: {  	s5 =	simm.s32 @p1 $0x1;
	p0 =	seq.s32 s7, s2  }
0x1e: {  	s7 =	smul.u32 @!p0 $0xF7A, s2;
	p2 =	seq.s32 @!p0 s5, $0x0  }
0x1f: {  	s9 =	smul.u32 $0xF7A, s1;
	s8 =	simm.s32 @!p0 $0x1BF5;
	p2 =	por !p2, p0  }
0x20: {  	[sflag:s8] =	ssyncset.s32 @!p0 $0xFFFFF086;
	s6 =	sadd.s32 @!p0 s3, s7;
	s7 =	simm.s32 @!p0 $0x108  }
0x21: {  	s3 =	sadd.s32 s3, s9;
	s6 =	sadd.s32 @!p0 $0x88, s6;
	s7 =	simm.s32 @p2 $0x1082  }
0x22: {  	[simem:s7], [sflag:s8] =	dma.local @!p0 [hbm:s6], $0xF7A  }
0x23: {  	s9 =	sor.u32 $0xD0000000, s2;
	s6 =	simm.s32 $0x108;
	_ =	swait.ge @!p0 [sflag:s8], $0x0  }
0x24: {  	s3 =	sadd.s32 $0x88, s3;
	s6 =	simm.s32 @!p1 $0x1082;
	[sflag:s4] =	ssyncset.s32 $0xFFFFF086  }
0x25: {  	[simem:s6], [sflag:s4] =	dma.local [hbm:s3], $0xF7A  }
0x26: {  	[smem:$0x3F96] =	sst s1;
	(tag) =	ssettag s2;
	_ =	strace s9  }
0x27: {  	s1 =	sld [smem:$0x3FA6]  }
0x28: {  	s2 =	sld [smem:$0x3FA7]  }
0x29: {  	s4 =	sld [smem:$0x3FA9]  }
0x2a: {  	p0 =	seq.s32 s5, $0x0;
	s5 =	sld [smem:$0x3FAA]  }
0x2b: {  	s6 =	sld [smem:$0x3FAB]  }
0x2c: {  	s7 =	sld [smem:$0x3FAC]  }
0x2d: {  	s3 =	simm.s32 $0x108;
	s8 =	sld [smem:$0x3FAD]  }
0x2e: {  	s3 =	simm.s32 @!p0 $0x1082;
	s9 =	sld [smem:$0x3FAE]  }
0x2f: {  	lr =	sadd.s32 s0, s3;
	s0 =	sld [smem:$0x3FA5]  }
0x30: {  	s3 =	sld [smem:$0x3FA8]  }
0x31: {  	[smem:$0x3FB1] =	sst s10  }
0x32: {  	s10 =	sld [smem:$0x3FAF];
	_ =	sdelay $0x3  }
0x33: {  	p0 =	seq.s32 s10, $0x1;
	s10 =	sld [smem:$0x3FB1];
	_ =	sdelay $0x3  }
0x34: {  	[smem:$0x3FB1] =	sst s10  }
0x35: {  	s10 =	sld [smem:$0x3FB0];
	_ =	sdelay $0x3  }
0x36: {  	p1 =	seq.s32 s10, $0x1;
	s10 =	sld [smem:$0x3FB1];
	_ =	sdelay $0x3  }
0x37: {  	[smem:$0x3FB1] =	sst s10  }
0x38: {  	s10 =	sld [smem:$0x3FB2]  }
0x39: {  	_ = 	snop;
	(pc) =	sbr.ind lr, $3  }
0x3a: {  	_ = 	snop  }
0x3b: {  	_ = 	snop  }
0x3c: {  	p2 =	seq.s32 s10, $0x1;
	s10 =	sld [smem:$0x3FB1]  }
0x3d: {  	_ =	shalt  }
0x3e: {  	_ =	shalt  }
0x3f: {  	_ =	shalt  }
0x40: {  	_ =	shalt  }
0x41: {  	_ =	shalt  }
0x42: {  	_ =	shalt  }
0x43: {  	_ =	shalt  }
0x44: {  	_ =	shalt  }
0x45: {  	_ =	shalt  }
0x46: {  	_ =	shalt  }
0x47: {  	_ =	shalt  }
0x48: {  	_ =	shalt  }
0x49: {  	_ =	shalt  }
0x4a: {  	_ =	shalt  }
0x4b: {  	_ =	shalt  }
0x4c: {  	_ =	shalt  }
0x4d: {  	_ =	shalt  }
0x4e: {  	_ =	shalt  }
0x4f: {  	_ =	shalt  }
0x50: {  	_ =	shalt  }
0x51: {  	_ =	shalt  }
0x52: {  	_ =	shalt  }
0x53: {  	_ =	shalt  }
0x54: {  	_ =	shalt  }
0x55: {  	_ =	shalt  }
0x56: {  	_ =	shalt  }
0x57: {  	_ =	shalt  }
0x58: {  	_ =	shalt  }
0x59: {  	_ =	shalt  }
0x5a: {  	_ =	shalt  }
0x5b: {  	_ =	shalt  }
0x5c: {  	_ =	shalt  }
0x5d: {  	_ =	shalt  }
0x5e: {  	_ =	shalt  }
0x5f: {  	_ =	shalt  }
0x60: {  	_ =	shalt  }
0x61: {  	_ =	shalt  }
0x62: {  	_ =	shalt  }
0x63: {  	_ =	shalt  }
0x64: {  	_ =	shalt  }
0x65: {  	_ =	shalt  }
0x66: {  	_ =	shalt  }
0x67: {  	_ =	shalt  }
0x68: {  	_ =	shalt  }
0x69: {  	_ =	shalt  }
0x6a: {  	_ =	shalt  }
0x6b: {  	_ =	shalt  }
0x6c: {  	_ =	shalt  }
0x6d: {  	_ =	shalt  }
0x6e: {  	_ =	shalt  }
0x6f: {  	_ =	shalt  }
0x70: {  	_ =	shalt  }
0x71: {  	_ =	shalt  }
0x72: {  	_ =	shalt  }
0x73: {  	_ =	shalt  }
0x74: {  	_ =	shalt  }
0x75: {  	_ =	shalt  }
0x76: {  	_ =	shalt  }
0x77: {  	_ =	shalt  }
0x78: {  	_ =	shalt  }
0x79: {  	_ =	shalt  }
0x7a: {  	_ =	shalt  }
0x7b: {  	_ =	shalt  }
0x7c: {  	_ =	shalt  }
0x7d: {  	_ =	shalt  }
0x7e: {  	_ =	shalt  }
0x7f: {  	_ =	shalt  }
0x80: {  	_ =	shalt  }
0x81: {  	_ =	shalt  }
0x82: {  	_ =	shalt  }
0x83: {  	_ =	shalt  }
0x84: {  	_ =	shalt  }
0x85: {  	_ =	shalt  }
0x86: {  	_ =	shalt  }
0x87: {  	_ =	shalt  }
.Lfunc_end0:
.L_simem_size_0:
called_computation.3_lowered:
.L_overlay_start_0:
0x88: {  	s2 =	sld [smem:$0x3FD9]  }
0x89: {  	s3 =	sld [smem:$0x3FFE];
	_ =	sdelay $0x1  }
0x8a: {  	s1 =	srdreg.scid  }
0x8b: {  	s0 =	sand.u32 $0x1, s1  }
0x8c: {  	s16 =	sshll.u32 s0, $0xA;
	s2 =	sadd.s32 s3, s2  }
0x8d: {  	s2 =	sadd.s32 s2, s16  }
0x8e: {  	[smem:$0x3FBD] =	sst s2  }
0x8f: {  	_ = 	snop  }
0x90: {  	(tm) =	ssettm $0x1  }
0x91: {  	s17 =	sld [smem:$0x3FFB];
	_ =	sdelay $0x3  }
0x92: {  	_ =	strace s17  }
0x93: {  	s2 =	sld [smem:$0x3FFC];
	_ =	sdelay $0x3  }
0x94: {  	_ =	strace s2  }
0x95: {  	s2 =	sld [smem:$0x3FFD];
	_ =	sdelay $0x3  }
0x96: {  	_ =	strace s2  }
0x97: {  	_ =	strace $0x8FFFFFFF  }
0x98: {  	s18 =	sld [smem:$0x3FDB];
	_ =	sdelay $0x1  }
0x99: {  	s19 =	simm.s32 $_scs_section_size  }
0x9a: {  	s4 =	simm.s32 $_size__tile_overlayer_lowered;
	s5 =	simm.s32 $_tile_overlayer_lowered  }
0x9b: {  	s22 =	simm.s32 $0x1BFF;
	s21 =	sshll.u32 s5, $0x1;
	s2 =	sadd.s32 s19, s18  }
0x9c: {  	s6 =	simm.s32 $0x0;
	s20 =	sshll.u32 s4, $0x1;
	s4 =	sadd.s32 s21, s2  }
0x9d: {  	[timem:s6], [sflag:s22] =	dma.local [hbm:s4], s20  }
0x9e: {  	_ =	swait.ge [sflag:s22], s20  }
0x9f: {  	s3 =	ssub.s32 $0x0, s20;
	[sflag:s22] =	ssyncset.done $0x0  }
0xa0: {  	[sflag:s22] =	ssyncadd.s32 s3;
	_ =	sdelay $0x1  }
0xa1: {  	s23 =	simm.s32 $0x1B8B  }
0xa2: {  	_ =	swait.ge [sflag:s23], $0x1  }
0xa3: {  	[sflag:s23] =	ssyncset.done $0x0  }
0xa4: {  	s25 =	simm.s32 $0x1B8E;
	s24 =	sld [smem:$0x3FFE];
	[sflag:s23] =	ssyncadd.s32 $0xFFFFFFFF  }
0xa5: {  	s26 =	simm.s32 $execute0_lowered;
	[smem:$0x3FD2] =	sst s25  }
0xa6: {  	s4 =	sshll.u32 s26, $0x1;
	_ =	strace $0x8000004F;
	[dreg:$0x1] =	wrdreg $0xFFFFFFFF  }
0xa7: {  	s28 =	simm.s32 $_size_execute0_lowered;
	s2 =	sadd.s32 s2, s4;
	[dreg:$0x0] =	wrdreg $0x0  }
0xa8: {  	s4 =	sshll.u32 s28, $0x1;
	[dreg:$0x2] =	wrdreg s2  }
0xa9: {  	[dreg:$0x3] =	wrdreg s4  }
0xaa: {  	[dreg:$0x4] =	wrdreg $0xC0  }
0xab: {  	_ =	task [dreg:s6], $0x5FFFF  }
0xac: {  	[dreg:$0x1] =	wrdreg $0xFFFFFFFF  }
0xad: {  	[dreg:$0x0] =	wrdreg $0x60  }
0xae: {  	[dreg:$0x2] =	wrdreg s24  }
0xaf: {  	[dreg:$0x3] =	wrdreg $0x0  }
0xb0: {  	[dreg:$0x4] =	wrdreg $0x140000  }
0xb1: {  	[dreg:$0x5] =	wrdreg $0x9  }
0xb2: {  	_ =	task.clear_ibuf [dreg:s6], $0x6FFFF;
	_ =	strace $0x9000004F  }
0xb3: {  	s29 =	simm.s32 $0x9;
	_ =	strace $0x80000051  }
0xb4: {  	_ =	swait.ge [sflag:s29], $0x1  }
0xb5: {  	[sflag:s29] =	ssyncadd.s32 $0xFFFFFFFF  }
0xb6: {  	_ =	strace $0x90000051  }
0xb7: {  	_ =	sfence  }
0xb8: {  	s30 =	sld [smem:$0x0];
	_ =	sdelay $0x2  }
0xb9: {  	s31 =	sshll.u32 s1, $0xD;
	s1 =	sshrl.u32 s1, $0x2  }
0xba: {  	s3 =	sand.u32 $0x4000, s31;
	s1 =	sadd.s32 s1, s30  }
0xbb: {  	s0 =	sor.u32 s3, s0;
	s1 =	sshll.u32 s1, $0x11  }
0xbc: {  	s0 =	sor.u32 s1, s0  }
0xbd: {  	s0 =	sadd.s32 $0x8F2B, s0  }
0xbe: {  	[sflag:s0] =	ssyncadd.remote.s32 $0x1  }
0xbf: {  	_ =	sfence.sel $0xFFFF  }
0xc0: {  	[dreg:$0x0] =	wrdreg $0xFFFFFFFF;
	(pc) =	sbr.abs _section_cstart, $3  }
0xc1: {  	[dreg:$0x1] =	wrdreg $0xFFFFFFFF  }
0xc2: {  	_ =	task.clear_ibuf [dreg:s6], $0x2FFFF;
	_ =	strace $0x9FFFFFFF  }
0xc3: {  	(tm) =	ssettm $0x7FFFFFFF  }
tec
execute0_lowered:
.L_overlay_start_1:
0x0: {  	(tag) =	ssettag $0x1  }
0x1: {  	s9 =	rddreg [dreg:$0x0]  }
0x2: {  	s1 =	rddreg [dreg:$0x1]  }
0x3: {  	s3 =	rddreg [dreg:$0x2];
	s4 =	simm.s32 $0x0;
	s2 =	stileid.u32  }
0x4: {  	s5 =	srdreg.scid;
	s21 =	simm.s32 $0x80;
	s22 =	simm.s32 $0x14400  }
0x5: {  	s23 =	simm.s32 $0x14380;
	s24 =	simm.s32 $0x1;
	s10 =	smul.u32 $0x14000, s2  }
0x6: {  	[smem:$0x7FF] =	sst s4;
	s11 =	smul.u32 $0x280, s2;
	s12 =	sand.u32 $0x1, s5  }
0x7: {  	s5 =	sadd.s32 $0x71C00, s9;
	s6 =	sadd.s32 $0xC800, s9;
	s7 =	sadd.s32 $0x18800, s9  }
0x8: {  	s8 =	sadd.s32 $0x2600, s9;
	s18 =	smul.u32 $0x50000, s2;
	s29 =	sshll.u32 s2, $0x1  }
0x9: {  	s31 =	sshll.u32 s2, $0x6;
	_ =	strace $0x80000050;
	s13 =	smul.u32 $0x140000, s12  }
0xa: {  	s25 =	smul.u32 $0x2800, s12;
	s28 =	ssub.s32 $0x2, s12;
	s12 =	sor.u32 s12, s29  }
0xb: {  	s14 =	sshrl.u32 s10, $0x3;
	s15 =	sshrl.u32 s11, $0x3;
	s17 =	sshrl.u32 s28, $0x1  }
0xc: {  	s30 =	sshrl.u32 s18, $0x2;
	s20 =	sadd.s32 s11, s3;
	s12 =	smul.u32 $0x51, s12  }
0xd: {  	s10 =	sadd.s32 s10, s13;
	s14 =	sadd.s32 s14, s9;
	s15 =	sadd.s32 s15, s9  }
0xe: {  	s26 =	sadd.s32 s11, s25;
	s17 =	ssub.s32 s28, s17;
	s18 =	sadd.s32 s30, s1  }
0xf: {  	s10 =	sshrl.u32 s10, $0x3;
	s11 =	sadd.s32 $0x17800, s15;
	s15 =	smax.u32 s17, $0x1  }
0x10: {  	s17 =	simm.s32 $0x2;
	s16 =	sadd.s32 s10, s9;
	s10 =	sshrl.u32 s26, $0x3  }
0x11: {  	s19 =	sadd.s32 s10, s9;
	s9 =	sadd.s32 $0x49C00, s14;
	s10 =	sor.u32 $0x1C02, s31  }
0x12: {  	s13 =	sadd.s32 $0x99C00, s16;
	s16 =	sshrl.u32 s18, $0x3;
	s18 =	sshrl.u32 s20, $0x3  }
0x13: {  	s20 =	simm.s32 $0x14300;
	s14 =	sadd.s32 $0x17E00, s19;
	s19 =	simm.s32 $0x14280  }
.LBB2_1:
0x14: {  	[spmem:s16], [sflag:s10] =	dma.local [hbm:s9], $0x2800  }
0x15: {  	_ =	swait.ge [sflag:s17], $0x2800  }
0x16: {  	[sflag:s17] =	ssyncset.done $0x0  }
0x17: {  	[sflag:s17] =	ssyncadd.s32 $0xFFFFD800  }
0x18: {  	[spmem:s18], [sflag:s10] =	dma.local [hbm:s11], $0x50  }
0x19: {  	_ =	swait.ge [sflag:s17], $0x50  }
0x1a: {  	[sflag:s17] =	ssyncset.done $0x0  }
0x1b: {  	[sflag:s17] =	ssyncadd.s32 $0xFFFFFFB0  }
0x1c: {  	s25 =	simm.s32 $0x0;
	[bflag:$0x0] =	sbarrier.arrive $0xFFFF  }
.LBB2_2:
0x1d: {  	s26 =	sadd.s32 s12, s25  }
0x1e: {  	s26 =	sshll.u32 s26, $0x4  }
0x1f: {  	s28 =	simm.s32 $0x0;
	s29 =	sadd.s32 s7, s26  }
0x20: {  	[tilespmem:s19], [sflag:$0x2] =	stream.linear.gather [hbm4b:s29+s28], $0x80, $0x38;
	[tilespmem:$0x18400] =	vst v63  }
0x21: {  	_ =	swait.ge [sflag:s17], $0x80  }
0x22: {  	[sflag:s17] =	ssyncset.done $0x0  }
0x23: {  	s29 =	sadd.s32 s8, s26;
	[sflag:s17] =	ssyncadd.s32 $0xFFFFFF80  }
0x24: {  	[tilespmem:s20], [sflag:$0x2] =	stream.linear.gather [hbm4b:s29+s28], $0x80, $0x38;
	[tilespmem:$0x18400] =	vst v63  }
0x25: {  	_ =	swait.ge [sflag:s17], $0x80  }
0x26: {  	[sflag:s17] =	ssyncset.done $0x0  }
0x27: {  	[sflag:s17] =	ssyncadd.s32 $0xFFFFFF80  }
0x28: {  	[tilespmem:s22], [sflag:$0x1] =	stream.indirect.gather [hbm4b:s5+s21], $0x80, s19, s21, $0xb8;
	[tilespmem:$0x18400] =	vst v63  }
0x29: {  	s26 =	sadd.s32 s6, s26  }
0x2a: {  	[tilespmem:s23], [sflag:$0x2] =	stream.linear.gather [hbm4b:s26+s28], $0x80, $0x38;
	[tilespmem:$0x18400] =	vst v63  }
0x2b: {  	_ =	swait.ge [sflag:s17], $0x80  }
0x2c: {  	[sflag:s17] =	ssyncset.done $0x0  }
0x2d: {  	[sflag:s17] =	ssyncadd.s32 $0xFFFFFF80  }
0x2e: {  	v0 =	vmov s28;
	[spmem:s3] =	stream.indirect.scatter.add.f32 [tilespmem:s23], [sflag:$0x2], $0x1, s20, s21, $0xb8;
	[tilespmem:$0x18400] =	vst v63  }
0x2f: {  	v0 =	vand.u32 $0xFFFFFFFC, v0;
	_ =	swait.ge [sflag:s17], $0x80  }
0x30: {  	v0 =	vbroadcast v0, $0x0;
	[sflag:s17] =	ssyncset.done $0x0  }
0x31: {  	[sflag:s17] =	ssyncadd.s32 $0xFFFFFF80  }
0x32: {  	_ =	swait.ge [sflag:s24], $0x4000  }
0x33: {  	[sflag:s24] =	ssyncset.done $0x0  }
0x34: {  	s26 =	simm.s32 $0x14500;
	[sflag:s24] =	ssyncadd.s32 $0xFFFFC000  }
0x35: {  	v1 =	vld [tilespmem:s26+$0xFFFFFF70]  }
0x36: {  	v0 =	vld.idx.msk [tilespmem:v0+s23+$0x0], $0xffff  }
0x37: {  	v2 =	vld [tilespmem:s26+$0xFFFFFF00]  }
0x38: {  	v3 =	vld [tilespmem:s26+$0xFFFFFF20]  }
0x39: {  	v4 =	vld [tilespmem:s26+$0xFFFFFF50]  }
0x3a: {  	v5 =	vld [tilespmem:s26+$0xFFFFFF40]  }
0x3b: {  	v6 =	vld [tilespmem:s26+$0xFFFFFF60];
	v1 =	vmul.f32 v1, v0  }
0x3c: {  	s29 =	simm.s32 $0x1;
	v7 =	vld [tilespmem:s26+$0xFFFFFF30];
	v2 =	vmul.f32 v2, v0  }
0x3d: {  	v8 =	vld [tilespmem:s26+$0xFFFFFF10];
	v3 =	vmul.f32 v3, v0;
	[tilespmem:s26+$0xFFFFFF70] =	vst v1;
	v1 =	vmov s29  }
0x3e: {  	v4 =	vmul.f32 v4, v0;
	[tilespmem:s26+$0xFFFFFF00] =	vst v2;
	v1 =	vand.u32 $0xFFFFFFFD, v1  }
0x3f: {  	v2 =	vmul.f32 v5, v0;
	[tilespmem:s26+$0xFFFFFF20] =	vst v3;
	v1 =	vbroadcast v1, $0x0  }
0x40: {  	v3 =	vmul.f32 v6, v0;
	[tilespmem:s26+$0xFFFFFF50] =	vst v4  }
0x41: {  	v4 =	vmul.f32 v7, v0;
	[tilespmem:s26+$0xFFFFFF40] =	vst v2  }
0x42: {  	v0 =	vmul.f32 v8, v0;
	[tilespmem:s26+$0xFFFFFF60] =	vst v3  }
0x43: {  	[tilespmem:s26+$0xFFFFFF30] =	vst v4  }
0x44: {  	[tilespmem:s26+$0xFFFFFF10] =	vst v0;
	v0 =	vld [tilespmem:s26+$0xFFFFFF90]  }
0x45: {  	v2 =	vld.idx.msk [tilespmem:v1+s23+$0x0], $0xffff  }
0x46: {  	v1 =	vld [tilespmem:s26+$0xFFFFFFA0]  }
0x47: {  	v3 =	vld [tilespmem:s26+$0xFFFFFF80]  }
0x48: {  	v4 =	vld [tilespmem:s26+$0xFFFFFFB0]  }
0x49: {  	v5 =	vld [tilespmem:s26+$0xFFFFFFC0]  }
0x4a: {  	v6 =	vld [tilespmem:s26+$0xFFFFFFD0];
	v0 =	vmul.f32 v0, v2  }
0x4b: {  	v7 =	vld [tilespmem:s26+$0xFFFFFFF0];
	s29 =	simm.s32 $0x2;
	v1 =	vmul.f32 v1, v2  }
0x4c: {  	v8 =	vld [tilespmem:s26+$0xFFFFFFE0];
	v3 =	vmul.f32 v3, v2;
	[tilespmem:s26+$0xFFFFFF90] =	vst v0;
	v0 =	vmov s29  }
0x4d: {  	v4 =	vmul.f32 v4, v2;
	[tilespmem:s26+$0xFFFFFFA0] =	vst v1;
	v0 =	vand.u32 $0xFFFFFFFE, v0  }
0x4e: {  	v1 =	vmul.f32 v5, v2;
	[tilespmem:s26+$0xFFFFFF80] =	vst v3;
	v5 =	vld [tilespmem:s26+$0x60];
	v9 =	vbroadcast v0, $0x0  }
0x4f: {  	v3 =	vmul.f32 v6, v2;
	[tilespmem:s26+$0xFFFFFFB0] =	vst v4;
	v6 =	vld [tilespmem:s26+$0x0]  }
0x50: {  	v4 =	vmul.f32 v7, v2;
	v0 =	vld [tilespmem:s26+$0x20];
	[tilespmem:s26+$0xFFFFFFC0] =	vst v1  }
0x51: {  	v2 =	vmul.f32 v8, v2;
	v1 =	vld [tilespmem:s26+$0x30];
	[tilespmem:s26+$0xFFFFFFD0] =	vst v3  }
0x52: {  	[tilespmem:s26+$0xFFFFFFF0] =	vst v4;
	v3 =	vld [tilespmem:s26+$0x40]  }
0x53: {  	[tilespmem:s26+$0xFFFFFFE0] =	vst v2;
	v4 =	vld [tilespmem:s26+$0x10]  }
0x54: {  	s30 =	simm.s32 $0x14500;
	s29 =	simm.s32 $0x4;
	v2 =	vld.idx.msk [tilespmem:v9+s23+$0x0], $0xffff  }
.LBB2_3:
0x55: {  	p0 =	sne.s32 s29, $0x7C  }
0x56: {  	v7 =	vld [tilespmem:s26+$0x50];
	s30 =	sadd.s32 $0x200, s30;
	s31 =	smov.u32 s29;
	s29 =	sadd.s32 $0x4, s29  }
0x57: {  	v8 =	vld [tilespmem:s26+$0x70];
	_ =	sdelay $0x1  }
0x58: {  	v5 =	vmul.f32 v5, v2;
	v6 =	vmul.f32 v6, v2  }
0x59: {  	v3 =	vmul.f32 v3, v2;
	v4 =	vmul.f32 v4, v2  }
0x5a: {  	v0 =	vmul.f32 v0, v2;
	v1 =	vmul.f32 v1, v2;
	[tilespmem:s26+$0x60] =	vst v5  }
0x5b: {  	[tilespmem:s26+$0x40] =	vst v3;
	v3 =	vmul.f32 v7, v2;
	v2 =	vmul.f32 v8, v2  }
0x5c: {  	s0 =	sadd.s32 $0x3, s28;
	s28 =	smov.u32 s31;
	[tilespmem:s26+$0x20] =	vst v0;
	v5 =	vld [tilespmem:s26+$0x80]  }
0x5d: {  	v0 =	vld [tilespmem:s30+$0x20];
	[tilespmem:s26+$0x0] =	vst v6;
	v6 =	vmov s0  }
0x5e: {  	[tilespmem:s26+$0x50] =	vst v3;
	v3 =	vld [tilespmem:s26+$0xE0]  }
0x5f: {  	[tilespmem:s26+$0x30] =	vst v1;
	v7 =	vld [tilespmem:s26+$0xC0]  }
0x60: {  	v1 =	vld [tilespmem:s30+$0x30];
	[tilespmem:s26+$0x10] =	vst v4  }
0x61: {  	[tilespmem:s26+$0x70] =	vst v2;
	v2 =	vld [tilespmem:s26+$0xA0]  }
0x62: {  	v4 =	vld.idx.msk [tilespmem:v6+s23+$0x0], $0xffff  }
0x63: {  	v6 =	vld [tilespmem:s26+$0x90]  }
0x64: {  	v8 =	vld [tilespmem:s26+$0xB0]  }
0x65: {  	v9 =	vld [tilespmem:s26+$0xD0]  }
0x66: {  	v10 =	vld [tilespmem:s26+$0xF0];
	_ =	sdelay $0x1  }
0x67: {  	v5 =	vmul.f32 v5, v4;
	v6 =	vmul.f32 v6, v4  }
0x68: {  	v2 =	vmul.f32 v2, v4;
	v8 =	vmul.f32 v8, v4  }
0x69: {  	v11 =	vmov s28;
	[tilespmem:s26+$0x80] =	vst v5;
	v5 =	vmul.f32 v7, v4;
	v7 =	vmul.f32 v9, v4  }
0x6a: {  	v9 =	vand.u32 $0xFFFFFFFC, v11;
	[tilespmem:s26+$0xA0] =	vst v2;
	v2 =	vmul.f32 v3, v4;
	v3 =	vmul.f32 v10, v4  }
0x6b: {  	v4 =	vbroadcast v9, $0x0;
	[tilespmem:s26+$0xC0] =	vst v5  }
0x6c: {  	[tilespmem:s26+$0xF0] =	vst v3  }
0x6d: {  	v3 =	vld [tilespmem:s30+$0xFFFFFF40];
	[tilespmem:s26+$0xE0] =	vst v2  }
0x6e: {  	v2 =	vld [tilespmem:s30+$0xFFFFFF50];
	[tilespmem:s26+$0x90] =	vst v6  }
0x6f: {  	v5 =	vld [tilespmem:s30+$0xFFFFFF60];
	[tilespmem:s26+$0xB0] =	vst v8  }
0x70: {  	v6 =	vld [tilespmem:s30+$0xFFFFFF70];
	[tilespmem:s26+$0xD0] =	vst v7;
	s26 =	smov.u32 s30  }
0x71: {  	v4 =	vld.idx.msk [tilespmem:v4+s23+$0x0], $0xffff  }
0x72: {  	v7 =	vld [tilespmem:s30+$0xFFFFFF00]  }
0x73: {  	v8 =	vld [tilespmem:s30+$0xFFFFFF20]  }
0x74: {  	v9 =	vld [tilespmem:s30+$0xFFFFFF10]  }
0x75: {  	v10 =	vld [tilespmem:s30+$0xFFFFFF30];
	_ =	sdelay $0x1  }
0x76: {  	v6 =	vmul.f32 v6, v4;
	v7 =	vmul.f32 v7, v4  }
0x77: {  	s0 =	sadd.s32 $0x1, s28;
	v5 =	vmul.f32 v5, v4;
	v8 =	vmul.f32 v8, v4  }
0x78: {  	v2 =	vmul.f32 v2, v4;
	v9 =	vmul.f32 v9, v4;
	[tilespmem:s30+$0xFFFFFF70] =	vst v6;
	v6 =	vmov s0  }
0x79: {  	v3 =	vmul.f32 v3, v4;
	[tilespmem:s30+$0xFFFFFF00] =	vst v7;
	v7 =	vmul.f32 v10, v4;
	v4 =	vand.u32 $0xFFFFFFFD, v6  }
0x7a: {  	[tilespmem:s30+$0xFFFFFF20] =	vst v8;
	v4 =	vbroadcast v4, $0x0  }
0x7b: {  	[tilespmem:s30+$0xFFFFFF50] =	vst v2  }
0x7c: {  	[tilespmem:s30+$0xFFFFFF40] =	vst v3;
	v2 =	vld [tilespmem:s30+$0xFFFFFFF0]  }
0x7d: {  	[tilespmem:s30+$0xFFFFFF60] =	vst v5;
	v3 =	vld [tilespmem:s30+$0xFFFFFFC0]  }
0x7e: {  	[tilespmem:s30+$0xFFFFFF30] =	vst v7;
	v5 =	vld [tilespmem:s30+$0xFFFFFFD0]  }
0x7f: {  	[tilespmem:s30+$0xFFFFFF10] =	vst v9;
	v6 =	vld [tilespmem:s30+$0xFFFFFF90]  }
0x80: {  	v4 =	vld.idx.msk [tilespmem:v4+s23+$0x0], $0xffff  }
0x81: {  	v7 =	vld [tilespmem:s30+$0xFFFFFF80]  }
0x82: {  	v8 =	vld [tilespmem:s30+$0xFFFFFFA0]  }
0x83: {  	v9 =	vld [tilespmem:s30+$0xFFFFFFB0]  }
0x84: {  	v10 =	vld [tilespmem:s30+$0xFFFFFFE0];
	_ =	sdelay $0x1  }
0x85: {  	v6 =	vmul.f32 v6, v4;
	v7 =	vmul.f32 v7, v4  }
0x86: {  	s0 =	sadd.s32 $0x2, s28;
	v5 =	vmul.f32 v5, v4;
	v8 =	vmul.f32 v8, v4  }
0x87: {  	v3 =	vmul.f32 v3, v4;
	[tilespmem:s30+$0xFFFFFF90] =	vst v6;
	v6 =	vmul.f32 v9, v4;
	v9 =	vmov s0  }
0x88: {  	v2 =	vmul.f32 v2, v4;
	[tilespmem:s30+$0xFFFFFFA0] =	vst v8;
	v8 =	vmul.f32 v10, v4;
	v4 =	vand.u32 $0xFFFFFFFE, v9  }
0x89: {  	[tilespmem:s30+$0xFFFFFF80] =	vst v7;
	v4 =	vbroadcast v4, $0x0  }
0x8a: {  	[tilespmem:s30+$0xFFFFFFB0] =	vst v6  }
0x8b: {  	[tilespmem:s30+$0xFFFFFFC0] =	vst v3  }
0x8c: {  	[tilespmem:s30+$0xFFFFFFD0] =	vst v5  }
.Ltmp0:
0x8d: {  	[tilespmem:s30+$0xFFFFFFF0] =	vst v2;
	v3 =	vld [tilespmem:s30+$0x40];
	(pc) =	sbr.rel @p0 .LBB2_3-.Ltmp0, $4  }
0x8e: {  	[tilespmem:s30+$0xFFFFFFE0] =	vst v8;
	v5 =	vld [tilespmem:s30+$0x60]  }
0x8f: {  	v2 =	vld.idx.msk [tilespmem:v4+s23+$0x0], $0xffff  }
0x90: {  	v6 =	vld [tilespmem:s30+$0x0]  }
0x91: {  	v4 =	vld [tilespmem:s30+$0x10]  }
0x92: {  	_ =	sdelay $0x1  }
0x93: {  	v5 =	vmul.f32 v5, v2  }
0x94: {  	v7 =	vld [tilespmem:s26+$0x50];
	v3 =	vmul.f32 v3, v2  }
0x95: {  	v8 =	vld [tilespmem:s26+$0x70];
	v0 =	vmul.f32 v0, v2;
	[tilespmem:s26+$0x60] =	vst v5  }
0x96: {  	v48 =	vmul.f32 v1, v2;
	[tilespmem:s26+$0x40] =	vst v3  }
0x97: {  	s0 =	sadd.s32 $0x3, s28;
	v46 =	vmul.f32 v6, v2;
	[tilespmem:s26+$0x20] =	vst v0  }
0x98: {  	v50 =	vmov s0;
	v4 =	vmul.f32 v4, v2;
	[tilespmem:s26+$0x30] =	vst v48  }
0x99: {  	v47 =	vmul.f32 v7, v2;
	[tilespmem:s26+$0x0] =	vst v46  }
0x9a: {  	v51 =	vmul.f32 v8, v2;
	[tilespmem:s26+$0x10] =	vst v4  }
0x9b: {  	[tilespmem:s26+$0x50] =	vst v47  }
0x9c: {  	v49 =	vld [tilespmem:s26+$0x80];
	[tilespmem:s26+$0x70] =	vst v51  }
0x9d: {  	v0 =	vld.idx.msk [tilespmem:v50+s23+$0x0], $0xffff  }
0x9e: {  	v52 =	vld [tilespmem:s26+$0xA0]  }
0x9f: {  	v53 =	vld [tilespmem:s26+$0xC0]  }
0xa0: {  	v54 =	vld [tilespmem:s26+$0xF0]  }
0xa1: {  	v55 =	vld [tilespmem:s26+$0xE0]  }
0xa2: {  	v56 =	vld [tilespmem:s26+$0x90];
	v1 =	vmul.f32 v49, v0  }
0xa3: {  	v57 =	vld [tilespmem:s26+$0xB0];
	v2 =	vmul.f32 v52, v0  }
0xa4: {  	v58 =	vld [tilespmem:s26+$0xD0];
	v59 =	vmul.f32 v53, v0;
	[tilespmem:s26+$0x80] =	vst v1  }
0xa5: {  	v60 =	vmul.f32 v54, v0;
	[tilespmem:s26+$0xA0] =	vst v2  }
0xa6: {  	v61 =	vmul.f32 v55, v0;
	[tilespmem:s26+$0xC0] =	vst v59  }
0xa7: {  	v62 =	vmul.f32 v56, v0;
	[tilespmem:s26+$0xF0] =	vst v60  }
0xa8: {  	v63 =	vmul.f32 v57, v0;
	[tilespmem:s26+$0xE0] =	vst v61  }
0xa9: {  	s25 =	sadd.s32 $0x1, s25;
	v0 =	vmul.f32 v58, v0;
	[tilespmem:s26+$0x90] =	vst v62  }
0xaa: {  	p0 =	sne.s32 s25, $0x51;
	[tilespmem:s26+$0xB0] =	vst v63  }
.Ltmp1:
0xab: {  	[tilespmem:s26+$0xD0] =	vst v0;
	(pc) =	sbr.rel @p0 .LBB2_2-.Ltmp1, $4  }
0xac: {  	[spmem:s1] =	stream.indirect.scatter.add.f32 [tilespmem:s22], [sflag:$0x2], $0x80, s20, s21, $0xb8;
	[tilespmem:$0x18400] =	vst v63  }
0xad: {  	_ =	swait.ge [sflag:s17], $0x4000  }
0xae: {  	[sflag:s17] =	ssyncset.done $0x0  }
0xaf: {  	[sflag:s17] =	ssyncadd.s32 $0xFFFFC000  }
0xb0: {  	[bflag:$0x0] =	sbarrier.arrive $0xFFFF  }
0xb1: {  	[hbm:s13], [sflag:s10] =	dma.local [spmem:s16], $0x2800  }
0xb2: {  	s4 =	sadd.s32 $0x1, s4;
	_ =	swait.ge [sflag:s17], $0x2800  }
0xb3: {  	p0 =	sne.s32 s4, s15;
	[sflag:s17] =	ssyncset.done $0x0  }
.Ltmp2:
0xb4: {  	[sflag:s17] =	ssyncadd.s32 $0xFFFFD800;
	(pc) =	sbr.rel @p0 .LBB2_1-.Ltmp2, $4  }
0xb5: {  	[hbm:s14], [sflag:s10] =	dma.local [spmem:s18], $0x50  }
0xb6: {  	_ =	swait.ge [sflag:s17], $0x50  }
0xb7: {  	[sflag:s17] =	ssyncset.done $0x0  }
0xb8: {  	[sflag:s17] =	ssyncadd.s32 $0xFFFFFFB0  }
0xb9: {  	_ =	sfence.sel $0x180000  }
0xba: {  	[bflag:$0x0] =	sbarrier.arrive $0xFFFF  }
0xbb: {  	_ =	strace $0x90000050  }
0xbc: {  	[bflag:$0x2] =	sbarrier.arrive $0xFFFF  }
0xbd: {  	p0 =	sne.s32 s2, $0x0;
	s0 =	rddreg [dreg:$0x3]  }
0xbe: {  	s0 =	sadd.s32 @!p0 $0x100000, s0  }
0xbf: {  	[sflag:s0] =	ssyncadd.tile.s32 @!p0 $0x1;
	_ =	shalt  }
.Lfunc_end2:
_tile_overlayer_lowered:
.L_overlay_start_2:
0xc0: {  	(tag) =	ssettag $0x2  }
0xc1: {  	s0 =	rddreg [dreg:$0x0];
	s2 =	stileid.u32  }
0xc2: {  	s1 =	rddreg [dreg:$0x1];
	p0 =	sne.s32 s2, $0x0  }
0xc3: {  	s3 =	rddreg [dreg:$0x2];
	[bflag:$0x3] =	sbarrier.arrive $0xFFFF;
	s2 =	simm.s32 @!p0 $0x1C02  }
0xc4: {  	[timem:s3], [sflag:s2] =	dma.local @!p0 [hbm:s0], s1  }
0xc5: {  	s0 =	simm.s32 @!p0 $0x2  }
0xc6: {  	_ =	swait.ge @!p0 [sflag:s0], s1  }
0xc7: {  	s1 =	ssub.s32 @!p0 $0x0, s1;
	[sflag:s0] =	ssyncset.done @!p0 $0x0  }
0xc8: {  	[sflag:s0] =	ssyncadd.s32 @!p0 s1  }
0xc9: {  	[bflag:$0x3] =	sbarrier.arrive $0xFFFF  }
0xca: {  	_ =	shalt  }

</sc_bundles>
